<compile_context>
chip_gen: v7x
topology: tpu7x:2x2x1
jax: 0.10.2.dev20260603
libtpu: 0.0.44.dev20260713+nightly
codegen_flags: <defaults>
</compile_context>

<pallas_src>
import functools

import jax
import jax.numpy as jnp
from jax import lax
from jax.experimental import pallas as pl
from jax.experimental.pallas import tpu as pltpu
from jax.experimental.pallas import tpu_sc as plsc

N = 10000
G = 256
EG = 320000
SDIM = 256
NA = 16
NB = 5

NBLK = 256
NPAD = 10240
NNB = NPAD // NBLK

NC = 2
NS = 16
NW = NC * NS
EB = 64
EPW = 10240
EGP = NW * EPW
ECH = EPW // EB
TBWI = 128
CHT = EGP // EB
CH0 = 240
CH1 = CHT // NS - CH0
CHM = max(CH0, CH1)

EBLK = 2048
NEB = EGP // EBLK



def _mean_body(pos_ref, batch_ref, mean_ref, acc_ref):
    i = pl.program_id(0)
    bcol = batch_ref[...]
    gids = lax.broadcasted_iota(jnp.int32, (NBLK, G), 1)
    onehot = (bcol == gids).astype(jnp.float32)
    ext = jnp.concatenate(
        [pos_ref[...], jnp.ones((NBLK, 1), jnp.float32)], axis=1)
    contrib = lax.dot_general(onehot, ext, (((0,), (0,)), ((), ())),
                              preferred_element_type=jnp.float32)

    @pl.when(i == 0)
    def _():
        acc_ref[...] = contrib

    @pl.when(i > 0)
    def _():
        acc_ref[...] = acc_ref[...] + contrib

    @pl.when(i == NNB - 1)
    def _():
        acc = acc_ref[...]
        mean_ref[...] = acc / jnp.maximum(acc[:, 3:4], 1.0)


def _graph_mean(pos_pad, batch_col):
    return pl.pallas_call(
        _mean_body,
        grid=(NNB,),
        in_specs=[
            pl.BlockSpec((NBLK, 3), lambda i: (i, 0)),
            pl.BlockSpec((NBLK, 1), lambda i: (i, 0)),
        ],
        out_specs=pl.BlockSpec((G, 4), lambda i: (0, 0)),
        out_shape=jax.ShapeDtypeStruct((G, 4), jnp.float32),
        scratch_shapes=[pltpu.VMEM((G, 4), jnp.float32)],
    )(pos_pad, batch_col)


def _pack_bf16_pair(a, b):
    ba = jax.lax.bitcast_convert_type(a, jnp.int32)
    bb = jax.lax.bitcast_convert_type(b, jnp.int32)
    ra = ba + 0x7FFF + ((ba >> 16) & 1)
    rb = bb + 0x7FFF + ((bb >> 16) & 1)
    return (ra & jnp.int32(-65536)) | ((rb >> 16) & jnp.int32(0xFFFF))



def _node_body(pos_ref, batch_ref, x_ref, mean_ref, t_ref,
               wti_ref, bti_ref, wat_ref, bat_ref, wa2_ref, ba2_ref,
               wsh_ref, bsh_ref, wb0_ref, wal_ref, bal_ref,
               posc_ref, tab_ref, at_ref):
    bcol = batch_ref[...]
    gids = lax.broadcasted_iota(jnp.int32, (NBLK, G), 1)
    onehot = (bcol == gids).astype(jnp.float32)

    mean3 = mean_ref[...][:, 0:3]
    posc = pos_ref[...] - jnp.dot(onehot, mean3,
                                  preferred_element_type=jnp.float32)
    posc_ref[...] = posc

    temb = t_ref[...] * wti_ref[...] + bti_ref[...]
    tnode = jnp.dot(onehot, temb, preferred_element_type=jnp.float32)

    s = jnp.dot(x_ref[...], wat_ref[...],
                preferred_element_type=jnp.float32) + bat_ref[...]
    s = jnp.dot(s + tnode, wa2_ref[...],
                preferred_element_type=jnp.float32) + ba2_ref[...]
    sh = jax.nn.silu(jnp.dot(s, wsh_ref[...],
                             preferred_element_type=jnp.float32) + bsh_ref[...])

    u = jnp.dot(sh, wb0_ref[...], preferred_element_type=jnp.float32)
    tab_ref[...] = _pack_bf16_pair(u[:, 0:TBWI], u[:, TBWI:SDIM])
    at_ref[...] = jnp.dot(sh, wal_ref[...],
                          preferred_element_type=jnp.float32) + bal_ref[...]


def _node_dense(pos_pad, batch_col, x_pad, mean4, t,
                W_time, b_time, W_atom, b_atom, W_at, b_at,
                W_sh, b_sh, W_b0c, W_al, b_al):
    full = lambda r, c: pl.BlockSpec((r, c), lambda i: (0, 0))
    return pl.pallas_call(
        _node_body,
        grid=(NNB,),
        in_specs=[
            pl.BlockSpec((NBLK, 3), lambda i: (i, 0)),
            pl.BlockSpec((NBLK, 1), lambda i: (i, 0)),
            pl.BlockSpec((NBLK, NA), lambda i: (i, 0)),
            full(G, 4), full(G, 1),
            full(1, SDIM), full(1, SDIM),
            full(NA, SDIM), full(1, SDIM),
            full(SDIM, SDIM), full(1, SDIM),
            full(SDIM, SDIM), full(1, SDIM),
            full(SDIM, SDIM),
            full(SDIM, 2 * NA), full(1, 2 * NA),
        ],
        out_specs=[
            pl.BlockSpec((NBLK, 3), lambda i: (i, 0)),
            pl.BlockSpec((NBLK, TBWI), lambda i: (i, 0)),
            pl.BlockSpec((NBLK, 2 * NA), lambda i: (i, 0)),
        ],
        out_shape=[
            jax.ShapeDtypeStruct((NPAD, 3), jnp.float32),
            jax.ShapeDtypeStruct((NPAD, TBWI), jnp.int32),
            jax.ShapeDtypeStruct((NPAD, 2 * NA), jnp.float32),
        ],
    )(pos_pad, batch_col, x_pad, mean4, t,
      W_time.reshape(1, SDIM), b_time.reshape(1, SDIM),
      W_atom, b_atom.reshape(1, SDIM), W_at, b_at.reshape(1, SDIM),
      W_sh, b_sh.reshape(1, SDIM), W_b0c, W_al, b_al.reshape(1, 2 * NA))



def _edge_sc_body(cidx_hbm, tab_hbm, px_hbm, py_hbm, pz_hbm,
                  usum_hbm, ssq_hbm,
                  idx_v, rows_a, rows_b, ob_a, ob_b, sq_a, sq_b,
                  px_v, py_v, pz_v, semga, semgb, semwa, semwb):
    c = lax.axis_index("c")
    s = lax.axis_index("s")
    mych = lax.select(c == 0, jnp.int32(CH0), jnp.int32(CH1))
    bchunk = lax.select(c == 0, s * CH0, NS * CH0 + s * CH1)
    pltpu.sync_copy(cidx_hbm.at[pl.ds(bchunk * 2 * EB, CHM * 2 * EB)], idx_v)
    pltpu.sync_copy(px_hbm, px_v)
    pltpu.sync_copy(py_hbm, py_v)
    pltpu.sync_copy(pz_hbm, pz_v)
    ebase = bchunk * EB

    def fire_gather(t, buf, sem):
        pltpu.async_copy(tab_hbm.at[idx_v.at[pl.ds(t * 2 * EB, 2 * EB)]],
                         buf, sem)

    def wait_gather(buf, sem):
        pltpu.make_async_copy(
            tab_hbm.at[idx_v.at[pl.ds(0, 2 * EB)]], buf, sem).wait()

    def wait_write(ob, sq, sem):
        pltpu.make_async_copy(ob, usum_hbm.at[pl.ds(ebase, EB)], sem).wait()
        pltpu.make_async_copy(sq, ssq_hbm.at[pl.ds(ebase, EB)], sem).wait()

    def compute(t, buf, ob, sq):
        @plsc.parallel_loop(0, EB, unroll=2)
        def _(e):
            for k in range(TBWI // 16):
                sl = pl.ds(k * 16, 16)
                a = plsc.bitcast(buf[e, sl], jnp.bfloat16)
                b = plsc.bitcast(buf[EB + e, sl], jnp.bfloat16)
                ob[e, sl] = plsc.bitcast(a + b, jnp.int32)

        for g in range(EB // 16):
            si = idx_v[pl.ds(t * 2 * EB + g * 16, 16)]
            di = idx_v[pl.ds(t * 2 * EB + EB + g * 16, 16)]
            dx = plsc.load_gather(px_v, [si]) - plsc.load_gather(px_v, [di])
            dy = plsc.load_gather(py_v, [si]) - plsc.load_gather(py_v, [di])
            dz = plsc.load_gather(pz_v, [si]) - plsc.load_gather(pz_v, [di])
            sq[pl.ds(g * 16, 16)] = dx * dx + dy * dy + dz * dz

    def write_out(t, ob, sq, sem):
        pltpu.async_copy(ob, usum_hbm.at[pl.ds(ebase + t * EB, EB)], sem)
        pltpu.async_copy(sq, ssq_hbm.at[pl.ds(ebase + t * EB, EB)], sem)

    fire_gather(0, rows_a, semga)
    npair = mych // 2

    def pair(tt, carry):
        t0 = 2 * tt
        t1 = t0 + 1

        @pl.when(tt > 0)
        def _():
            wait_write(ob_b, sq_b, semwb)
        fire_gather(t1, rows_b, semgb)
        wait_gather(rows_a, semga)
        compute(t0, rows_a, ob_a, sq_a)
        write_out(t0, ob_a, sq_a, semwa)
        wait_gather(rows_b, semgb)
        wait_write(ob_a, sq_a, semwa)

        @pl.when(tt < npair - 1)
        def _():
            fire_gather(t0 + 2, rows_a, semga)
        compute(t1, rows_b, ob_b, sq_b)
        write_out(t1, ob_b, sq_b, semwb)
        return carry

    lax.fori_loop(0, npair, pair, 0)
    wait_write(ob_b, sq_b, semwb)


def _edge_gather(cidx, tab, px, py, pz):
    mesh = plsc.VectorSubcoreMesh(core_axis_name="c", subcore_axis_name="s")
    f = functools.partial(
        pl.kernel, _edge_sc_body, mesh=mesh,
        compiler_params=pltpu.CompilerParams(needs_layout_passes=False),
        out_type=[
            jax.ShapeDtypeStruct((EGP, TBWI), jnp.int32),
            jax.ShapeDtypeStruct((EGP,), jnp.float32),
        ],
        scratch_types=[
            pltpu.VMEM((CHM * 2 * EB,), jnp.int32),
            pltpu.VMEM((2 * EB, TBWI), jnp.int32),
            pltpu.VMEM((2 * EB, TBWI), jnp.int32),
            pltpu.VMEM((EB, TBWI), jnp.int32),
            pltpu.VMEM((EB, TBWI), jnp.int32),
            pltpu.VMEM((EB,), jnp.float32),
            pltpu.VMEM((EB,), jnp.float32),
            pltpu.VMEM((NPAD,), jnp.float32),
            pltpu.VMEM((NPAD,), jnp.float32),
            pltpu.VMEM((NPAD,), jnp.float32),
            pltpu.SemaphoreType.DMA,
            pltpu.SemaphoreType.DMA,
            pltpu.SemaphoreType.DMA,
            pltpu.SemaphoreType.DMA,
        ],
    )()
    return f(cidx, tab, px, py, pz)



def _bond_body(usum_ref, ssq_ref, wdh_ref, wdl_ref, bbh_ref, bbl_ref,
               wb1h_ref, wb1l_ref, bb1_ref, out_ref):
    w = usum_ref[...]
    hi = jax.lax.bitcast_convert_type(w & jnp.int32(-65536), jnp.float32)
    lo = jax.lax.bitcast_convert_type(w << 16, jnp.float32)
    d = jnp.sqrt(ssq_ref[...])
    hh = jax.nn.silu(hi + d * wdh_ref[...] + bbh_ref[...])
    hl = jax.nn.silu(lo + d * wdl_ref[...] + bbl_ref[...])
    out_ref[...] = (
        jnp.dot(hh, wb1h_ref[...], preferred_element_type=jnp.float32)
        + jnp.dot(hl, wb1l_ref[...], preferred_element_type=jnp.float32)
        + bb1_ref[...])


def _bond_tail(usum, ssq2, wd, bb0, wb1p, bb1p):
    full = lambda r, c: pl.BlockSpec((r, c), lambda i: (0, 0))
    return pl.pallas_call(
        _bond_body,
        grid=(NEB,),
        in_specs=[
            pl.BlockSpec((EBLK, TBWI), lambda i: (i, 0)),
            pl.BlockSpec((EBLK, 1), lambda i: (i, 0)),
            full(1, TBWI), full(1, TBWI),
            full(1, TBWI), full(1, TBWI),
            full(TBWI, 16), full(TBWI, 16), full(1, 16),
        ],
        out_specs=pl.BlockSpec((EBLK, 16), lambda i: (i, 0)),
        out_shape=jax.ShapeDtypeStruct((EGP, 16), jnp.float32),
    )(usum, ssq2, wd[:, 0:TBWI], wd[:, TBWI:SDIM],
      bb0[:, 0:TBWI], bb0[:, TBWI:SDIM],
      wb1p[0:TBWI, :], wb1p[TBWI:SDIM, :], bb1p)



def kernel(x, t, pos, edge_index_local, edge_index_global, edge_attr_global,
           batch, batch_edge_global, W_time, b_time, W_atom, b_atom, W_at,
           b_at, W_sh, b_sh, W_b0, b_b0, W_b1, b_b1, W_co, W_al, b_al):
    pos_pad = jnp.pad(pos, ((0, NPAD - N), (0, 0)))
    x_pad = jnp.pad(x, ((0, NPAD - N), (0, 0)))
    batch_col = jnp.pad(batch, (0, NPAD - N),
                        constant_values=G).reshape(NPAD, 1)

    mean4 = _graph_mean(pos_pad, batch_col)
    posc_pad, tab, at = _node_dense(
        pos_pad, batch_col, x_pad, mean4, t,
        W_time, b_time, W_atom, b_atom, W_at, b_at,
        W_sh, b_sh, W_b0[:SDIM, :], W_al, b_al)

    src_idx = jnp.pad(edge_index_global[0], (0, EGP - EG))
    dst_idx = jnp.pad(edge_index_global[1], (0, EGP - EG))
    cht = EGP // EB
    cidx = jnp.stack([src_idx.reshape(cht, EB),
                      dst_idx.reshape(cht, EB)], axis=1).reshape(2 * EGP)
    cidx = jnp.pad(cidx, (0, CHM * 2 * EB))

    usum, ssq = _edge_gather(cidx, tab, posc_pad[:, 0],
                             posc_pad[:, 1], posc_pad[:, 2])

    bonds = _bond_tail(usum, ssq.reshape(EGP, 1),
                       W_b0[SDIM:SDIM + 1, :], b_b0.reshape(1, SDIM),
                       jnp.pad(W_b1, ((0, 0), (0, 16 - 2 * NB))),
                       jnp.pad(b_b1, (0, 16 - 2 * NB)).reshape(1, 16))

    pos_c = posc_pad[:N]
    coords_pred = pos_c
    coords_eps = jnp.zeros((N, 3), jnp.float32)
    atoms_eps = at[:N, :NA]
    atoms_pred = at[:N, NA:]
    bonds_pred = bonds[:EG, :NB]
    bonds_eps = bonds[:EG, NB:2 * NB]
    return (coords_pred, coords_eps, atoms_pred, atoms_eps,
            bonds_pred, bonds_eps, pos_c, x, edge_attr_global)

# --- scband reference (transcript-rebuilt; emitter-appended) ---
"""Pipeline reference for scband-score-model-se3-new-50749333569957 (READ-ONLY COPY).

The authoritative reference and input builder live on the scoring server;
editing this copy changes nothing except your own understanding.
"""

import jax, jax.numpy as jnp
import numpy as np

N = 10000; G = 256; EL = 160000; EG = 320000; SDIM = 256; VDIM = 64; NA = 16; NB = 5


def setup_inputs(seed: int = 0) -> dict:
    key = jax.random.key(seed)
    ks = jax.random.split(key, 32)
    inp = {}
    inp['x'] = jax.random.uniform(ks[0], (N, NA), jnp.float32)
    inp['t'] = jax.random.uniform(ks[1], (G, 1), jnp.float32)
    inp['pos'] = jax.random.normal(ks[2], (N, 3), jnp.float32)
    inp['edge_index_local'] = jax.random.randint(ks[3], (2, EL), 0, N, jnp.int32)
    inp['edge_index_global'] = jax.random.randint(ks[4], (2, EG), 0, N, jnp.int32)
    inp['edge_attr_global'] = jax.random.normal(ks[5], (EG, NB), jnp.float32)
    inp['batch'] = jnp.sort(jax.random.randint(ks[6], (N,), 0, G, jnp.int32))
    inp['batch_edge_global'] = jax.random.randint(ks[7], (EG,), 0, G, jnp.int32)
    sc = 0.02
    inp['W_time'] = jax.random.normal(ks[8], (1, SDIM), jnp.float32) * sc
    inp['b_time'] = jnp.zeros((SDIM,), jnp.float32)
    inp['W_atom'] = jax.random.normal(ks[9], (NA, SDIM), jnp.float32) * sc
    inp['b_atom'] = jnp.zeros((SDIM,), jnp.float32)
    inp['W_at'] = jax.random.normal(ks[10], (SDIM, SDIM), jnp.float32) * sc
    inp['b_at'] = jnp.zeros((SDIM,), jnp.float32)
    inp['W_sh'] = jax.random.normal(ks[11], (SDIM, SDIM), jnp.float32) * sc
    inp['b_sh'] = jnp.zeros((SDIM,), jnp.float32)
    inp['W_b0'] = jax.random.normal(ks[12], (SDIM + 1, SDIM), jnp.float32) * sc
    inp['b_b0'] = jnp.zeros((SDIM,), jnp.float32)
    inp['W_b1'] = jax.random.normal(ks[13], (SDIM, 2 * NB), jnp.float32) * sc
    inp['b_b1'] = jnp.zeros((2 * NB,), jnp.float32)
    inp['W_co'] = jax.random.normal(ks[14], (VDIM, 2), jnp.float32) * sc
    inp['W_al'] = jax.random.normal(ks[15], (SDIM, 2 * NA), jnp.float32) * sc
    inp['b_al'] = jnp.zeros((2 * NA,), jnp.float32)
    return inp


def _scatter_mean(v, idx, ns):
    s = jax.ops.segment_sum(v, idx, num_segments=ns)
    c = jax.ops.segment_sum(jnp.ones((v.shape[0],) + (1,) * (v.ndim - 1), v.dtype), idx, num_segments=ns)
    return s / jnp.maximum(c, 1.0)


def _edge_attrs(ei, ea, p):
    src, tgt = ei[0], ei[1]
    r = p[tgt] - p[src]
    a = (p[tgt] * p[src]).sum(-1)
    d = jnp.sqrt(jnp.clip((r ** 2).sum(-1), 1e-06))
    rn = r / d[:, None]
    return (d, a, rn, ea)


def reference(x, t, pos, edge_index_local, edge_index_global, edge_attr_global, batch, batch_edge_global, W_time, b_time, W_atom, b_atom, W_at, b_at, W_sh, b_sh, W_b0, b_b0, W_b1, b_b1, W_co, W_al, b_al):
    ns = t.shape[0]
    pos_c = pos - _scatter_mean(pos, batch, ns)[batch]
    temb = t @ W_time + b_time
    tnode = temb[batch]
    s = x @ W_atom + b_atom
    s = (s + tnode) @ W_at + b_at
    ea_l = _edge_attrs(edge_index_local, None, pos_c)
    ea_g = _edge_attrs(edge_index_global, edge_attr_global, pos_c)
    v = jnp.zeros((x.shape[0], 3, W_co.shape[0]), s.dtype)
    # GNNSE3Atom stand-in (identity message-passing backbone; source not provided)
    p = pos_c + 0.0 * ea_l[0].sum() + 0.0 * ea_g[0].sum()
    # PredictionHeadNew
    sh = jax.nn.silu(s @ W_sh + b_sh)
    j, i = edge_index_global[0], edge_index_global[1]
    d = jnp.sqrt(((p[i] - p[j]) ** 2).sum(-1, keepdims=True))
    f = sh[i] + sh[j]
    edge = jnp.concatenate([f, d], axis=-1)
    bonds = jax.nn.silu(edge @ W_b0 + b_b0) @ W_b1 + b_b1
    bonds_pred, bonds_eps = jnp.split(bonds, 2, axis=-1)
    ce = jnp.einsum('nkv,vo->nko', v, W_co)
    ce = ce - _scatter_mean(ce, batch, ns)[batch]
    ce0, ce1 = jnp.split(ce, 2, axis=-1)
    coords_eps = ce0[..., 0]
    ce1 = ce1[..., 0]
    at = sh @ W_al + b_al
    atoms_eps, atoms_pred = jnp.split(at, 2, axis=-1)
    p2 = p - _scatter_mean(p, batch, ns)[batch]
    coords_pred = p2 + ce1
    return (coords_pred, coords_eps, atoms_pred, atoms_eps, bonds_pred, bonds_eps, pos_c, x, edge_attr_global)

if __name__ == "__main__":
    import jax
    _d = setup_inputs()
    print(jax.jit(kernel)(*tuple(_d.values())))

</pallas_src>

<mosaic_0001>
#map = affine_map<(d0, d1) -> (0)>
#map1 = affine_map<(d0, d1) -> (0, 0)>
module attributes {stable_mosaic.version = 14 : i64} {
  func.func @_edge_sc_body(%arg0: i32, %arg1: i32, %arg2: memref<686080xi32, #tpu.memory_space<hbm>>, %arg3: memref<10240x128xi32, #tpu.memory_space<hbm>>, %arg4: memref<10240xf32, #tpu.memory_space<hbm>>, %arg5: memref<10240xf32, #tpu.memory_space<hbm>>, %arg6: memref<10240xf32, #tpu.memory_space<hbm>>, %arg7: memref<327680x128xi32, #tpu.memory_space<hbm>>, %arg8: memref<327680xf32, #tpu.memory_space<hbm>>, %arg9: memref<30720xi32, #tpu.memory_space<vmem>>, %arg10: memref<128x128xi32, #tpu.memory_space<vmem>>, %arg11: memref<128x128xi32, #tpu.memory_space<vmem>>, %arg12: memref<64x128xi32, #tpu.memory_space<vmem>>, %arg13: memref<64x128xi32, #tpu.memory_space<vmem>>, %arg14: memref<64xf32, #tpu.memory_space<vmem>>, %arg15: memref<64xf32, #tpu.memory_space<vmem>>, %arg16: memref<10240xf32, #tpu.memory_space<vmem>>, %arg17: memref<10240xf32, #tpu.memory_space<vmem>>, %arg18: memref<10240xf32, #tpu.memory_space<vmem>>, %arg19: memref<!tpu.dma_semaphore, #tpu.memory_space<semaphore_mem>>, %arg20: memref<!tpu.dma_semaphore, #tpu.memory_space<semaphore_mem>>, %arg21: memref<!tpu.dma_semaphore, #tpu.memory_space<semaphore_mem>>, %arg22: memref<!tpu.dma_semaphore, #tpu.memory_space<semaphore_mem>>) attributes {dimension_semantics = [#tpu.dimension_semantics<core_parallel>, #tpu.dimension_semantics<subcore_parallel>], iteration_bounds = array<i64: 2, 16>, scalar_prefetch = 0 : i64, scratch_operands = 14 : i64, tpu.core_type = #tpu.core_type<sc_vector_subcore>, window_params = [{transform_indices = #map}, {transform_indices = #map1}, {transform_indices = #map}, {transform_indices = #map}, {transform_indices = #map}, {transform_indices = #map1}, {transform_indices = #map}]} {
    %eq3A = arith.constant 0 : i32
    %eq3A_0 = arith.cmpi eq, %arg0, %eq3A : i32
    %select_n3A = arith.constant 80 : i32
    %select_n3A_1 = arith.constant 240 : i32
    %select_n3A_2 = arith.select %eq3A_0, %select_n3A_1, %select_n3A : i32
    %eq3A_3 = arith.constant 0 : i32
    %eq3A_4 = arith.cmpi eq, %arg0, %eq3A_3 : i32
    %mul3A = arith.constant 240 : i32
    %mul3A_5 = arith.muli %arg1, %mul3A : i32
    %mul3A_6 = arith.constant 80 : i32
    %mul3A_7 = arith.muli %arg1, %mul3A_6 : i32
    %add3A = arith.constant 3840 : i32
    %add3A_8 = arith.addi %add3A, %mul3A_7 : i32
    %select_n3A_9 = arith.select %eq3A_4, %mul3A_5, %add3A_8 : i32
    %mul3A_10 = arith.constant 2 : i32
    %mul3A_11 = arith.muli %select_n3A_9, %mul3A_10 : i32
    %mul3A_12 = arith.constant 64 : i32
    %mul3A_13 = arith.muli %mul3A_11, %mul3A_12 : i32
    "tpu.region"() ({
      %run_scoped3A = tpu.sem_alloc : memref<!tpu.dma_semaphore, #tpu.memory_space<semaphore_mem>>
      %dma_start3A_51 = tpu.memref_slice %arg2[%mul3A_13] : memref<686080xi32, #tpu.memory_space<hbm>> -> memref<30720xi32, #tpu.memory_space<hbm>>
      %dma_start3A_52 = tpu.memref_slice %arg2[%mul3A_13] : memref<686080xi32, #tpu.memory_space<hbm>> -> memref<30720xi32, #tpu.memory_space<hbm>>
      tpu.enqueue_dma source(%dma_start3A_52 : memref<30720xi32, #tpu.memory_space<hbm>>) target(%arg9 : memref<30720xi32, #tpu.memory_space<vmem>>) target_semaphore(%run_scoped3A : memref<!tpu.dma_semaphore, #tpu.memory_space<semaphore_mem>>)
      %dma_wait3A_53 = tpu.memref_slice %arg2[%mul3A_13] : memref<686080xi32, #tpu.memory_space<hbm>> -> memref<30720xi32, #tpu.memory_space<hbm>>
      %dma_wait3A_54 = tpu.memref_slice %arg2[%mul3A_13] : memref<686080xi32, #tpu.memory_space<hbm>> -> memref<30720xi32, #tpu.memory_space<hbm>>
      tpu.wait_dma2 semaphore(%run_scoped3A : memref<!tpu.dma_semaphore, #tpu.memory_space<semaphore_mem>>) src(%dma_wait3A_54 : memref<30720xi32, #tpu.memory_space<hbm>>) dst(%arg9 : memref<30720xi32, #tpu.memory_space<vmem>>)
      tpu.yield
    }) : () -> ()
    "tpu.region"() ({
      %run_scoped3A = tpu.sem_alloc : memref<!tpu.dma_semaphore, #tpu.memory_space<semaphore_mem>>
      tpu.enqueue_dma source(%arg4 : memref<10240xf32, #tpu.memory_space<hbm>>) target(%arg16 : memref<10240xf32, #tpu.memory_space<vmem>>) target_semaphore(%run_scoped3A : memref<!tpu.dma_semaphore, #tpu.memory_space<semaphore_mem>>)
      tpu.wait_dma2 semaphore(%run_scoped3A : memref<!tpu.dma_semaphore, #tpu.memory_space<semaphore_mem>>) src(%arg4 : memref<10240xf32, #tpu.memory_space<hbm>>) dst(%arg16 : memref<10240xf32, #tpu.memory_space<vmem>>)
      tpu.yield
    }) : () -> ()
    "tpu.region"() ({
      %run_scoped3A = tpu.sem_alloc : memref<!tpu.dma_semaphore, #tpu.memory_space<semaphore_mem>>
      tpu.enqueue_dma source(%arg5 : memref<10240xf32, #tpu.memory_space<hbm>>) target(%arg17 : memref<10240xf32, #tpu.memory_space<vmem>>) target_semaphore(%run_scoped3A : memref<!tpu.dma_semaphore, #tpu.memory_space<semaphore_mem>>)
      tpu.wait_dma2 semaphore(%run_scoped3A : memref<!tpu.dma_semaphore, #tpu.memory_space<semaphore_mem>>) src(%arg5 : memref<10240xf32, #tpu.memory_space<hbm>>) dst(%arg17 : memref<10240xf32, #tpu.memory_space<vmem>>)
      tpu.yield
    }) : () -> ()
    "tpu.region"() ({
      %run_scoped3A = tpu.sem_alloc : memref<!tpu.dma_semaphore, #tpu.memory_space<semaphore_mem>>
      tpu.enqueue_dma source(%arg6 : memref<10240xf32, #tpu.memory_space<hbm>>) target(%arg18 : memref<10240xf32, #tpu.memory_space<vmem>>) target_semaphore(%run_scoped3A : memref<!tpu.dma_semaphore, #tpu.memory_space<semaphore_mem>>)
      tpu.wait_dma2 semaphore(%run_scoped3A : memref<!tpu.dma_semaphore, #tpu.memory_space<semaphore_mem>>) src(%arg6 : memref<10240xf32, #tpu.memory_space<hbm>>) dst(%arg18 : memref<10240xf32, #tpu.memory_space<vmem>>)
      tpu.yield
    }) : () -> ()
    %mul3A_14 = arith.constant 64 : i32
    %mul3A_15 = arith.muli %select_n3A_9, %mul3A_14 : i32
    %dma_start3A = arith.constant 0 : i32
    %dma_start3A_16 = tpu.memref_slice %arg9[%dma_start3A] : memref<30720xi32, #tpu.memory_space<vmem>> -> memref<128xi32, #tpu.memory_space<vmem>>
    %dma_start3A_17 = arith.constant 0 : i32
    %dma_start3A_18 = arith.constant 0 : i32
    %dma_start3A_19 = tpu.memref_slice %arg3[%dma_start3A_17, %dma_start3A_18] : memref<10240x128xi32, #tpu.memory_space<hbm>> -> memref<10240x128xi32, #tpu.memory_space<hbm>>
    tpu.enqueue_indirect_dma source(%dma_start3A_19 : memref<10240x128xi32, #tpu.memory_space<hbm>>) target(%arg10 : memref<128x128xi32, #tpu.memory_space<vmem>>) offsets(%dma_start3A_16 : memref<128xi32, #tpu.memory_space<vmem>>) semaphore(%arg19 : memref<!tpu.dma_semaphore, #tpu.memory_space<semaphore_mem>>)
    %jit3A = arith.constant 2 : i32
    %div3A = arith.divsi %select_n3A_2, %jit3A : i32
    %sign3A = arith.constant 0 : i32
    %sign3A_20 = arith.cmpi sgt, %select_n3A_2, %sign3A : i32
    %sign3A_21 = arith.extui %sign3A_20 : i1 to i32
    %sign3A_22 = arith.constant 0 : i32
    %sign3A_23 = arith.cmpi slt, %select_n3A_2, %sign3A_22 : i32
    %sign3A_24 = arith.extui %sign3A_23 : i1 to i32
    %sign3A_25 = arith.subi %sign3A_21, %sign3A_24 : i32
    %sign3A_26 = arith.constant 0 : i32
    %sign3A_27 = arith.cmpi sgt, %jit3A, %sign3A_26 : i32
    %sign3A_28 = arith.extui %sign3A_27 : i1 to i32
    %sign3A_29 = arith.constant 0 : i32
    %sign3A_30 = arith.cmpi slt, %jit3A, %sign3A_29 : i32
    %sign3A_31 = arith.extui %sign3A_30 : i1 to i32
    %sign3A_32 = arith.subi %sign3A_28, %sign3A_31 : i32
    %ne3A = arith.cmpi ne, %sign3A_25, %sign3A_32 : i32
    %rem3A = arith.remsi %select_n3A_2, %jit3A : i32
    %ne3A_33 = arith.constant 0 : i32
    %ne3A_34 = arith.cmpi ne, %rem3A, %ne3A_33 : i32
    %and3A = arith.andi %ne3A, %ne3A_34 : i1
    %sub3A = arith.constant 1 : i32
    %sub3A_35 = arith.subi %div3A, %sub3A : i32
    %select_n3A_36 = arith.select %and3A, %sub3A_35, %div3A : i32
    %while3A = arith.constant 0 : i32
    %while3A_37 = arith.constant 0 : i32
    %while3A_38 = arith.subi %select_n3A_36, %while3A_37 : i32
    %while3A_39 = arith.addi %while3A_37, %while3A_38 : i32
    %while3A_40 = arith.constant 1 : i32
    %while3A_41 = arith.divsi %while3A_38, %while3A_40 : i32
    %while3A_42 = arith.muli %while3A_41, %while3A_40 : i32
    %while3A_43 = arith.addi %while3A_37, %while3A_42 : i32
    %while3A_44 = arith.constant 1 : i32
    scf.for %while3A_51 = %while3A_37 to %while3A_43 step %while3A_44  : i32 {
      %mul3A_52 = arith.constant 2 : i32
      %mul3A_53 = arith.muli %mul3A_52, %while3A_51 : i32
      %add3A_54 = arith.constant 1 : i32
      %add3A_55 = arith.addi %mul3A_53, %add3A_54 : i32
      %gt3A = arith.constant 0 : i32
      %gt3A_56 = arith.cmpi sgt, %while3A_51, %gt3A : i32
      %convert_element_type3A = arith.extui %gt3A_56 : i1 to i32
      %cond3A = arith.constant 0 : i32
      %cond3A_57 = arith.cmpi ne, %convert_element_type3A, %cond3A : i32
      scf.if %cond3A_57 {
        %dma_wait3A_385 = arith.constant 0 : i32
        %dma_wait3A_386 = tpu.memref_slice %arg7[%mul3A_15, %dma_wait3A_385] : memref<327680x128xi32, #tpu.memory_space<hbm>> -> memref<64x128xi32, #tpu.memory_space<hbm>>
        %dma_wait3A_387 = arith.constant 0 : i32
        %dma_wait3A_388 = tpu.memref_slice %arg7[%mul3A_15, %dma_wait3A_387] : memref<327680x128xi32, #tpu.memory_space<hbm>> -> memref<64x128xi32, #tpu.memory_space<hbm>>
        tpu.wait_dma2 semaphore(%arg22 : memref<!tpu.dma_semaphore, #tpu.memory_space<semaphore_mem>>) src(%arg13 : memref<64x128xi32, #tpu.memory_space<vmem>>) dst(%dma_wait3A_388 : memref<64x128xi32, #tpu.memory_space<hbm>>)
        %dma_wait3A_389 = tpu.memref_slice %arg8[%mul3A_15] : memref<327680xf32, #tpu.memory_space<hbm>> -> memref<64xf32, #tpu.memory_space<hbm>>
        %dma_wait3A_390 = tpu.memref_slice %arg8[%mul3A_15] : memref<327680xf32, #tpu.memory_space<hbm>> -> memref<64xf32, #tpu.memory_space<hbm>>
        tpu.wait_dma2 semaphore(%arg22 : memref<!tpu.dma_semaphore, #tpu.memory_space<semaphore_mem>>) src(%arg15 : memref<64xf32, #tpu.memory_space<vmem>>) dst(%dma_wait3A_390 : memref<64xf32, #tpu.memory_space<hbm>>)
      } else {
      }
      %mul3A_58 = arith.constant 2 : i32
      %mul3A_59 = arith.muli %add3A_55, %mul3A_58 : i32
      %mul3A_60 = arith.constant 64 : i32
      %mul3A_61 = arith.muli %mul3A_59, %mul3A_60 : i32
      %dma_start3A_62 = tpu.memref_slice %arg9[%mul3A_61] : memref<30720xi32, #tpu.memory_space<vmem>> -> memref<128xi32, #tpu.memory_space<vmem>>
      %dma_start3A_63 = arith.constant 0 : i32
      %dma_start3A_64 = arith.constant 0 : i32
      %dma_start3A_65 = tpu.memref_slice %arg3[%dma_start3A_63, %dma_start3A_64] : memref<10240x128xi32, #tpu.memory_space<hbm>> -> memref<10240x128xi32, #tpu.memory_space<hbm>>
      tpu.enqueue_indirect_dma source(%dma_start3A_65 : memref<10240x128xi32, #tpu.memory_space<hbm>>) target(%arg11 : memref<128x128xi32, #tpu.memory_space<vmem>>) offsets(%dma_start3A_62 : memref<128xi32, #tpu.memory_space<vmem>>) semaphore(%arg20 : memref<!tpu.dma_semaphore, #tpu.memory_space<semaphore_mem>>)
      %dma_wait3A_66 = arith.constant 0 : i32
      %dma_wait3A_67 = tpu.memref_slice %arg9[%dma_wait3A_66] : memref<30720xi32, #tpu.memory_space<vmem>> -> memref<128xi32, #tpu.memory_space<vmem>>
      %dma_wait3A_68 = arith.constant 0 : i32
      %dma_wait3A_69 = arith.constant 0 : i32
      %dma_wait3A_70 = tpu.memref_slice %arg3[%dma_wait3A_68, %dma_wait3A_69] : memref<10240x128xi32, #tpu.memory_space<hbm>> -> memref<10240x128xi32, #tpu.memory_space<hbm>>
      tpu.wait_indirect_dma semaphore(%arg19 : memref<!tpu.dma_semaphore, #tpu.memory_space<semaphore_mem>>) src(%dma_wait3A_70 : memref<10240x128xi32, #tpu.memory_space<hbm>>) dst(%arg10 : memref<128x128xi32, #tpu.memory_space<vmem>>)
      %parallel_loop3A = arith.constant 0 : i32
      %parallel_loop3A_71 = arith.constant 64 : i32
      %parallel_loop3A_72 = arith.constant 1 : i32
      scf.for %parallel_loop3A_385 = %parallel_loop3A to %parallel_loop3A_71 step %parallel_loop3A_72  : i32 {
        %parallel_loop3A_386 = arith.index_cast %parallel_loop3A_385 : i32 to index
        %parallel_loop3A_387 = arith.constant 0 : index
        %parallel_loop3A_388 = tpu.vector_load %arg10[%parallel_loop3A_386, %parallel_loop3A_387] {strides = array<i32>} : memref<128x128xi32, #tpu.memory_space<vmem>>, vector<16xi32>,
        %parallel_loop3A_389 = vector.bitcast %parallel_loop3A_388 : vector<16xi32> to vector<32xbf16>
        %parallel_loop3A_390 = arith.constant 64 : i32
        %parallel_loop3A_391 = arith.addi %parallel_loop3A_390, %parallel_loop3A_385 : i32
        %parallel_loop3A_392 = arith.index_cast %parallel_loop3A_391 : i32 to index
        %parallel_loop3A_393 = arith.constant 0 : index
        %parallel_loop3A_394 = tpu.vector_load %arg10[%parallel_loop3A_392, %parallel_loop3A_393] {strides = array<i32>} : memref<128x128xi32, #tpu.memory_space<vmem>>, vector<16xi32>,
        %parallel_loop3A_395 = vector.bitcast %parallel_loop3A_394 : vector<16xi32> to vector<32xbf16>
        %parallel_loop3A_396 = arith.addf %parallel_loop3A_389, %parallel_loop3A_395 : vector<32xbf16>
        %parallel_loop3A_397 = vector.bitcast %parallel_loop3A_396 : vector<32xbf16> to vector<16xi32>
        %parallel_loop3A_398 = arith.index_cast %parallel_loop3A_385 : i32 to index
        %parallel_loop3A_399 = arith.constant 0 : index
        %parallel_loop3A_400 = tpu.vector_load %arg12[%parallel_loop3A_398, %parallel_loop3A_399] {strides = array<i32>} : memref<64x128xi32, #tpu.memory_space<vmem>>, vector<16xi32>,
        tpu.vector_store %arg12[%parallel_loop3A_398, %parallel_loop3A_399], %parallel_loop3A_397 {strides = array<i32>} : memref<64x128xi32, #tpu.memory_space<vmem>>, vector<16xi32>,
        %parallel_loop3A_401 = arith.index_cast %parallel_loop3A_385 : i32 to index
        %parallel_loop3A_402 = arith.constant 16 : index
        %parallel_loop3A_403 = tpu.vector_load %arg10[%parallel_loop3A_401, %parallel_loop3A_402] {strides = array<i32>} : memref<128x128xi32, #tpu.memory_space<vmem>>, vector<16xi32>,
        %parallel_loop3A_404 = vector.bitcast %parallel_loop3A_403 : vector<16xi32> to vector<32xbf16>
        %parallel_loop3A_405 = arith.constant 64 : i32
        %parallel_loop3A_406 = arith.addi %parallel_loop3A_405, %parallel_loop3A_385 : i32
        %parallel_loop3A_407 = arith.index_cast %parallel_loop3A_406 : i32 to index
        %parallel_loop3A_408 = arith.constant 16 : index
        %parallel_loop3A_409 = tpu.vector_load %arg10[%parallel_loop3A_407, %parallel_loop3A_408] {strides = array<i32>} : memref<128x128xi32, #tpu.memory_space<vmem>>, vector<16xi32>,
        %parallel_loop3A_410 = vector.bitcast %parallel_loop3A_409 : vector<16xi32> to vector<32xbf16>
        %parallel_loop3A_411 = arith.addf %parallel_loop3A_404, %parallel_loop3A_410 : vector<32xbf16>
        %parallel_loop3A_412 = vector.bitcast %parallel_loop3A_411 : vector<32xbf16> to vector<16xi32>
        %parallel_loop3A_413 = arith.index_cast %parallel_loop3A_385 : i32 to index
        %parallel_loop3A_414 = arith.constant 16 : index
        %parallel_loop3A_415 = tpu.vector_load %arg12[%parallel_loop3A_413, %parallel_loop3A_414] {strides = array<i32>} : memref<64x128xi32, #tpu.memory_space<vmem>>, vector<16xi32>,
        tpu.vector_store %arg12[%parallel_loop3A_413, %parallel_loop3A_414], %parallel_loop3A_412 {strides = array<i32>} : memref<64x128xi32, #tpu.memory_space<vmem>>, vector<16xi32>,
        %parallel_loop3A_416 = arith.index_cast %parallel_loop3A_385 : i32 to index
        %parallel_loop3A_417 = arith.constant 32 : index
        %parallel_loop3A_418 = tpu.vector_load %arg10[%parallel_loop3A_416, %parallel_loop3A_417] {strides = array<i32>} : memref<128x128xi32, #tpu.memory_space<vmem>>, vector<16xi32>,
        %parallel_loop3A_419 = vector.bitcast %parallel_loop3A_418 : vector<16xi32> to vector<32xbf16>
        %parallel_loop3A_420 = arith.constant 64 : i32
        %parallel_loop3A_421 = arith.addi %parallel_loop3A_420, %parallel_loop3A_385 : i32
        %parallel_loop3A_422 = arith.index_cast %parallel_loop3A_421 : i32 to index
        %parallel_loop3A_423 = arith.constant 32 : index
        %parallel_loop3A_424 = tpu.vector_load %arg10[%parallel_loop3A_422, %parallel_loop3A_423] {strides = array<i32>} : memref<128x128xi32, #tpu.memory_space<vmem>>, vector<16xi32>,
        %parallel_loop3A_425 = vector.bitcast %parallel_loop3A_424 : vector<16xi32> to vector<32xbf16>
        %parallel_loop3A_426 = arith.addf %parallel_loop3A_419, %parallel_loop3A_425 : vector<32xbf16>
        %parallel_loop3A_427 = vector.bitcast %parallel_loop3A_426 : vector<32xbf16> to vector<16xi32>
        %parallel_loop3A_428 = arith.index_cast %parallel_loop3A_385 : i32 to index
        %parallel_loop3A_429 = arith.constant 32 : index
        %parallel_loop3A_430 = tpu.vector_load %arg12[%parallel_loop3A_428, %parallel_loop3A_429] {strides = array<i32>} : memref<64x128xi32, #tpu.memory_space<vmem>>, vector<16xi32>,
        tpu.vector_store %arg12[%parallel_loop3A_428, %parallel_loop3A_429], %parallel_loop3A_427 {strides = array<i32>} : memref<64x128xi32, #tpu.memory_space<vmem>>, vector<16xi32>,
        %parallel_loop3A_431 = arith.index_cast %parallel_loop3A_385 : i32 to index
        %parallel_loop3A_432 = arith.constant 48 : index
        %parallel_loop3A_433 = tpu.vector_load %arg10[%parallel_loop3A_431, %parallel_loop3A_432] {strides = array<i32>} : memref<128x128xi32, #tpu.memory_space<vmem>>, vector<16xi32>,
        %parallel_loop3A_434 = vector.bitcast %parallel_loop3A_433 : vector<16xi32> to vector<32xbf16>
        %parallel_loop3A_435 = arith.constant 64 : i32
        %parallel_loop3A_436 = arith.addi %parallel_loop3A_435, %parallel_loop3A_385 : i32
        %parallel_loop3A_437 = arith.index_cast %parallel_loop3A_436 : i32 to index
        %parallel_loop3A_438 = arith.constant 48 : index
        %parallel_loop3A_439 = tpu.vector_load %arg10[%parallel_loop3A_437, %parallel_loop3A_438] {strides = array<i32>} : memref<128x128xi32, #tpu.memory_space<vmem>>, vector<16xi32>,
        %parallel_loop3A_440 = vector.bitcast %parallel_loop3A_439 : vector<16xi32> to vector<32xbf16>
        %parallel_loop3A_441 = arith.addf %parallel_loop3A_434, %parallel_loop3A_440 : vector<32xbf16>
        %parallel_loop3A_442 = vector.bitcast %parallel_loop3A_441 : vector<32xbf16> to vector<16xi32>
        %parallel_loop3A_443 = arith.index_cast %parallel_loop3A_385 : i32 to index
        %parallel_loop3A_444 = arith.constant 48 : index
        %parallel_loop3A_445 = tpu.vector_load %arg12[%parallel_loop3A_443, %parallel_loop3A_444] {strides = array<i32>} : memref<64x128xi32, #tpu.memory_space<vmem>>, vector<16xi32>,
        tpu.vector_store %arg12[%parallel_loop3A_443, %parallel_loop3A_444], %parallel_loop3A_442 {strides = array<i32>} : memref<64x128xi32, #tpu.memory_space<vmem>>, vector<16xi32>,
        %parallel_loop3A_446 = arith.index_cast %parallel_loop3A_385 : i32 to index
        %parallel_loop3A_447 = arith.constant 64 : index
        %parallel_loop3A_448 = tpu.vector_load %arg10[%parallel_loop3A_446, %parallel_loop3A_447] {strides = array<i32>} : memref<128x128xi32, #tpu.memory_space<vmem>>, vector<16xi32>,
        %parallel_loop3A_449 = vector.bitcast %parallel_loop3A_448 : vector<16xi32> to vector<32xbf16>
        %parallel_loop3A_450 = arith.constant 64 : i32
        %parallel_loop3A_451 = arith.addi %parallel_loop3A_450, %parallel_loop3A_385 : i32
        %parallel_loop3A_452 = arith.index_cast %parallel_loop3A_451 : i32 to index
        %parallel_loop3A_453 = arith.constant 64 : index
        %parallel_loop3A_454 = tpu.vector_load %arg10[%parallel_loop3A_452, %parallel_loop3A_453] {strides = array<i32>} : memref<128x128xi32, #tpu.memory_space<vmem>>, vector<16xi32>,
        %parallel_loop3A_455 = vector.bitcast %parallel_loop3A_454 : vector<16xi32> to vector<32xbf16>
        %parallel_loop3A_456 = arith.addf %parallel_loop3A_449, %parallel_loop3A_455 : vector<32xbf16>
        %parallel_loop3A_457 = vector.bitcast %parallel_loop3A_456 : vector<32xbf16> to vector<16xi32>
        %parallel_loop3A_458 = arith.index_cast %parallel_loop3A_385 : i32 to index
        %parallel_loop3A_459 = arith.constant 64 : index
        %parallel_loop3A_460 = tpu.vector_load %arg12[%parallel_loop3A_458, %parallel_loop3A_459] {strides = array<i32>} : memref<64x128xi32, #tpu.memory_space<vmem>>, vector<16xi32>,
        tpu.vector_store %arg12[%parallel_loop3A_458, %parallel_loop3A_459], %parallel_loop3A_457 {strides = array<i32>} : memref<64x128xi32, #tpu.memory_space<vmem>>, vector<16xi32>,
        %parallel_loop3A_461 = arith.index_cast %parallel_loop3A_385 : i32 to index
        %parallel_loop3A_462 = arith.constant 80 : index
        %parallel_loop3A_463 = tpu.vector_load %arg10[%parallel_loop3A_461, %parallel_loop3A_462] {strides = array<i32>} : memref<128x128xi32, #tpu.memory_space<vmem>>, vector<16xi32>,
        %parallel_loop3A_464 = vector.bitcast %parallel_loop3A_463 : vector<16xi32> to vector<32xbf16>
        %parallel_loop3A_465 = arith.constant 64 : i32
        %parallel_loop3A_466 = arith.addi %parallel_loop3A_465, %parallel_loop3A_385 : i32
        %parallel_loop3A_467 = arith.index_cast %parallel_loop3A_466 : i32 to index
        %parallel_loop3A_468 = arith.constant 80 : index
        %parallel_loop3A_469 = tpu.vector_load %arg10[%parallel_loop3A_467, %parallel_loop3A_468] {strides = array<i32>} : memref<128x128xi32, #tpu.memory_space<vmem>>, vector<16xi32>,
        %parallel_loop3A_470 = vector.bitcast %parallel_loop3A_469 : vector<16xi32> to vector<32xbf16>
        %parallel_loop3A_471 = arith.addf %parallel_loop3A_464, %parallel_loop3A_470 : vector<32xbf16>
        %parallel_loop3A_472 = vector.bitcast %parallel_loop3A_471 : vector<32xbf16> to vector<16xi32>
        %parallel_loop3A_473 = arith.index_cast %parallel_loop3A_385 : i32 to index
        %parallel_loop3A_474 = arith.constant 80 : index
        %parallel_loop3A_475 = tpu.vector_load %arg12[%parallel_loop3A_473, %parallel_loop3A_474] {strides = array<i32>} : memref<64x128xi32, #tpu.memory_space<vmem>>, vector<16xi32>,
        tpu.vector_store %arg12[%parallel_loop3A_473, %parallel_loop3A_474], %parallel_loop3A_472 {strides = array<i32>} : memref<64x128xi32, #tpu.memory_space<vmem>>, vector<16xi32>,
        %parallel_loop3A_476 = arith.index_cast %parallel_loop3A_385 : i32 to index
        %parallel_loop3A_477 = arith.constant 96 : index
        %parallel_loop3A_478 = tpu.vector_load %arg10[%parallel_loop3A_476, %parallel_loop3A_477] {strides = array<i32>} : memref<128x128xi32, #tpu.memory_space<vmem>>, vector<16xi32>,
        %parallel_loop3A_479 = vector.bitcast %parallel_loop3A_478 : vector<16xi32> to vector<32xbf16>
        %parallel_loop3A_480 = arith.constant 64 : i32
        %parallel_loop3A_481 = arith.addi %parallel_loop3A_480, %parallel_loop3A_385 : i32
        %parallel_loop3A_482 = arith.index_cast %parallel_loop3A_481 : i32 to index
        %parallel_loop3A_483 = arith.constant 96 : index
        %parallel_loop3A_484 = tpu.vector_load %arg10[%parallel_loop3A_482, %parallel_loop3A_483] {strides = array<i32>} : memref<128x128xi32, #tpu.memory_space<vmem>>, vector<16xi32>,
        %parallel_loop3A_485 = vector.bitcast %parallel_loop3A_484 : vector<16xi32> to vector<32xbf16>
        %parallel_loop3A_486 = arith.addf %parallel_loop3A_479, %parallel_loop3A_485 : vector<32xbf16>
        %parallel_loop3A_487 = vector.bitcast %parallel_loop3A_486 : vector<32xbf16> to vector<16xi32>
        %parallel_loop3A_488 = arith.index_cast %parallel_loop3A_385 : i32 to index
        %parallel_loop3A_489 = arith.constant 96 : index
        %parallel_loop3A_490 = tpu.vector_load %arg12[%parallel_loop3A_488, %parallel_loop3A_489] {strides = array<i32>} : memref<64x128xi32, #tpu.memory_space<vmem>>, vector<16xi32>,
        tpu.vector_store %arg12[%parallel_loop3A_488, %parallel_loop3A_489], %parallel_loop3A_487 {strides = array<i32>} : memref<64x128xi32, #tpu.memory_space<vmem>>, vector<16xi32>,
        %parallel_loop3A_491 = arith.index_cast %parallel_loop3A_385 : i32 to index
        %parallel_loop3A_492 = arith.constant 112 : index
        %parallel_loop3A_493 = tpu.vector_load %arg10[%parallel_loop3A_491, %parallel_loop3A_492] {strides = array<i32>} : memref<128x128xi32, #tpu.memory_space<vmem>>, vector<16xi32>,
        %parallel_loop3A_494 = vector.bitcast %parallel_loop3A_493 : vector<16xi32> to vector<32xbf16>
        %parallel_loop3A_495 = arith.constant 64 : i32
        %parallel_loop3A_496 = arith.addi %parallel_loop3A_495, %parallel_loop3A_385 : i32
        %parallel_loop3A_497 = arith.index_cast %parallel_loop3A_496 : i32 to index
        %parallel_loop3A_498 = arith.constant 112 : index
        %parallel_loop3A_499 = tpu.vector_load %arg10[%parallel_loop3A_497, %parallel_loop3A_498] {strides = array<i32>} : memref<128x128xi32, #tpu.memory_space<vmem>>, vector<16xi32>,
        %parallel_loop3A_500 = vector.bitcast %parallel_loop3A_499 : vector<16xi32> to vector<32xbf16>
        %parallel_loop3A_501 = arith.addf %parallel_loop3A_494, %parallel_loop3A_500 : vector<32xbf16>
        %parallel_loop3A_502 = vector.bitcast %parallel_loop3A_501 : vector<32xbf16> to vector<16xi32>
        %parallel_loop3A_503 = arith.index_cast %parallel_loop3A_385 : i32 to index
        %parallel_loop3A_504 = arith.constant 112 : index
        %parallel_loop3A_505 = tpu.vector_load %arg12[%parallel_loop3A_503, %parallel_loop3A_504] {strides = array<i32>} : memref<64x128xi32, #tpu.memory_space<vmem>>, vector<16xi32>,
        tpu.vector_store %arg12[%parallel_loop3A_503, %parallel_loop3A_504], %parallel_loop3A_502 {strides = array<i32>} : memref<64x128xi32, #tpu.memory_space<vmem>>, vector<16xi32>,
      } {sc.loop_unroll_factor = 2 : i64, sc.parallel_access}
      %mul3A_73 = arith.constant 2 : i32
      %mul3A_74 = arith.muli %mul3A_53, %mul3A_73 : i32
      %mul3A_75 = arith.constant 64 : i32
      %mul3A_76 = arith.muli %mul3A_74, %mul3A_75 : i32
      %add3A_77 = arith.constant 0 : i32
      %add3A_78 = arith.addi %mul3A_76, %add3A_77 : i32
      %get3A = arith.index_cast %add3A_78 : i32 to index
      %get3A_79 = tpu.vector_load %arg9[%get3A] {strides = array<i32>} : memref<30720xi32, #tpu.memory_space<vmem>>, vector<16xi32>,
      %mul3A_80 = arith.constant 2 : i32
      %mul3A_81 = arith.muli %mul3A_53, %mul3A_80 : i32
      %mul3A_82 = arith.constant 64 : i32
      %mul3A_83 = arith.muli %mul3A_81, %mul3A_82 : i32
      %add3A_84 = arith.constant 64 : i32
      %add3A_85 = arith.addi %mul3A_83, %add3A_84 : i32
      %add3A_86 = arith.constant 0 : i32
      %add3A_87 = arith.addi %add3A_85, %add3A_86 : i32
      %get3A_88 = arith.index_cast %add3A_87 : i32 to index
      %get3A_89 = tpu.vector_load %arg9[%get3A_88] {strides = array<i32>} : memref<30720xi32, #tpu.memory_space<vmem>>, vector<16xi32>,
      %gather3A = tpu.vector_load_idx %arg16[%get3A_79] : memref<10240xf32, #tpu.memory_space<vmem>>[vector<16xi32>], vector<16xf32>,
      %gather3A_90 = tpu.vector_load_idx %arg16[%get3A_89] : memref<10240xf32, #tpu.memory_space<vmem>>[vector<16xi32>], vector<16xf32>,
      %sub3A_91 = arith.subf %gather3A, %gather3A_90 : vector<16xf32>
      %gather3A_92 = tpu.vector_load_idx %arg17[%get3A_79] : memref<10240xf32, #tpu.memory_space<vmem>>[vector<16xi32>], vector<16xf32>,
      %gather3A_93 = tpu.vector_load_idx %arg17[%get3A_89] : memref<10240xf32, #tpu.memory_space<vmem>>[vector<16xi32>], vector<16xf32>,
      %sub3A_94 = arith.subf %gather3A_92, %gather3A_93 : vector<16xf32>
      %gather3A_95 = tpu.vector_load_idx %arg18[%get3A_79] : memref<10240xf32, #tpu.memory_space<vmem>>[vector<16xi32>], vector<16xf32>,
      %gather3A_96 = tpu.vector_load_idx %arg18[%get3A_89] : memref<10240xf32, #tpu.memory_space<vmem>>[vector<16xi32>], vector<16xf32>,
      %sub3A_97 = arith.subf %gather3A_95, %gather3A_96 : vector<16xf32>
      %mul3A_98 = arith.mulf %sub3A_91, %sub3A_91 : vector<16xf32>
      %mul3A_99 = arith.mulf %sub3A_94, %sub3A_94 : vector<16xf32>
      %add3A_100 = arith.addf %mul3A_98, %mul3A_99 : vector<16xf32>
      %mul3A_101 = arith.mulf %sub3A_97, %sub3A_97 : vector<16xf32>
      %add3A_102 = arith.addf %add3A_100, %mul3A_101 : vector<16xf32>
      %swap3A = arith.constant 0 : index
      %swap3A_103 = tpu.vector_load %arg14[%swap3A] {strides = array<i32>} : memref<64xf32, #tpu.memory_space<vmem>>, vector<16xf32>,
      tpu.vector_store %arg14[%swap3A], %add3A_102 {strides = array<i32>} : memref<64xf32, #tpu.memory_space<vmem>>, vector<16xf32>,
      %mul3A_104 = arith.constant 2 : i32
      %mul3A_105 = arith.muli %mul3A_53, %mul3A_104 : i32
      %mul3A_106 = arith.constant 64 : i32
      %mul3A_107 = arith.muli %mul3A_105, %mul3A_106 : i32
      %add3A_108 = arith.constant 16 : i32
      %add3A_109 = arith.addi %mul3A_107, %add3A_108 : i32
      %get3A_110 = arith.index_cast %add3A_109 : i32 to index
      %get3A_111 = tpu.vector_load %arg9[%get3A_110] {strides = array<i32>} : memref<30720xi32, #tpu.memory_space<vmem>>, vector<16xi32>,
      %mul3A_112 = arith.constant 2 : i32
      %mul3A_113 = arith.muli %mul3A_53, %mul3A_112 : i32
      %mul3A_114 = arith.constant 64 : i32
      %mul3A_115 = arith.muli %mul3A_113, %mul3A_114 : i32
      %add3A_116 = arith.constant 64 : i32
      %add3A_117 = arith.addi %mul3A_115, %add3A_116 : i32
      %add3A_118 = arith.constant 16 : i32
      %add3A_119 = arith.addi %add3A_117, %add3A_118 : i32
      %get3A_120 = arith.index_cast %add3A_119 : i32 to index
      %get3A_121 = tpu.vector_load %arg9[%get3A_120] {strides = array<i32>} : memref<30720xi32, #tpu.memory_space<vmem>>, vector<16xi32>,
      %gather3A_122 = tpu.vector_load_idx %arg16[%get3A_111] : memref<10240xf32, #tpu.memory_space<vmem>>[vector<16xi32>], vector<16xf32>,
      %gather3A_123 = tpu.vector_load_idx %arg16[%get3A_121] : memref<10240xf32, #tpu.memory_space<vmem>>[vector<16xi32>], vector<16xf32>,
      %sub3A_124 = arith.subf %gather3A_122, %gather3A_123 : vector<16xf32>
      %gather3A_125 = tpu.vector_load_idx %arg17[%get3A_111] : memref<10240xf32, #tpu.memory_space<vmem>>[vector<16xi32>], vector<16xf32>,
      %gather3A_126 = tpu.vector_load_idx %arg17[%get3A_121] : memref<10240xf32, #tpu.memory_space<vmem>>[vector<16xi32>], vector<16xf32>,
      %sub3A_127 = arith.subf %gather3A_125, %gather3A_126 : vector<16xf32>
      %gather3A_128 = tpu.vector_load_idx %arg18[%get3A_111] : memref<10240xf32, #tpu.memory_space<vmem>>[vector<16xi32>], vector<16xf32>,
      %gather3A_129 = tpu.vector_load_idx %arg18[%get3A_121] : memref<10240xf32, #tpu.memory_space<vmem>>[vector<16xi32>], vector<16xf32>,
      %sub3A_130 = arith.subf %gather3A_128, %gather3A_129 : vector<16xf32>
      %mul3A_131 = arith.mulf %sub3A_124, %sub3A_124 : vector<16xf32>
      %mul3A_132 = arith.mulf %sub3A_127, %sub3A_127 : vector<16xf32>
      %add3A_133 = arith.addf %mul3A_131, %mul3A_132 : vector<16xf32>
      %mul3A_134 = arith.mulf %sub3A_130, %sub3A_130 : vector<16xf32>
      %add3A_135 = arith.addf %add3A_133, %mul3A_134 : vector<16xf32>
      %swap3A_136 = arith.constant 16 : index
      %swap3A_137 = tpu.vector_load %arg14[%swap3A_136] {strides = array<i32>} : memref<64xf32, #tpu.memory_space<vmem>>, vector<16xf32>,
      tpu.vector_store %arg14[%swap3A_136], %add3A_135 {strides = array<i32>} : memref<64xf32, #tpu.memory_space<vmem>>, vector<16xf32>,
      %mul3A_138 = arith.constant 2 : i32
      %mul3A_139 = arith.muli %mul3A_53, %mul3A_138 : i32
      %mul3A_140 = arith.constant 64 : i32
      %mul3A_141 = arith.muli %mul3A_139, %mul3A_140 : i32
      %add3A_142 = arith.constant 32 : i32
      %add3A_143 = arith.addi %mul3A_141, %add3A_142 : i32
      %get3A_144 = arith.index_cast %add3A_143 : i32 to index
      %get3A_145 = tpu.vector_load %arg9[%get3A_144] {strides = array<i32>} : memref<30720xi32, #tpu.memory_space<vmem>>, vector<16xi32>,
      %mul3A_146 = arith.constant 2 : i32
      %mul3A_147 = arith.muli %mul3A_53, %mul3A_146 : i32
      %mul3A_148 = arith.constant 64 : i32
      %mul3A_149 = arith.muli %mul3A_147, %mul3A_148 : i32
      %add3A_150 = arith.constant 64 : i32
      %add3A_151 = arith.addi %mul3A_149, %add3A_150 : i32
      %add3A_152 = arith.constant 32 : i32
      %add3A_153 = arith.addi %add3A_151, %add3A_152 : i32
      %get3A_154 = arith.index_cast %add3A_153 : i32 to index
      %get3A_155 = tpu.vector_load %arg9[%get3A_154] {strides = array<i32>} : memref<30720xi32, #tpu.memory_space<vmem>>, vector<16xi32>,
      %gather3A_156 = tpu.vector_load_idx %arg16[%get3A_145] : memref<10240xf32, #tpu.memory_space<vmem>>[vector<16xi32>], vector<16xf32>,
      %gather3A_157 = tpu.vector_load_idx %arg16[%get3A_155] : memref<10240xf32, #tpu.memory_space<vmem>>[vector<16xi32>], vector<16xf32>,
      %sub3A_158 = arith.subf %gather3A_156, %gather3A_157 : vector<16xf32>
      %gather3A_159 = tpu.vector_load_idx %arg17[%get3A_145] : memref<10240xf32, #tpu.memory_space<vmem>>[vector<16xi32>], vector<16xf32>,
      %gather3A_160 = tpu.vector_load_idx %arg17[%get3A_155] : memref<10240xf32, #tpu.memory_space<vmem>>[vector<16xi32>], vector<16xf32>,
      %sub3A_161 = arith.subf %gather3A_159, %gather3A_160 : vector<16xf32>
      %gather3A_162 = tpu.vector_load_idx %arg18[%get3A_145] : memref<10240xf32, #tpu.memory_space<vmem>>[vector<16xi32>], vector<16xf32>,
      %gather3A_163 = tpu.vector_load_idx %arg18[%get3A_155] : memref<10240xf32, #tpu.memory_space<vmem>>[vector<16xi32>], vector<16xf32>,
      %sub3A_164 = arith.subf %gather3A_162, %gather3A_163 : vector<16xf32>
      %mul3A_165 = arith.mulf %sub3A_158, %sub3A_158 : vector<16xf32>
      %mul3A_166 = arith.mulf %sub3A_161, %sub3A_161 : vector<16xf32>
      %add3A_167 = arith.addf %mul3A_165, %mul3A_166 : vector<16xf32>
      %mul3A_168 = arith.mulf %sub3A_164, %sub3A_164 : vector<16xf32>
      %add3A_169 = arith.addf %add3A_167, %mul3A_168 : vector<16xf32>
      %swap3A_170 = arith.constant 32 : index
      %swap3A_171 = tpu.vector_load %arg14[%swap3A_170] {strides = array<i32>} : memref<64xf32, #tpu.memory_space<vmem>>, vector<16xf32>,
      tpu.vector_store %arg14[%swap3A_170], %add3A_169 {strides = array<i32>} : memref<64xf32, #tpu.memory_space<vmem>>, vector<16xf32>,
      %mul3A_172 = arith.constant 2 : i32
      %mul3A_173 = arith.muli %mul3A_53, %mul3A_172 : i32
      %mul3A_174 = arith.constant 64 : i32
      %mul3A_175 = arith.muli %mul3A_173, %mul3A_174 : i32
      %add3A_176 = arith.constant 48 : i32
      %add3A_177 = arith.addi %mul3A_175, %add3A_176 : i32
      %get3A_178 = arith.index_cast %add3A_177 : i32 to index
      %get3A_179 = tpu.vector_load %arg9[%get3A_178] {strides = array<i32>} : memref<30720xi32, #tpu.memory_space<vmem>>, vector<16xi32>,
      %mul3A_180 = arith.constant 2 : i32
      %mul3A_181 = arith.muli %mul3A_53, %mul3A_180 : i32
      %mul3A_182 = arith.constant 64 : i32
      %mul3A_183 = arith.muli %mul3A_181, %mul3A_182 : i32
      %add3A_184 = arith.constant 64 : i32
      %add3A_185 = arith.addi %mul3A_183, %add3A_184 : i32
      %add3A_186 = arith.constant 48 : i32
      %add3A_187 = arith.addi %add3A_185, %add3A_186 : i32
      %get3A_188 = arith.index_cast %add3A_187 : i32 to index
      %get3A_189 = tpu.vector_load %arg9[%get3A_188] {strides = array<i32>} : memref<30720xi32, #tpu.memory_space<vmem>>, vector<16xi32>,
      %gather3A_190 = tpu.vector_load_idx %arg16[%get3A_179] : memref<10240xf32, #tpu.memory_space<vmem>>[vector<16xi32>], vector<16xf32>,
      %gather3A_191 = tpu.vector_load_idx %arg16[%get3A_189] : memref<10240xf32, #tpu.memory_space<vmem>>[vector<16xi32>], vector<16xf32>,
      %sub3A_192 = arith.subf %gather3A_190, %gather3A_191 : vector<16xf32>
      %gather3A_193 = tpu.vector_load_idx %arg17[%get3A_179] : memref<10240xf32, #tpu.memory_space<vmem>>[vector<16xi32>], vector<16xf32>,
      %gather3A_194 = tpu.vector_load_idx %arg17[%get3A_189] : memref<10240xf32, #tpu.memory_space<vmem>>[vector<16xi32>], vector<16xf32>,
      %sub3A_195 = arith.subf %gather3A_193, %gather3A_194 : vector<16xf32>
      %gather3A_196 = tpu.vector_load_idx %arg18[%get3A_179] : memref<10240xf32, #tpu.memory_space<vmem>>[vector<16xi32>], vector<16xf32>,
      %gather3A_197 = tpu.vector_load_idx %arg18[%get3A_189] : memref<10240xf32, #tpu.memory_space<vmem>>[vector<16xi32>], vector<16xf32>,
      %sub3A_198 = arith.subf %gather3A_196, %gather3A_197 : vector<16xf32>
      %mul3A_199 = arith.mulf %sub3A_192, %sub3A_192 : vector<16xf32>
      %mul3A_200 = arith.mulf %sub3A_195, %sub3A_195 : vector<16xf32>
      %add3A_201 = arith.addf %mul3A_199, %mul3A_200 : vector<16xf32>
      %mul3A_202 = arith.mulf %sub3A_198, %sub3A_198 : vector<16xf32>
      %add3A_203 = arith.addf %add3A_201, %mul3A_202 : vector<16xf32>
      %swap3A_204 = arith.constant 48 : index
      %swap3A_205 = tpu.vector_load %arg14[%swap3A_204] {strides = array<i32>} : memref<64xf32, #tpu.memory_space<vmem>>, vector<16xf32>,
      tpu.vector_store %arg14[%swap3A_204], %add3A_203 {strides = array<i32>} : memref<64xf32, #tpu.memory_space<vmem>>, vector<16xf32>,
      %mul3A_206 = arith.constant 64 : i32
      %mul3A_207 = arith.muli %mul3A_53, %mul3A_206 : i32
      %add3A_208 = arith.addi %mul3A_15, %mul3A_207 : i32
      %dma_start3A_209 = arith.constant 0 : i32
      %dma_start3A_210 = tpu.memref_slice %arg7[%add3A_208, %dma_start3A_209] : memref<327680x128xi32, #tpu.memory_space<hbm>> -> memref<64x128xi32, #tpu.memory_space<hbm>>
      %dma_start3A_211 = arith.constant 0 : i32
      %dma_start3A_212 = tpu.memref_slice %arg7[%add3A_208, %dma_start3A_211] : memref<327680x128xi32, #tpu.memory_space<hbm>> -> memref<64x128xi32, #tpu.memory_space<hbm>>
      tpu.enqueue_dma source(%arg12 : memref<64x128xi32, #tpu.memory_space<vmem>>) target(%dma_start3A_212 : memref<64x128xi32, #tpu.memory_space<hbm>>) target_semaphore(%arg21 : memref<!tpu.dma_semaphore, #tpu.memory_space<semaphore_mem>>)
      %mul3A_213 = arith.constant 64 : i32
      %mul3A_214 = arith.muli %mul3A_53, %mul3A_213 : i32
      %add3A_215 = arith.addi %mul3A_15, %mul3A_214 : i32
      %dma_start3A_216 = tpu.memref_slice %arg8[%add3A_215] : memref<327680xf32, #tpu.memory_space<hbm>> -> memref<64xf32, #tpu.memory_space<hbm>>
      %dma_start3A_217 = tpu.memref_slice %arg8[%add3A_215] : memref<327680xf32, #tpu.memory_space<hbm>> -> memref<64xf32, #tpu.memory_space<hbm>>
      tpu.enqueue_dma source(%arg14 : memref<64xf32, #tpu.memory_space<vmem>>) target(%dma_start3A_217 : memref<64xf32, #tpu.memory_space<hbm>>) target_semaphore(%arg21 : memref<!tpu.dma_semaphore, #tpu.memory_space<semaphore_mem>>)
      %dma_wait3A_218 = arith.constant 0 : i32
      %dma_wait3A_219 = tpu.memref_slice %arg9[%dma_wait3A_218] : memref<30720xi32, #tpu.memory_space<vmem>> -> memref<128xi32, #tpu.memory_space<vmem>>
      %dma_wait3A_220 = arith.constant 0 : i32
      %dma_wait3A_221 = arith.constant 0 : i32
      %dma_wait3A_222 = tpu.memref_slice %arg3[%dma_wait3A_220, %dma_wait3A_221] : memref<10240x128xi32, #tpu.memory_space<hbm>> -> memref<10240x128xi32, #tpu.memory_space<hbm>>
      tpu.wait_indirect_dma semaphore(%arg20 : memref<!tpu.dma_semaphore, #tpu.memory_space<semaphore_mem>>) src(%dma_wait3A_222 : memref<10240x128xi32, #tpu.memory_space<hbm>>) dst(%arg11 : memref<128x128xi32, #tpu.memory_space<vmem>>)
      %dma_wait3A_223 = arith.constant 0 : i32
      %dma_wait3A_224 = tpu.memref_slice %arg7[%mul3A_15, %dma_wait3A_223] : memref<327680x128xi32, #tpu.memory_space<hbm>> -> memref<64x128xi32, #tpu.memory_space<hbm>>
      %dma_wait3A_225 = arith.constant 0 : i32
      %dma_wait3A_226 = tpu.memref_slice %arg7[%mul3A_15, %dma_wait3A_225] : memref<327680x128xi32, #tpu.memory_space<hbm>> -> memref<64x128xi32, #tpu.memory_space<hbm>>
      tpu.wait_dma2 semaphore(%arg21 : memref<!tpu.dma_semaphore, #tpu.memory_space<semaphore_mem>>) src(%arg12 : memref<64x128xi32, #tpu.memory_space<vmem>>) dst(%dma_wait3A_226 : memref<64x128xi32, #tpu.memory_space<hbm>>)
      %dma_wait3A_227 = tpu.memref_slice %arg8[%mul3A_15] : memref<327680xf32, #tpu.memory_space<hbm>> -> memref<64xf32, #tpu.memory_space<hbm>>
      %dma_wait3A_228 = tpu.memref_slice %arg8[%mul3A_15] : memref<327680xf32, #tpu.memory_space<hbm>> -> memref<64xf32, #tpu.memory_space<hbm>>
      tpu.wait_dma2 semaphore(%arg21 : memref<!tpu.dma_semaphore, #tpu.memory_space<semaphore_mem>>) src(%arg14 : memref<64xf32, #tpu.memory_space<vmem>>) dst(%dma_wait3A_228 : memref<64xf32, #tpu.memory_space<hbm>>)
      %sub3A_229 = arith.constant 1 : i32
      %sub3A_230 = arith.subi %select_n3A_36, %sub3A_229 : i32
      %lt3A = arith.cmpi slt, %while3A_51, %sub3A_230 : i32
      %convert_element_type3A_231 = arith.extui %lt3A : i1 to i32
      %cond3A_232 = arith.constant 0 : i32
      %cond3A_233 = arith.cmpi ne, %convert_element_type3A_231, %cond3A_232 : i32
      scf.if %cond3A_233 {
        %add3A_385 = arith.constant 2 : i32
        %add3A_386 = arith.addi %mul3A_53, %add3A_385 : i32
        %mul3A_387 = arith.constant 2 : i32
        %mul3A_388 = arith.muli %add3A_386, %mul3A_387 : i32
        %mul3A_389 = arith.constant 64 : i32
        %mul3A_390 = arith.muli %mul3A_388, %mul3A_389 : i32
        %dma_start3A_391 = tpu.memref_slice %arg9[%mul3A_390] : memref<30720xi32, #tpu.memory_space<vmem>> -> memref<128xi32, #tpu.memory_space<vmem>>
        %dma_start3A_392 = arith.constant 0 : i32
        %dma_start3A_393 = arith.constant 0 : i32
        %dma_start3A_394 = tpu.memref_slice %arg3[%dma_start3A_392, %dma_start3A_393] : memref<10240x128xi32, #tpu.memory_space<hbm>> -> memref<10240x128xi32, #tpu.memory_space<hbm>>
        tpu.enqueue_indirect_dma source(%dma_start3A_394 : memref<10240x128xi32, #tpu.memory_space<hbm>>) target(%arg10 : memref<128x128xi32, #tpu.memory_space<vmem>>) offsets(%dma_start3A_391 : memref<128xi32, #tpu.memory_space<vmem>>) semaphore(%arg19 : memref<!tpu.dma_semaphore, #tpu.memory_space<semaphore_mem>>)
      } else {
      }
      %parallel_loop3A_234 = arith.constant 0 : i32
      %parallel_loop3A_235 = arith.constant 64 : i32
      %parallel_loop3A_236 = arith.constant 1 : i32
      scf.for %parallel_loop3A_385 = %parallel_loop3A_234 to %parallel_loop3A_235 step %parallel_loop3A_236  : i32 {
        %parallel_loop3A_386 = arith.index_cast %parallel_loop3A_385 : i32 to index
        %parallel_loop3A_387 = arith.constant 0 : index
        %parallel_loop3A_388 = tpu.vector_load %arg11[%parallel_loop3A_386, %parallel_loop3A_387] {strides = array<i32>} : memref<128x128xi32, #tpu.memory_space<vmem>>, vector<16xi32>,
        %parallel_loop3A_389 = vector.bitcast %parallel_loop3A_388 : vector<16xi32> to vector<32xbf16>
        %parallel_loop3A_390 = arith.constant 64 : i32
        %parallel_loop3A_391 = arith.addi %parallel_loop3A_390, %parallel_loop3A_385 : i32
        %parallel_loop3A_392 = arith.index_cast %parallel_loop3A_391 : i32 to index
        %parallel_loop3A_393 = arith.constant 0 : index
        %parallel_loop3A_394 = tpu.vector_load %arg11[%parallel_loop3A_392, %parallel_loop3A_393] {strides = array<i32>} : memref<128x128xi32, #tpu.memory_space<vmem>>, vector<16xi32>,
        %parallel_loop3A_395 = vector.bitcast %parallel_loop3A_394 : vector<16xi32> to vector<32xbf16>
        %parallel_loop3A_396 = arith.addf %parallel_loop3A_389, %parallel_loop3A_395 : vector<32xbf16>
        %parallel_loop3A_397 = vector.bitcast %parallel_loop3A_396 : vector<32xbf16> to vector<16xi32>
        %parallel_loop3A_398 = arith.index_cast %parallel_loop3A_385 : i32 to index
        %parallel_loop3A_399 = arith.constant 0 : index
        %parallel_loop3A_400 = tpu.vector_load %arg13[%parallel_loop3A_398, %parallel_loop3A_399] {strides = array<i32>} : memref<64x128xi32, #tpu.memory_space<vmem>>, vector<16xi32>,
        tpu.vector_store %arg13[%parallel_loop3A_398, %parallel_loop3A_399], %parallel_loop3A_397 {strides = array<i32>} : memref<64x128xi32, #tpu.memory_space<vmem>>, vector<16xi32>,
        %parallel_loop3A_401 = arith.index_cast %parallel_loop3A_385 : i32 to index
        %parallel_loop3A_402 = arith.constant 16 : index
        %parallel_loop3A_403 = tpu.vector_load %arg11[%parallel_loop3A_401, %parallel_loop3A_402] {strides = array<i32>} : memref<128x128xi32, #tpu.memory_space<vmem>>, vector<16xi32>,
        %parallel_loop3A_404 = vector.bitcast %parallel_loop3A_403 : vector<16xi32> to vector<32xbf16>
        %parallel_loop3A_405 = arith.constant 64 : i32
        %parallel_loop3A_406 = arith.addi %parallel_loop3A_405, %parallel_loop3A_385 : i32
        %parallel_loop3A_407 = arith.index_cast %parallel_loop3A_406 : i32 to index
        %parallel_loop3A_408 = arith.constant 16 : index
        %parallel_loop3A_409 = tpu.vector_load %arg11[%parallel_loop3A_407, %parallel_loop3A_408] {strides = array<i32>} : memref<128x128xi32, #tpu.memory_space<vmem>>, vector<16xi32>,
        %parallel_loop3A_410 = vector.bitcast %parallel_loop3A_409 : vector<16xi32> to vector<32xbf16>
        %parallel_loop3A_411 = arith.addf %parallel_loop3A_404, %parallel_loop3A_410 : vector<32xbf16>
        %parallel_loop3A_412 = vector.bitcast %parallel_loop3A_411 : vector<32xbf16> to vector<16xi32>
        %parallel_loop3A_413 = arith.index_cast %parallel_loop3A_385 : i32 to index
        %parallel_loop3A_414 = arith.constant 16 : index
        %parallel_loop3A_415 = tpu.vector_load %arg13[%parallel_loop3A_413, %parallel_loop3A_414] {strides = array<i32>} : memref<64x128xi32, #tpu.memory_space<vmem>>, vector<16xi32>,
        tpu.vector_store %arg13[%parallel_loop3A_413, %parallel_loop3A_414], %parallel_loop3A_412 {strides = array<i32>} : memref<64x128xi32, #tpu.memory_space<vmem>>, vector<16xi32>,
        %parallel_loop3A_416 = arith.index_cast %parallel_loop3A_385 : i32 to index
        %parallel_loop3A_417 = arith.constant 32 : index
        %parallel_loop3A_418 = tpu.vector_load %arg11[%parallel_loop3A_416, %parallel_loop3A_417] {strides = array<i32>} : memref<128x128xi32, #tpu.memory_space<vmem>>, vector<16xi32>,
        %parallel_loop3A_419 = vector.bitcast %parallel_loop3A_418 : vector<16xi32> to vector<32xbf16>
        %parallel_loop3A_420 = arith.constant 64 : i32
        %parallel_loop3A_421 = arith.addi %parallel_loop3A_420, %parallel_loop3A_385 : i32
        %parallel_loop3A_422 = arith.index_cast %parallel_loop3A_421 : i32 to index
        %parallel_loop3A_423 = arith.constant 32 : index
        %parallel_loop3A_424 = tpu.vector_load %arg11[%parallel_loop3A_422, %parallel_loop3A_423] {strides = array<i32>} : memref<128x128xi32, #tpu.memory_space<vmem>>, vector<16xi32>,
        %parallel_loop3A_425 = vector.bitcast %parallel_loop3A_424 : vector<16xi32> to vector<32xbf16>
        %parallel_loop3A_426 = arith.addf %parallel_loop3A_419, %parallel_loop3A_425 : vector<32xbf16>
        %parallel_loop3A_427 = vector.bitcast %parallel_loop3A_426 : vector<32xbf16> to vector<16xi32>
        %parallel_loop3A_428 = arith.index_cast %parallel_loop3A_385 : i32 to index
        %parallel_loop3A_429 = arith.constant 32 : index
        %parallel_loop3A_430 = tpu.vector_load %arg13[%parallel_loop3A_428, %parallel_loop3A_429] {strides = array<i32>} : memref<64x128xi32, #tpu.memory_space<vmem>>, vector<16xi32>,
        tpu.vector_store %arg13[%parallel_loop3A_428, %parallel_loop3A_429], %parallel_loop3A_427 {strides = array<i32>} : memref<64x128xi32, #tpu.memory_space<vmem>>, vector<16xi32>,
        %parallel_loop3A_431 = arith.index_cast %parallel_loop3A_385 : i32 to index
        %parallel_loop3A_432 = arith.constant 48 : index
        %parallel_loop3A_433 = tpu.vector_load %arg11[%parallel_loop3A_431, %parallel_loop3A_432] {strides = array<i32>} : memref<128x128xi32, #tpu.memory_space<vmem>>, vector<16xi32>,
        %parallel_loop3A_434 = vector.bitcast %parallel_loop3A_433 : vector<16xi32> to vector<32xbf16>
        %parallel_loop3A_435 = arith.constant 64 : i32
        %parallel_loop3A_436 = arith.addi %parallel_loop3A_435, %parallel_loop3A_385 : i32
        %parallel_loop3A_437 = arith.index_cast %parallel_loop3A_436 : i32 to index
        %parallel_loop3A_438 = arith.constant 48 : index
        %parallel_loop3A_439 = tpu.vector_load %arg11[%parallel_loop3A_437, %parallel_loop3A_438] {strides = array<i32>} : memref<128x128xi32, #tpu.memory_space<vmem>>, vector<16xi32>,
        %parallel_loop3A_440 = vector.bitcast %parallel_loop3A_439 : vector<16xi32> to vector<32xbf16>
        %parallel_loop3A_441 = arith.addf %parallel_loop3A_434, %parallel_loop3A_440 : vector<32xbf16>
        %parallel_loop3A_442 = vector.bitcast %parallel_loop3A_441 : vector<32xbf16> to vector<16xi32>
        %parallel_loop3A_443 = arith.index_cast %parallel_loop3A_385 : i32 to index
        %parallel_loop3A_444 = arith.constant 48 : index
        %parallel_loop3A_445 = tpu.vector_load %arg13[%parallel_loop3A_443, %parallel_loop3A_444] {strides = array<i32>} : memref<64x128xi32, #tpu.memory_space<vmem>>, vector<16xi32>,
        tpu.vector_store %arg13[%parallel_loop3A_443, %parallel_loop3A_444], %parallel_loop3A_442 {strides = array<i32>} : memref<64x128xi32, #tpu.memory_space<vmem>>, vector<16xi32>,
        %parallel_loop3A_446 = arith.index_cast %parallel_loop3A_385 : i32 to index
        %parallel_loop3A_447 = arith.constant 64 : index
        %parallel_loop3A_448 = tpu.vector_load %arg11[%parallel_loop3A_446, %parallel_loop3A_447] {strides = array<i32>} : memref<128x128xi32, #tpu.memory_space<vmem>>, vector<16xi32>,
        %parallel_loop3A_449 = vector.bitcast %parallel_loop3A_448 : vector<16xi32> to vector<32xbf16>
        %parallel_loop3A_450 = arith.constant 64 : i32
        %parallel_loop3A_451 = arith.addi %parallel_loop3A_450, %parallel_loop3A_385 : i32
        %parallel_loop3A_452 = arith.index_cast %parallel_loop3A_451 : i32 to index
        %parallel_loop3A_453 = arith.constant 64 : index
        %parallel_loop3A_454 = tpu.vector_load %arg11[%parallel_loop3A_452, %parallel_loop3A_453] {strides = array<i32>} : memref<128x128xi32, #tpu.memory_space<vmem>>, vector<16xi32>,
        %parallel_loop3A_455 = vector.bitcast %parallel_loop3A_454 : vector<16xi32> to vector<32xbf16>
        %parallel_loop3A_456 = arith.addf %parallel_loop3A_449, %parallel_loop3A_455 : vector<32xbf16>
        %parallel_loop3A_457 = vector.bitcast %parallel_loop3A_456 : vector<32xbf16> to vector<16xi32>
        %parallel_loop3A_458 = arith.index_cast %parallel_loop3A_385 : i32 to index
        %parallel_loop3A_459 = arith.constant 64 : index
        %parallel_loop3A_460 = tpu.vector_load %arg13[%parallel_loop3A_458, %parallel_loop3A_459] {strides = array<i32>} : memref<64x128xi32, #tpu.memory_space<vmem>>, vector<16xi32>,
        tpu.vector_store %arg13[%parallel_loop3A_458, %parallel_loop3A_459], %parallel_loop3A_457 {strides = array<i32>} : memref<64x128xi32, #tpu.memory_space<vmem>>, vector<16xi32>,
        %parallel_loop3A_461 = arith.index_cast %parallel_loop3A_385 : i32 to index
        %parallel_loop3A_462 = arith.constant 80 : index
        %parallel_loop3A_463 = tpu.vector_load %arg11[%parallel_loop3A_461, %parallel_loop3A_462] {strides = array<i32>} : memref<128x128xi32, #tpu.memory_space<vmem>>, vector<16xi32>,
        %parallel_loop3A_464 = vector.bitcast %parallel_loop3A_463 : vector<16xi32> to vector<32xbf16>
        %parallel_loop3A_465 = arith.constant 64 : i32
        %parallel_loop3A_466 = arith.addi %parallel_loop3A_465, %parallel_loop3A_385 : i32
        %parallel_loop3A_467 = arith.index_cast %parallel_loop3A_466 : i32 to index
        %parallel_loop3A_468 = arith.constant 80 : index
        %parallel_loop3A_469 = tpu.vector_load %arg11[%parallel_loop3A_467, %parallel_loop3A_468] {strides = array<i32>} : memref<128x128xi32, #tpu.memory_space<vmem>>, vector<16xi32>,
        %parallel_loop3A_470 = vector.bitcast %parallel_loop3A_469 : vector<16xi32> to vector<32xbf16>
        %parallel_loop3A_471 = arith.addf %parallel_loop3A_464, %parallel_loop3A_470 : vector<32xbf16>
        %parallel_loop3A_472 = vector.bitcast %parallel_loop3A_471 : vector<32xbf16> to vector<16xi32>
        %parallel_loop3A_473 = arith.index_cast %parallel_loop3A_385 : i32 to index
        %parallel_loop3A_474 = arith.constant 80 : index
        %parallel_loop3A_475 = tpu.vector_load %arg13[%parallel_loop3A_473, %parallel_loop3A_474] {strides = array<i32>} : memref<64x128xi32, #tpu.memory_space<vmem>>, vector<16xi32>,
        tpu.vector_store %arg13[%parallel_loop3A_473, %parallel_loop3A_474], %parallel_loop3A_472 {strides = array<i32>} : memref<64x128xi32, #tpu.memory_space<vmem>>, vector<16xi32>,
        %parallel_loop3A_476 = arith.index_cast %parallel_loop3A_385 : i32 to index
        %parallel_loop3A_477 = arith.constant 96 : index
        %parallel_loop3A_478 = tpu.vector_load %arg11[%parallel_loop3A_476, %parallel_loop3A_477] {strides = array<i32>} : memref<128x128xi32, #tpu.memory_space<vmem>>, vector<16xi32>,
        %parallel_loop3A_479 = vector.bitcast %parallel_loop3A_478 : vector<16xi32> to vector<32xbf16>
        %parallel_loop3A_480 = arith.constant 64 : i32
        %parallel_loop3A_481 = arith.addi %parallel_loop3A_480, %parallel_loop3A_385 : i32
        %parallel_loop3A_482 = arith.index_cast %parallel_loop3A_481 : i32 to index
        %parallel_loop3A_483 = arith.constant 96 : index
        %parallel_loop3A_484 = tpu.vector_load %arg11[%parallel_loop3A_482, %parallel_loop3A_483] {strides = array<i32>} : memref<128x128xi32, #tpu.memory_space<vmem>>, vector<16xi32>,
        %parallel_loop3A_485 = vector.bitcast %parallel_loop3A_484 : vector<16xi32> to vector<32xbf16>
        %parallel_loop3A_486 = arith.addf %parallel_loop3A_479, %parallel_loop3A_485 : vector<32xbf16>
        %parallel_loop3A_487 = vector.bitcast %parallel_loop3A_486 : vector<32xbf16> to vector<16xi32>
        %parallel_loop3A_488 = arith.index_cast %parallel_loop3A_385 : i32 to index
        %parallel_loop3A_489 = arith.constant 96 : index
        %parallel_loop3A_490 = tpu.vector_load %arg13[%parallel_loop3A_488, %parallel_loop3A_489] {strides = array<i32>} : memref<64x128xi32, #tpu.memory_space<vmem>>, vector<16xi32>,
        tpu.vector_store %arg13[%parallel_loop3A_488, %parallel_loop3A_489], %parallel_loop3A_487 {strides = array<i32>} : memref<64x128xi32, #tpu.memory_space<vmem>>, vector<16xi32>,
        %parallel_loop3A_491 = arith.index_cast %parallel_loop3A_385 : i32 to index
        %parallel_loop3A_492 = arith.constant 112 : index
        %parallel_loop3A_493 = tpu.vector_load %arg11[%parallel_loop3A_491, %parallel_loop3A_492] {strides = array<i32>} : memref<128x128xi32, #tpu.memory_space<vmem>>, vector<16xi32>,
        %parallel_loop3A_494 = vector.bitcast %parallel_loop3A_493 : vector<16xi32> to vector<32xbf16>
        %parallel_loop3A_495 = arith.constant 64 : i32
        %parallel_loop3A_496 = arith.addi %parallel_loop3A_495, %parallel_loop3A_385 : i32
        %parallel_loop3A_497 = arith.index_cast %parallel_loop3A_496 : i32 to index
        %parallel_loop3A_498 = arith.constant 112 : index
        %parallel_loop3A_499 = tpu.vector_load %arg11[%parallel_loop3A_497, %parallel_loop3A_498] {strides = array<i32>} : memref<128x128xi32, #tpu.memory_space<vmem>>, vector<16xi32>,
        %parallel_loop3A_500 = vector.bitcast %parallel_loop3A_499 : vector<16xi32> to vector<32xbf16>
        %parallel_loop3A_501 = arith.addf %parallel_loop3A_494, %parallel_loop3A_500 : vector<32xbf16>
        %parallel_loop3A_502 = vector.bitcast %parallel_loop3A_501 : vector<32xbf16> to vector<16xi32>
        %parallel_loop3A_503 = arith.index_cast %parallel_loop3A_385 : i32 to index
        %parallel_loop3A_504 = arith.constant 112 : index
        %parallel_loop3A_505 = tpu.vector_load %arg13[%parallel_loop3A_503, %parallel_loop3A_504] {strides = array<i32>} : memref<64x128xi32, #tpu.memory_space<vmem>>, vector<16xi32>,
        tpu.vector_store %arg13[%parallel_loop3A_503, %parallel_loop3A_504], %parallel_loop3A_502 {strides = array<i32>} : memref<64x128xi32, #tpu.memory_space<vmem>>, vector<16xi32>,
      } {sc.loop_unroll_factor = 2 : i64, sc.parallel_access}
      %mul3A_237 = arith.constant 2 : i32
      %mul3A_238 = arith.muli %add3A_55, %mul3A_237 : i32
      %mul3A_239 = arith.constant 64 : i32
      %mul3A_240 = arith.muli %mul3A_238, %mul3A_239 : i32
      %add3A_241 = arith.constant 0 : i32
      %add3A_242 = arith.addi %mul3A_240, %add3A_241 : i32
      %get3A_243 = arith.index_cast %add3A_242 : i32 to index
      %get3A_244 = tpu.vector_load %arg9[%get3A_243] {strides = array<i32>} : memref<30720xi32, #tpu.memory_space<vmem>>, vector<16xi32>,
      %mul3A_245 = arith.constant 2 : i32
      %mul3A_246 = arith.muli %add3A_55, %mul3A_245 : i32
      %mul3A_247 = arith.constant 64 : i32
      %mul3A_248 = arith.muli %mul3A_246, %mul3A_247 : i32
      %add3A_249 = arith.constant 64 : i32
      %add3A_250 = arith.addi %mul3A_248, %add3A_249 : i32
      %add3A_251 = arith.constant 0 : i32
      %add3A_252 = arith.addi %add3A_250, %add3A_251 : i32
      %get3A_253 = arith.index_cast %add3A_252 : i32 to index
      %get3A_254 = tpu.vector_load %arg9[%get3A_253] {strides = array<i32>} : memref<30720xi32, #tpu.memory_space<vmem>>, vector<16xi32>,
      %gather3A_255 = tpu.vector_load_idx %arg16[%get3A_244] : memref<10240xf32, #tpu.memory_space<vmem>>[vector<16xi32>], vector<16xf32>,
      %gather3A_256 = tpu.vector_load_idx %arg16[%get3A_254] : memref<10240xf32, #tpu.memory_space<vmem>>[vector<16xi32>], vector<16xf32>,
      %sub3A_257 = arith.subf %gather3A_255, %gather3A_256 : vector<16xf32>
      %gather3A_258 = tpu.vector_load_idx %arg17[%get3A_244] : memref<10240xf32, #tpu.memory_space<vmem>>[vector<16xi32>], vector<16xf32>,
      %gather3A_259 = tpu.vector_load_idx %arg17[%get3A_254] : memref<10240xf32, #tpu.memory_space<vmem>>[vector<16xi32>], vector<16xf32>,
      %sub3A_260 = arith.subf %gather3A_258, %gather3A_259 : vector<16xf32>
      %gather3A_261 = tpu.vector_load_idx %arg18[%get3A_244] : memref<10240xf32, #tpu.memory_space<vmem>>[vector<16xi32>], vector<16xf32>,
      %gather3A_262 = tpu.vector_load_idx %arg18[%get3A_254] : memref<10240xf32, #tpu.memory_space<vmem>>[vector<16xi32>], vector<16xf32>,
      %sub3A_263 = arith.subf %gather3A_261, %gather3A_262 : vector<16xf32>
      %mul3A_264 = arith.mulf %sub3A_257, %sub3A_257 : vector<16xf32>
      %mul3A_265 = arith.mulf %sub3A_260, %sub3A_260 : vector<16xf32>
      %add3A_266 = arith.addf %mul3A_264, %mul3A_265 : vector<16xf32>
      %mul3A_267 = arith.mulf %sub3A_263, %sub3A_263 : vector<16xf32>
      %add3A_268 = arith.addf %add3A_266, %mul3A_267 : vector<16xf32>
      %swap3A_269 = arith.constant 0 : index
      %swap3A_270 = tpu.vector_load %arg15[%swap3A_269] {strides = array<i32>} : memref<64xf32, #tpu.memory_space<vmem>>, vector<16xf32>,
      tpu.vector_store %arg15[%swap3A_269], %add3A_268 {strides = array<i32>} : memref<64xf32, #tpu.memory_space<vmem>>, vector<16xf32>,
      %mul3A_271 = arith.constant 2 : i32
      %mul3A_272 = arith.muli %add3A_55, %mul3A_271 : i32
      %mul3A_273 = arith.constant 64 : i32
      %mul3A_274 = arith.muli %mul3A_272, %mul3A_273 : i32
      %add3A_275 = arith.constant 16 : i32
      %add3A_276 = arith.addi %mul3A_274, %add3A_275 : i32
      %get3A_277 = arith.index_cast %add3A_276 : i32 to index
      %get3A_278 = tpu.vector_load %arg9[%get3A_277] {strides = array<i32>} : memref<30720xi32, #tpu.memory_space<vmem>>, vector<16xi32>,
      %mul3A_279 = arith.constant 2 : i32
      %mul3A_280 = arith.muli %add3A_55, %mul3A_279 : i32
      %mul3A_281 = arith.constant 64 : i32
      %mul3A_282 = arith.muli %mul3A_280, %mul3A_281 : i32
      %add3A_283 = arith.constant 64 : i32
      %add3A_284 = arith.addi %mul3A_282, %add3A_283 : i32
      %add3A_285 = arith.constant 16 : i32
      %add3A_286 = arith.addi %add3A_284, %add3A_285 : i32
      %get3A_287 = arith.index_cast %add3A_286 : i32 to index
      %get3A_288 = tpu.vector_load %arg9[%get3A_287] {strides = array<i32>} : memref<30720xi32, #tpu.memory_space<vmem>>, vector<16xi32>,
      %gather3A_289 = tpu.vector_load_idx %arg16[%get3A_278] : memref<10240xf32, #tpu.memory_space<vmem>>[vector<16xi32>], vector<16xf32>,
      %gather3A_290 = tpu.vector_load_idx %arg16[%get3A_288] : memref<10240xf32, #tpu.memory_space<vmem>>[vector<16xi32>], vector<16xf32>,
      %sub3A_291 = arith.subf %gather3A_289, %gather3A_290 : vector<16xf32>
      %gather3A_292 = tpu.vector_load_idx %arg17[%get3A_278] : memref<10240xf32, #tpu.memory_space<vmem>>[vector<16xi32>], vector<16xf32>,
      %gather3A_293 = tpu.vector_load_idx %arg17[%get3A_288] : memref<10240xf32, #tpu.memory_space<vmem>>[vector<16xi32>], vector<16xf32>,
      %sub3A_294 = arith.subf %gather3A_292, %gather3A_293 : vector<16xf32>
      %gather3A_295 = tpu.vector_load_idx %arg18[%get3A_278] : memref<10240xf32, #tpu.memory_space<vmem>>[vector<16xi32>], vector<16xf32>,
      %gather3A_296 = tpu.vector_load_idx %arg18[%get3A_288] : memref<10240xf32, #tpu.memory_space<vmem>>[vector<16xi32>], vector<16xf32>,
      %sub3A_297 = arith.subf %gather3A_295, %gather3A_296 : vector<16xf32>
      %mul3A_298 = arith.mulf %sub3A_291, %sub3A_291 : vector<16xf32>
      %mul3A_299 = arith.mulf %sub3A_294, %sub3A_294 : vector<16xf32>
      %add3A_300 = arith.addf %mul3A_298, %mul3A_299 : vector<16xf32>
      %mul3A_301 = arith.mulf %sub3A_297, %sub3A_297 : vector<16xf32>
      %add3A_302 = arith.addf %add3A_300, %mul3A_301 : vector<16xf32>
      %swap3A_303 = arith.constant 16 : index
      %swap3A_304 = tpu.vector_load %arg15[%swap3A_303] {strides = array<i32>} : memref<64xf32, #tpu.memory_space<vmem>>, vector<16xf32>,
      tpu.vector_store %arg15[%swap3A_303], %add3A_302 {strides = array<i32>} : memref<64xf32, #tpu.memory_space<vmem>>, vector<16xf32>,
      %mul3A_305 = arith.constant 2 : i32
      %mul3A_306 = arith.muli %add3A_55, %mul3A_305 : i32
      %mul3A_307 = arith.constant 64 : i32
      %mul3A_308 = arith.muli %mul3A_306, %mul3A_307 : i32
      %add3A_309 = arith.constant 32 : i32
      %add3A_310 = arith.addi %mul3A_308, %add3A_309 : i32
      %get3A_311 = arith.index_cast %add3A_310 : i32 to index
      %get3A_312 = tpu.vector_load %arg9[%get3A_311] {strides = array<i32>} : memref<30720xi32, #tpu.memory_space<vmem>>, vector<16xi32>,
      %mul3A_313 = arith.constant 2 : i32
      %mul3A_314 = arith.muli %add3A_55, %mul3A_313 : i32
      %mul3A_315 = arith.constant 64 : i32
      %mul3A_316 = arith.muli %mul3A_314, %mul3A_315 : i32
      %add3A_317 = arith.constant 64 : i32
      %add3A_318 = arith.addi %mul3A_316, %add3A_317 : i32
      %add3A_319 = arith.constant 32 : i32
      %add3A_320 = arith.addi %add3A_318, %add3A_319 : i32
      %get3A_321 = arith.index_cast %add3A_320 : i32 to index
      %get3A_322 = tpu.vector_load %arg9[%get3A_321] {strides = array<i32>} : memref<30720xi32, #tpu.memory_space<vmem>>, vector<16xi32>,
      %gather3A_323 = tpu.vector_load_idx %arg16[%get3A_312] : memref<10240xf32, #tpu.memory_space<vmem>>[vector<16xi32>], vector<16xf32>,
      %gather3A_324 = tpu.vector_load_idx %arg16[%get3A_322] : memref<10240xf32, #tpu.memory_space<vmem>>[vector<16xi32>], vector<16xf32>,
      %sub3A_325 = arith.subf %gather3A_323, %gather3A_324 : vector<16xf32>
      %gather3A_326 = tpu.vector_load_idx %arg17[%get3A_312] : memref<10240xf32, #tpu.memory_space<vmem>>[vector<16xi32>], vector<16xf32>,
      %gather3A_327 = tpu.vector_load_idx %arg17[%get3A_322] : memref<10240xf32, #tpu.memory_space<vmem>>[vector<16xi32>], vector<16xf32>,
      %sub3A_328 = arith.subf %gather3A_326, %gather3A_327 : vector<16xf32>
      %gather3A_329 = tpu.vector_load_idx %arg18[%get3A_312] : memref<10240xf32, #tpu.memory_space<vmem>>[vector<16xi32>], vector<16xf32>,
      %gather3A_330 = tpu.vector_load_idx %arg18[%get3A_322] : memref<10240xf32, #tpu.memory_space<vmem>>[vector<16xi32>], vector<16xf32>,
      %sub3A_331 = arith.subf %gather3A_329, %gather3A_330 : vector<16xf32>
      %mul3A_332 = arith.mulf %sub3A_325, %sub3A_325 : vector<16xf32>
      %mul3A_333 = arith.mulf %sub3A_328, %sub3A_328 : vector<16xf32>
      %add3A_334 = arith.addf %mul3A_332, %mul3A_333 : vector<16xf32>
      %mul3A_335 = arith.mulf %sub3A_331, %sub3A_331 : vector<16xf32>
      %add3A_336 = arith.addf %add3A_334, %mul3A_335 : vector<16xf32>
      %swap3A_337 = arith.constant 32 : index
      %swap3A_338 = tpu.vector_load %arg15[%swap3A_337] {strides = array<i32>} : memref<64xf32, #tpu.memory_space<vmem>>, vector<16xf32>,
      tpu.vector_store %arg15[%swap3A_337], %add3A_336 {strides = array<i32>} : memref<64xf32, #tpu.memory_space<vmem>>, vector<16xf32>,
      %mul3A_339 = arith.constant 2 : i32
      %mul3A_340 = arith.muli %add3A_55, %mul3A_339 : i32
      %mul3A_341 = arith.constant 64 : i32
      %mul3A_342 = arith.muli %mul3A_340, %mul3A_341 : i32
      %add3A_343 = arith.constant 48 : i32
      %add3A_344 = arith.addi %mul3A_342, %add3A_343 : i32
      %get3A_345 = arith.index_cast %add3A_344 : i32 to index
      %get3A_346 = tpu.vector_load %arg9[%get3A_345] {strides = array<i32>} : memref<30720xi32, #tpu.memory_space<vmem>>, vector<16xi32>,
      %mul3A_347 = arith.constant 2 : i32
      %mul3A_348 = arith.muli %add3A_55, %mul3A_347 : i32
      %mul3A_349 = arith.constant 64 : i32
      %mul3A_350 = arith.muli %mul3A_348, %mul3A_349 : i32
      %add3A_351 = arith.constant 64 : i32
      %add3A_352 = arith.addi %mul3A_350, %add3A_351 : i32
      %add3A_353 = arith.constant 48 : i32
      %add3A_354 = arith.addi %add3A_352, %add3A_353 : i32
      %get3A_355 = arith.index_cast %add3A_354 : i32 to index
      %get3A_356 = tpu.vector_load %arg9[%get3A_355] {strides = array<i32>} : memref<30720xi32, #tpu.memory_space<vmem>>, vector<16xi32>,
      %gather3A_357 = tpu.vector_load_idx %arg16[%get3A_346] : memref<10240xf32, #tpu.memory_space<vmem>>[vector<16xi32>], vector<16xf32>,
      %gather3A_358 = tpu.vector_load_idx %arg16[%get3A_356] : memref<10240xf32, #tpu.memory_space<vmem>>[vector<16xi32>], vector<16xf32>,
      %sub3A_359 = arith.subf %gather3A_357, %gather3A_358 : vector<16xf32>
      %gather3A_360 = tpu.vector_load_idx %arg17[%get3A_346] : memref<10240xf32, #tpu.memory_space<vmem>>[vector<16xi32>], vector<16xf32>,
      %gather3A_361 = tpu.vector_load_idx %arg17[%get3A_356] : memref<10240xf32, #tpu.memory_space<vmem>>[vector<16xi32>], vector<16xf32>,
      %sub3A_362 = arith.subf %gather3A_360, %gather3A_361 : vector<16xf32>
      %gather3A_363 = tpu.vector_load_idx %arg18[%get3A_346] : memref<10240xf32, #tpu.memory_space<vmem>>[vector<16xi32>], vector<16xf32>,
      %gather3A_364 = tpu.vector_load_idx %arg18[%get3A_356] : memref<10240xf32, #tpu.memory_space<vmem>>[vector<16xi32>], vector<16xf32>,
      %sub3A_365 = arith.subf %gather3A_363, %gather3A_364 : vector<16xf32>
      %mul3A_366 = arith.mulf %sub3A_359, %sub3A_359 : vector<16xf32>
      %mul3A_367 = arith.mulf %sub3A_362, %sub3A_362 : vector<16xf32>
      %add3A_368 = arith.addf %mul3A_366, %mul3A_367 : vector<16xf32>
      %mul3A_369 = arith.mulf %sub3A_365, %sub3A_365 : vector<16xf32>
      %add3A_370 = arith.addf %add3A_368, %mul3A_369 : vector<16xf32>
      %swap3A_371 = arith.constant 48 : index
      %swap3A_372 = tpu.vector_load %arg15[%swap3A_371] {strides = array<i32>} : memref<64xf32, #tpu.memory_space<vmem>>, vector<16xf32>,
      tpu.vector_store %arg15[%swap3A_371], %add3A_370 {strides = array<i32>} : memref<64xf32, #tpu.memory_space<vmem>>, vector<16xf32>,
      %mul3A_373 = arith.constant 64 : i32
      %mul3A_374 = arith.muli %add3A_55, %mul3A_373 : i32
      %add3A_375 = arith.addi %mul3A_15, %mul3A_374 : i32
      %dma_start3A_376 = arith.constant 0 : i32
      %dma_start3A_377 = tpu.memref_slice %arg7[%add3A_375, %dma_start3A_376] : memref<327680x128xi32, #tpu.memory_space<hbm>> -> memref<64x128xi32, #tpu.memory_space<hbm>>
      %dma_start3A_378 = arith.constant 0 : i32
      %dma_start3A_379 = tpu.memref_slice %arg7[%add3A_375, %dma_start3A_378] : memref<327680x128xi32, #tpu.memory_space<hbm>> -> memref<64x128xi32, #tpu.memory_space<hbm>>
      tpu.enqueue_dma source(%arg13 : memref<64x128xi32, #tpu.memory_space<vmem>>) target(%dma_start3A_379 : memref<64x128xi32, #tpu.memory_space<hbm>>) target_semaphore(%arg22 : memref<!tpu.dma_semaphore, #tpu.memory_space<semaphore_mem>>)
      %mul3A_380 = arith.constant 64 : i32
      %mul3A_381 = arith.muli %add3A_55, %mul3A_380 : i32
      %add3A_382 = arith.addi %mul3A_15, %mul3A_381 : i32
      %dma_start3A_383 = tpu.memref_slice %arg8[%add3A_382] : memref<327680xf32, #tpu.memory_space<hbm>> -> memref<64xf32, #tpu.memory_space<hbm>>
      %dma_start3A_384 = tpu.memref_slice %arg8[%add3A_382] : memref<327680xf32, #tpu.memory_space<hbm>> -> memref<64xf32, #tpu.memory_space<hbm>>
      tpu.enqueue_dma source(%arg15 : memref<64xf32, #tpu.memory_space<vmem>>) target(%dma_start3A_384 : memref<64xf32, #tpu.memory_space<hbm>>) target_semaphore(%arg22 : memref<!tpu.dma_semaphore, #tpu.memory_space<semaphore_mem>>)
    }
    %while3A_45 = arith.constant 1 : i32
    scf.for %while3A_51 = %while3A_43 to %while3A_39 step %while3A_45  : i32 {
      %mul3A_52 = arith.constant 2 : i32
      %mul3A_53 = arith.muli %mul3A_52, %while3A_51 : i32
      %add3A_54 = arith.constant 1 : i32
      %add3A_55 = arith.addi %mul3A_53, %add3A_54 : i32
      %gt3A = arith.constant 0 : i32
      %gt3A_56 = arith.cmpi sgt, %while3A_51, %gt3A : i32
      %convert_element_type3A = arith.extui %gt3A_56 : i1 to i32
      %cond3A = arith.constant 0 : i32
      %cond3A_57 = arith.cmpi ne, %convert_element_type3A, %cond3A : i32
      scf.if %cond3A_57 {
        %dma_wait3A_385 = arith.constant 0 : i32
        %dma_wait3A_386 = tpu.memref_slice %arg7[%mul3A_15, %dma_wait3A_385] : memref<327680x128xi32, #tpu.memory_space<hbm>> -> memref<64x128xi32, #tpu.memory_space<hbm>>
        %dma_wait3A_387 = arith.constant 0 : i32
        %dma_wait3A_388 = tpu.memref_slice %arg7[%mul3A_15, %dma_wait3A_387] : memref<327680x128xi32, #tpu.memory_space<hbm>> -> memref<64x128xi32, #tpu.memory_space<hbm>>
        tpu.wait_dma2 semaphore(%arg22 : memref<!tpu.dma_semaphore, #tpu.memory_space<semaphore_mem>>) src(%arg13 : memref<64x128xi32, #tpu.memory_space<vmem>>) dst(%dma_wait3A_388 : memref<64x128xi32, #tpu.memory_space<hbm>>)
        %dma_wait3A_389 = tpu.memref_slice %arg8[%mul3A_15] : memref<327680xf32, #tpu.memory_space<hbm>> -> memref<64xf32, #tpu.memory_space<hbm>>
        %dma_wait3A_390 = tpu.memref_slice %arg8[%mul3A_15] : memref<327680xf32, #tpu.memory_space<hbm>> -> memref<64xf32, #tpu.memory_space<hbm>>
        tpu.wait_dma2 semaphore(%arg22 : memref<!tpu.dma_semaphore, #tpu.memory_space<semaphore_mem>>) src(%arg15 : memref<64xf32, #tpu.memory_space<vmem>>) dst(%dma_wait3A_390 : memref<64xf32, #tpu.memory_space<hbm>>)
      } else {
      }
      %mul3A_58 = arith.constant 2 : i32
      %mul3A_59 = arith.muli %add3A_55, %mul3A_58 : i32
      %mul3A_60 = arith.constant 64 : i32
      %mul3A_61 = arith.muli %mul3A_59, %mul3A_60 : i32
      %dma_start3A_62 = tpu.memref_slice %arg9[%mul3A_61] : memref<30720xi32, #tpu.memory_space<vmem>> -> memref<128xi32, #tpu.memory_space<vmem>>
      %dma_start3A_63 = arith.constant 0 : i32
      %dma_start3A_64 = arith.constant 0 : i32
      %dma_start3A_65 = tpu.memref_slice %arg3[%dma_start3A_63, %dma_start3A_64] : memref<10240x128xi32, #tpu.memory_space<hbm>> -> memref<10240x128xi32, #tpu.memory_space<hbm>>
      tpu.enqueue_indirect_dma source(%dma_start3A_65 : memref<10240x128xi32, #tpu.memory_space<hbm>>) target(%arg11 : memref<128x128xi32, #tpu.memory_space<vmem>>) offsets(%dma_start3A_62 : memref<128xi32, #tpu.memory_space<vmem>>) semaphore(%arg20 : memref<!tpu.dma_semaphore, #tpu.memory_space<semaphore_mem>>)
      %dma_wait3A_66 = arith.constant 0 : i32
      %dma_wait3A_67 = tpu.memref_slice %arg9[%dma_wait3A_66] : memref<30720xi32, #tpu.memory_space<vmem>> -> memref<128xi32, #tpu.memory_space<vmem>>
      %dma_wait3A_68 = arith.constant 0 : i32
      %dma_wait3A_69 = arith.constant 0 : i32
      %dma_wait3A_70 = tpu.memref_slice %arg3[%dma_wait3A_68, %dma_wait3A_69] : memref<10240x128xi32, #tpu.memory_space<hbm>> -> memref<10240x128xi32, #tpu.memory_space<hbm>>
      tpu.wait_indirect_dma semaphore(%arg19 : memref<!tpu.dma_semaphore, #tpu.memory_space<semaphore_mem>>) src(%dma_wait3A_70 : memref<10240x128xi32, #tpu.memory_space<hbm>>) dst(%arg10 : memref<128x128xi32, #tpu.memory_space<vmem>>)
      %parallel_loop3A = arith.constant 0 : i32
      %parallel_loop3A_71 = arith.constant 64 : i32
      %parallel_loop3A_72 = arith.constant 1 : i32
      scf.for %parallel_loop3A_385 = %parallel_loop3A to %parallel_loop3A_71 step %parallel_loop3A_72  : i32 {
        %parallel_loop3A_386 = arith.index_cast %parallel_loop3A_385 : i32 to index
        %parallel_loop3A_387 = arith.constant 0 : index
        %parallel_loop3A_388 = tpu.vector_load %arg10[%parallel_loop3A_386, %parallel_loop3A_387] {strides = array<i32>} : memref<128x128xi32, #tpu.memory_space<vmem>>, vector<16xi32>,
        %parallel_loop3A_389 = vector.bitcast %parallel_loop3A_388 : vector<16xi32> to vector<32xbf16>
        %parallel_loop3A_390 = arith.constant 64 : i32
        %parallel_loop3A_391 = arith.addi %parallel_loop3A_390, %parallel_loop3A_385 : i32
        %parallel_loop3A_392 = arith.index_cast %parallel_loop3A_391 : i32 to index
        %parallel_loop3A_393 = arith.constant 0 : index
        %parallel_loop3A_394 = tpu.vector_load %arg10[%parallel_loop3A_392, %parallel_loop3A_393] {strides = array<i32>} : memref<128x128xi32, #tpu.memory_space<vmem>>, vector<16xi32>,
        %parallel_loop3A_395 = vector.bitcast %parallel_loop3A_394 : vector<16xi32> to vector<32xbf16>
        %parallel_loop3A_396 = arith.addf %parallel_loop3A_389, %parallel_loop3A_395 : vector<32xbf16>
        %parallel_loop3A_397 = vector.bitcast %parallel_loop3A_396 : vector<32xbf16> to vector<16xi32>
        %parallel_loop3A_398 = arith.index_cast %parallel_loop3A_385 : i32 to index
        %parallel_loop3A_399 = arith.constant 0 : index
        %parallel_loop3A_400 = tpu.vector_load %arg12[%parallel_loop3A_398, %parallel_loop3A_399] {strides = array<i32>} : memref<64x128xi32, #tpu.memory_space<vmem>>, vector<16xi32>,
        tpu.vector_store %arg12[%parallel_loop3A_398, %parallel_loop3A_399], %parallel_loop3A_397 {strides = array<i32>} : memref<64x128xi32, #tpu.memory_space<vmem>>, vector<16xi32>,
        %parallel_loop3A_401 = arith.index_cast %parallel_loop3A_385 : i32 to index
        %parallel_loop3A_402 = arith.constant 16 : index
        %parallel_loop3A_403 = tpu.vector_load %arg10[%parallel_loop3A_401, %parallel_loop3A_402] {strides = array<i32>} : memref<128x128xi32, #tpu.memory_space<vmem>>, vector<16xi32>,
        %parallel_loop3A_404 = vector.bitcast %parallel_loop3A_403 : vector<16xi32> to vector<32xbf16>
        %parallel_loop3A_405 = arith.constant 64 : i32
        %parallel_loop3A_406 = arith.addi %parallel_loop3A_405, %parallel_loop3A_385 : i32
        %parallel_loop3A_407 = arith.index_cast %parallel_loop3A_406 : i32 to index
        %parallel_loop3A_408 = arith.constant 16 : index
        %parallel_loop3A_409 = tpu.vector_load %arg10[%parallel_loop3A_407, %parallel_loop3A_408] {strides = array<i32>} : memref<128x128xi32, #tpu.memory_space<vmem>>, vector<16xi32>,
        %parallel_loop3A_410 = vector.bitcast %parallel_loop3A_409 : vector<16xi32> to vector<32xbf16>
        %parallel_loop3A_411 = arith.addf %parallel_loop3A_404, %parallel_loop3A_410 : vector<32xbf16>
        %parallel_loop3A_412 = vector.bitcast %parallel_loop3A_411 : vector<32xbf16> to vector<16xi32>
        %parallel_loop3A_413 = arith.index_cast %parallel_loop3A_385 : i32 to index
        %parallel_loop3A_414 = arith.constant 16 : index
        %parallel_loop3A_415 = tpu.vector_load %arg12[%parallel_loop3A_413, %parallel_loop3A_414] {strides = array<i32>} : memref<64x128xi32, #tpu.memory_space<vmem>>, vector<16xi32>,
        tpu.vector_store %arg12[%parallel_loop3A_413, %parallel_loop3A_414], %parallel_loop3A_412 {strides = array<i32>} : memref<64x128xi32, #tpu.memory_space<vmem>>, vector<16xi32>,
        %parallel_loop3A_416 = arith.index_cast %parallel_loop3A_385 : i32 to index
        %parallel_loop3A_417 = arith.constant 32 : index
        %parallel_loop3A_418 = tpu.vector_load %arg10[%parallel_loop3A_416, %parallel_loop3A_417] {strides = array<i32>} : memref<128x128xi32, #tpu.memory_space<vmem>>, vector<16xi32>,
        %parallel_loop3A_419 = vector.bitcast %parallel_loop3A_418 : vector<16xi32> to vector<32xbf16>
        %parallel_loop3A_420 = arith.constant 64 : i32
        %parallel_loop3A_421 = arith.addi %parallel_loop3A_420, %parallel_loop3A_385 : i32
        %parallel_loop3A_422 = arith.index_cast %parallel_loop3A_421 : i32 to index
        %parallel_loop3A_423 = arith.constant 32 : index
        %parallel_loop3A_424 = tpu.vector_load %arg10[%parallel_loop3A_422, %parallel_loop3A_423] {strides = array<i32>} : memref<128x128xi32, #tpu.memory_space<vmem>>, vector<16xi32>,
        %parallel_loop3A_425 = vector.bitcast %parallel_loop3A_424 : vector<16xi32> to vector<32xbf16>
        %parallel_loop3A_426 = arith.addf %parallel_loop3A_419, %parallel_loop3A_425 : vector<32xbf16>
        %parallel_loop3A_427 = vector.bitcast %parallel_loop3A_426 : vector<32xbf16> to vector<16xi32>
        %parallel_loop3A_428 = arith.index_cast %parallel_loop3A_385 : i32 to index
        %parallel_loop3A_429 = arith.constant 32 : index
        %parallel_loop3A_430 = tpu.vector_load %arg12[%parallel_loop3A_428, %parallel_loop3A_429] {strides = array<i32>} : memref<64x128xi32, #tpu.memory_space<vmem>>, vector<16xi32>,
        tpu.vector_store %arg12[%parallel_loop3A_428, %parallel_loop3A_429], %parallel_loop3A_427 {strides = array<i32>} : memref<64x128xi32, #tpu.memory_space<vmem>>, vector<16xi32>,
        %parallel_loop3A_431 = arith.index_cast %parallel_loop3A_385 : i32 to index
        %parallel_loop3A_432 = arith.constant 48 : index
        %parallel_loop3A_433 = tpu.vector_load %arg10[%parallel_loop3A_431, %parallel_loop3A_432] {strides = array<i32>} : memref<128x128xi32, #tpu.memory_space<vmem>>, vector<16xi32>,
        %parallel_loop3A_434 = vector.bitcast %parallel_loop3A_433 : vector<16xi32> to vector<32xbf16>
        %parallel_loop3A_435 = arith.constant 64 : i32
        %parallel_loop3A_436 = arith.addi %parallel_loop3A_435, %parallel_loop3A_385 : i32
        %parallel_loop3A_437 = arith.index_cast %parallel_loop3A_436 : i32 to index
        %parallel_loop3A_438 = arith.constant 48 : index
        %parallel_loop3A_439 = tpu.vector_load %arg10[%parallel_loop3A_437, %parallel_loop3A_438] {strides = array<i32>} : memref<128x128xi32, #tpu.memory_space<vmem>>, vector<16xi32>,
        %parallel_loop3A_440 = vector.bitcast %parallel_loop3A_439 : vector<16xi32> to vector<32xbf16>
        %parallel_loop3A_441 = arith.addf %parallel_loop3A_434, %parallel_loop3A_440 : vector<32xbf16>
        %parallel_loop3A_442 = vector.bitcast %parallel_loop3A_441 : vector<32xbf16> to vector<16xi32>
        %parallel_loop3A_443 = arith.index_cast %parallel_loop3A_385 : i32 to index
        %parallel_loop3A_444 = arith.constant 48 : index
        %parallel_loop3A_445 = tpu.vector_load %arg12[%parallel_loop3A_443, %parallel_loop3A_444] {strides = array<i32>} : memref<64x128xi32, #tpu.memory_space<vmem>>, vector<16xi32>,
        tpu.vector_store %arg12[%parallel_loop3A_443, %parallel_loop3A_444], %parallel_loop3A_442 {strides = array<i32>} : memref<64x128xi32, #tpu.memory_space<vmem>>, vector<16xi32>,
        %parallel_loop3A_446 = arith.index_cast %parallel_loop3A_385 : i32 to index
        %parallel_loop3A_447 = arith.constant 64 : index
        %parallel_loop3A_448 = tpu.vector_load %arg10[%parallel_loop3A_446, %parallel_loop3A_447] {strides = array<i32>} : memref<128x128xi32, #tpu.memory_space<vmem>>, vector<16xi32>,
        %parallel_loop3A_449 = vector.bitcast %parallel_loop3A_448 : vector<16xi32> to vector<32xbf16>
        %parallel_loop3A_450 = arith.constant 64 : i32
        %parallel_loop3A_451 = arith.addi %parallel_loop3A_450, %parallel_loop3A_385 : i32
        %parallel_loop3A_452 = arith.index_cast %parallel_loop3A_451 : i32 to index
        %parallel_loop3A_453 = arith.constant 64 : index
        %parallel_loop3A_454 = tpu.vector_load %arg10[%parallel_loop3A_452, %parallel_loop3A_453] {strides = array<i32>} : memref<128x128xi32, #tpu.memory_space<vmem>>, vector<16xi32>,
        %parallel_loop3A_455 = vector.bitcast %parallel_loop3A_454 : vector<16xi32> to vector<32xbf16>
        %parallel_loop3A_456 = arith.addf %parallel_loop3A_449, %parallel_loop3A_455 : vector<32xbf16>
        %parallel_loop3A_457 = vector.bitcast %parallel_loop3A_456 : vector<32xbf16> to vector<16xi32>
        %parallel_loop3A_458 = arith.index_cast %parallel_loop3A_385 : i32 to index
        %parallel_loop3A_459 = arith.constant 64 : index
        %parallel_loop3A_460 = tpu.vector_load %arg12[%parallel_loop3A_458, %parallel_loop3A_459] {strides = array<i32>} : memref<64x128xi32, #tpu.memory_space<vmem>>, vector<16xi32>,
        tpu.vector_store %arg12[%parallel_loop3A_458, %parallel_loop3A_459], %parallel_loop3A_457 {strides = array<i32>} : memref<64x128xi32, #tpu.memory_space<vmem>>, vector<16xi32>,
        %parallel_loop3A_461 = arith.index_cast %parallel_loop3A_385 : i32 to index
        %parallel_loop3A_462 = arith.constant 80 : index
        %parallel_loop3A_463 = tpu.vector_load %arg10[%parallel_loop3A_461, %parallel_loop3A_462] {strides = array<i32>} : memref<128x128xi32, #tpu.memory_space<vmem>>, vector<16xi32>,
        %parallel_loop3A_464 = vector.bitcast %parallel_loop3A_463 : vector<16xi32> to vector<32xbf16>
        %parallel_loop3A_465 = arith.constant 64 : i32
        %parallel_loop3A_466 = arith.addi %parallel_loop3A_465, %parallel_loop3A_385 : i32
        %parallel_loop3A_467 = arith.index_cast %parallel_loop3A_466 : i32 to index
        %parallel_loop3A_468 = arith.constant 80 : index
        %parallel_loop3A_469 = tpu.vector_load %arg10[%parallel_loop3A_467, %parallel_loop3A_468] {strides = array<i32>} : memref<128x128xi32, #tpu.memory_space<vmem>>, vector<16xi32>,
        %parallel_loop3A_470 = vector.bitcast %parallel_loop3A_469 : vector<16xi32> to vector<32xbf16>
        %parallel_loop3A_471 = arith.addf %parallel_loop3A_464, %parallel_loop3A_470 : vector<32xbf16>
        %parallel_loop3A_472 = vector.bitcast %parallel_loop3A_471 : vector<32xbf16> to vector<16xi32>
        %parallel_loop3A_473 = arith.index_cast %parallel_loop3A_385 : i32 to index
        %parallel_loop3A_474 = arith.constant 80 : index
        %parallel_loop3A_475 = tpu.vector_load %arg12[%parallel_loop3A_473, %parallel_loop3A_474] {strides = array<i32>} : memref<64x128xi32, #tpu.memory_space<vmem>>, vector<16xi32>,
        tpu.vector_store %arg12[%parallel_loop3A_473, %parallel_loop3A_474], %parallel_loop3A_472 {strides = array<i32>} : memref<64x128xi32, #tpu.memory_space<vmem>>, vector<16xi32>,
        %parallel_loop3A_476 = arith.index_cast %parallel_loop3A_385 : i32 to index
        %parallel_loop3A_477 = arith.constant 96 : index
        %parallel_loop3A_478 = tpu.vector_load %arg10[%parallel_loop3A_476, %parallel_loop3A_477] {strides = array<i32>} : memref<128x128xi32, #tpu.memory_space<vmem>>, vector<16xi32>,
        %parallel_loop3A_479 = vector.bitcast %parallel_loop3A_478 : vector<16xi32> to vector<32xbf16>
        %parallel_loop3A_480 = arith.constant 64 : i32
        %parallel_loop3A_481 = arith.addi %parallel_loop3A_480, %parallel_loop3A_385 : i32
        %parallel_loop3A_482 = arith.index_cast %parallel_loop3A_481 : i32 to index
        %parallel_loop3A_483 = arith.constant 96 : index
        %parallel_loop3A_484 = tpu.vector_load %arg10[%parallel_loop3A_482, %parallel_loop3A_483] {strides = array<i32>} : memref<128x128xi32, #tpu.memory_space<vmem>>, vector<16xi32>,
        %parallel_loop3A_485 = vector.bitcast %parallel_loop3A_484 : vector<16xi32> to vector<32xbf16>
        %parallel_loop3A_486 = arith.addf %parallel_loop3A_479, %parallel_loop3A_485 : vector<32xbf16>
        %parallel_loop3A_487 = vector.bitcast %parallel_loop3A_486 : vector<32xbf16> to vector<16xi32>
        %parallel_loop3A_488 = arith.index_cast %parallel_loop3A_385 : i32 to index
        %parallel_loop3A_489 = arith.constant 96 : index
        %parallel_loop3A_490 = tpu.vector_load %arg12[%parallel_loop3A_488, %parallel_loop3A_489] {strides = array<i32>} : memref<64x128xi32, #tpu.memory_space<vmem>>, vector<16xi32>,
        tpu.vector_store %arg12[%parallel_loop3A_488, %parallel_loop3A_489], %parallel_loop3A_487 {strides = array<i32>} : memref<64x128xi32, #tpu.memory_space<vmem>>, vector<16xi32>,
        %parallel_loop3A_491 = arith.index_cast %parallel_loop3A_385 : i32 to index
        %parallel_loop3A_492 = arith.constant 112 : index
        %parallel_loop3A_493 = tpu.vector_load %arg10[%parallel_loop3A_491, %parallel_loop3A_492] {strides = array<i32>} : memref<128x128xi32, #tpu.memory_space<vmem>>, vector<16xi32>,
        %parallel_loop3A_494 = vector.bitcast %parallel_loop3A_493 : vector<16xi32> to vector<32xbf16>
        %parallel_loop3A_495 = arith.constant 64 : i32
        %parallel_loop3A_496 = arith.addi %parallel_loop3A_495, %parallel_loop3A_385 : i32
        %parallel_loop3A_497 = arith.index_cast %parallel_loop3A_496 : i32 to index
        %parallel_loop3A_498 = arith.constant 112 : index
        %parallel_loop3A_499 = tpu.vector_load %arg10[%parallel_loop3A_497, %parallel_loop3A_498] {strides = array<i32>} : memref<128x128xi32, #tpu.memory_space<vmem>>, vector<16xi32>,
        %parallel_loop3A_500 = vector.bitcast %parallel_loop3A_499 : vector<16xi32> to vector<32xbf16>
        %parallel_loop3A_501 = arith.addf %parallel_loop3A_494, %parallel_loop3A_500 : vector<32xbf16>
        %parallel_loop3A_502 = vector.bitcast %parallel_loop3A_501 : vector<32xbf16> to vector<16xi32>
        %parallel_loop3A_503 = arith.index_cast %parallel_loop3A_385 : i32 to index
        %parallel_loop3A_504 = arith.constant 112 : index
        %parallel_loop3A_505 = tpu.vector_load %arg12[%parallel_loop3A_503, %parallel_loop3A_504] {strides = array<i32>} : memref<64x128xi32, #tpu.memory_space<vmem>>, vector<16xi32>,
        tpu.vector_store %arg12[%parallel_loop3A_503, %parallel_loop3A_504], %parallel_loop3A_502 {strides = array<i32>} : memref<64x128xi32, #tpu.memory_space<vmem>>, vector<16xi32>,
      } {sc.loop_unroll_factor = 2 : i64, sc.parallel_access}
      %mul3A_73 = arith.constant 2 : i32
      %mul3A_74 = arith.muli %mul3A_53, %mul3A_73 : i32
      %mul3A_75 = arith.constant 64 : i32
      %mul3A_76 = arith.muli %mul3A_74, %mul3A_75 : i32
      %add3A_77 = arith.constant 0 : i32
      %add3A_78 = arith.addi %mul3A_76, %add3A_77 : i32
      %get3A = arith.index_cast %add3A_78 : i32 to index
      %get3A_79 = tpu.vector_load %arg9[%get3A] {strides = array<i32>} : memref<30720xi32, #tpu.memory_space<vmem>>, vector<16xi32>,
      %mul3A_80 = arith.constant 2 : i32
      %mul3A_81 = arith.muli %mul3A_53, %mul3A_80 : i32
      %mul3A_82 = arith.constant 64 : i32
      %mul3A_83 = arith.muli %mul3A_81, %mul3A_82 : i32
      %add3A_84 = arith.constant 64 : i32
      %add3A_85 = arith.addi %mul3A_83, %add3A_84 : i32
      %add3A_86 = arith.constant 0 : i32
      %add3A_87 = arith.addi %add3A_85, %add3A_86 : i32
      %get3A_88 = arith.index_cast %add3A_87 : i32 to index
      %get3A_89 = tpu.vector_load %arg9[%get3A_88] {strides = array<i32>} : memref<30720xi32, #tpu.memory_space<vmem>>, vector<16xi32>,
      %gather3A = tpu.vector_load_idx %arg16[%get3A_79] : memref<10240xf32, #tpu.memory_space<vmem>>[vector<16xi32>], vector<16xf32>,
      %gather3A_90 = tpu.vector_load_idx %arg16[%get3A_89] : memref<10240xf32, #tpu.memory_space<vmem>>[vector<16xi32>], vector<16xf32>,
      %sub3A_91 = arith.subf %gather3A, %gather3A_90 : vector<16xf32>
      %gather3A_92 = tpu.vector_load_idx %arg17[%get3A_79] : memref<10240xf32, #tpu.memory_space<vmem>>[vector<16xi32>], vector<16xf32>,
      %gather3A_93 = tpu.vector_load_idx %arg17[%get3A_89] : memref<10240xf32, #tpu.memory_space<vmem>>[vector<16xi32>], vector<16xf32>,
      %sub3A_94 = arith.subf %gather3A_92, %gather3A_93 : vector<16xf32>
      %gather3A_95 = tpu.vector_load_idx %arg18[%get3A_79] : memref<10240xf32, #tpu.memory_space<vmem>>[vector<16xi32>], vector<16xf32>,
      %gather3A_96 = tpu.vector_load_idx %arg18[%get3A_89] : memref<10240xf32, #tpu.memory_space<vmem>>[vector<16xi32>], vector<16xf32>,
      %sub3A_97 = arith.subf %gather3A_95, %gather3A_96 : vector<16xf32>
      %mul3A_98 = arith.mulf %sub3A_91, %sub3A_91 : vector<16xf32>
      %mul3A_99 = arith.mulf %sub3A_94, %sub3A_94 : vector<16xf32>
      %add3A_100 = arith.addf %mul3A_98, %mul3A_99 : vector<16xf32>
      %mul3A_101 = arith.mulf %sub3A_97, %sub3A_97 : vector<16xf32>
      %add3A_102 = arith.addf %add3A_100, %mul3A_101 : vector<16xf32>
      %swap3A = arith.constant 0 : index
      %swap3A_103 = tpu.vector_load %arg14[%swap3A] {strides = array<i32>} : memref<64xf32, #tpu.memory_space<vmem>>, vector<16xf32>,
      tpu.vector_store %arg14[%swap3A], %add3A_102 {strides = array<i32>} : memref<64xf32, #tpu.memory_space<vmem>>, vector<16xf32>,
      %mul3A_104 = arith.constant 2 : i32
      %mul3A_105 = arith.muli %mul3A_53, %mul3A_104 : i32
      %mul3A_106 = arith.constant 64 : i32
      %mul3A_107 = arith.muli %mul3A_105, %mul3A_106 : i32
      %add3A_108 = arith.constant 16 : i32
      %add3A_109 = arith.addi %mul3A_107, %add3A_108 : i32
      %get3A_110 = arith.index_cast %add3A_109 : i32 to index
      %get3A_111 = tpu.vector_load %arg9[%get3A_110] {strides = array<i32>} : memref<30720xi32, #tpu.memory_space<vmem>>, vector<16xi32>,
      %mul3A_112 = arith.constant 2 : i32
      %mul3A_113 = arith.muli %mul3A_53, %mul3A_112 : i32
      %mul3A_114 = arith.constant 64 : i32
      %mul3A_115 = arith.muli %mul3A_113, %mul3A_114 : i32
      %add3A_116 = arith.constant 64 : i32
      %add3A_117 = arith.addi %mul3A_115, %add3A_116 : i32
      %add3A_118 = arith.constant 16 : i32
      %add3A_119 = arith.addi %add3A_117, %add3A_118 : i32
      %get3A_120 = arith.index_cast %add3A_119 : i32 to index
      %get3A_121 = tpu.vector_load %arg9[%get3A_120] {strides = array<i32>} : memref<30720xi32, #tpu.memory_space<vmem>>, vector<16xi32>,
      %gather3A_122 = tpu.vector_load_idx %arg16[%get3A_111] : memref<10240xf32, #tpu.memory_space<vmem>>[vector<16xi32>], vector<16xf32>,
      %gather3A_123 = tpu.vector_load_idx %arg16[%get3A_121] : memref<10240xf32, #tpu.memory_space<vmem>>[vector<16xi32>], vector<16xf32>,
      %sub3A_124 = arith.subf %gather3A_122, %gather3A_123 : vector<16xf32>
      %gather3A_125 = tpu.vector_load_idx %arg17[%get3A_111] : memref<10240xf32, #tpu.memory_space<vmem>>[vector<16xi32>], vector<16xf32>,
      %gather3A_126 = tpu.vector_load_idx %arg17[%get3A_121] : memref<10240xf32, #tpu.memory_space<vmem>>[vector<16xi32>], vector<16xf32>,
      %sub3A_127 = arith.subf %gather3A_125, %gather3A_126 : vector<16xf32>
      %gather3A_128 = tpu.vector_load_idx %arg18[%get3A_111] : memref<10240xf32, #tpu.memory_space<vmem>>[vector<16xi32>], vector<16xf32>,
      %gather3A_129 = tpu.vector_load_idx %arg18[%get3A_121] : memref<10240xf32, #tpu.memory_space<vmem>>[vector<16xi32>], vector<16xf32>,
      %sub3A_130 = arith.subf %gather3A_128, %gather3A_129 : vector<16xf32>
      %mul3A_131 = arith.mulf %sub3A_124, %sub3A_124 : vector<16xf32>
      %mul3A_132 = arith.mulf %sub3A_127, %sub3A_127 : vector<16xf32>
      %add3A_133 = arith.addf %mul3A_131, %mul3A_132 : vector<16xf32>
      %mul3A_134 = arith.mulf %sub3A_130, %sub3A_130 : vector<16xf32>
      %add3A_135 = arith.addf %add3A_133, %mul3A_134 : vector<16xf32>
      %swap3A_136 = arith.constant 16 : index
      %swap3A_137 = tpu.vector_load %arg14[%swap3A_136] {strides = array<i32>} : memref<64xf32, #tpu.memory_space<vmem>>, vector<16xf32>,
      tpu.vector_store %arg14[%swap3A_136], %add3A_135 {strides = array<i32>} : memref<64xf32, #tpu.memory_space<vmem>>, vector<16xf32>,
      %mul3A_138 = arith.constant 2 : i32
      %mul3A_139 = arith.muli %mul3A_53, %mul3A_138 : i32
      %mul3A_140 = arith.constant 64 : i32
      %mul3A_141 = arith.muli %mul3A_139, %mul3A_140 : i32
      %add3A_142 = arith.constant 32 : i32
      %add3A_143 = arith.addi %mul3A_141, %add3A_142 : i32
      %get3A_144 = arith.index_cast %add3A_143 : i32 to index
      %get3A_145 = tpu.vector_load %arg9[%get3A_144] {strides = array<i32>} : memref<30720xi32, #tpu.memory_space<vmem>>, vector<16xi32>,
      %mul3A_146 = arith.constant 2 : i32
      %mul3A_147 = arith.muli %mul3A_53, %mul3A_146 : i32
      %mul3A_148 = arith.constant 64 : i32
      %mul3A_149 = arith.muli %mul3A_147, %mul3A_148 : i32
      %add3A_150 = arith.constant 64 : i32
      %add3A_151 = arith.addi %mul3A_149, %add3A_150 : i32
      %add3A_152 = arith.constant 32 : i32
      %add3A_153 = arith.addi %add3A_151, %add3A_152 : i32
      %get3A_154 = arith.index_cast %add3A_153 : i32 to index
      %get3A_155 = tpu.vector_load %arg9[%get3A_154] {strides = array<i32>} : memref<30720xi32, #tpu.memory_space<vmem>>, vector<16xi32>,
      %gather3A_156 = tpu.vector_load_idx %arg16[%get3A_145] : memref<10240xf32, #tpu.memory_space<vmem>>[vector<16xi32>], vector<16xf32>,
      %gather3A_157 = tpu.vector_load_idx %arg16[%get3A_155] : memref<10240xf32, #tpu.memory_space<vmem>>[vector<16xi32>], vector<16xf32>,
      %sub3A_158 = arith.subf %gather3A_156, %gather3A_157 : vector<16xf32>
      %gather3A_159 = tpu.vector_load_idx %arg17[%get3A_145] : memref<10240xf32, #tpu.memory_space<vmem>>[vector<16xi32>], vector<16xf32>,
      %gather3A_160 = tpu.vector_load_idx %arg17[%get3A_155] : memref<10240xf32, #tpu.memory_space<vmem>>[vector<16xi32>], vector<16xf32>,
      %sub3A_161 = arith.subf %gather3A_159, %gather3A_160 : vector<16xf32>
      %gather3A_162 = tpu.vector_load_idx %arg18[%get3A_145] : memref<10240xf32, #tpu.memory_space<vmem>>[vector<16xi32>], vector<16xf32>,
      %gather3A_163 = tpu.vector_load_idx %arg18[%get3A_155] : memref<10240xf32, #tpu.memory_space<vmem>>[vector<16xi32>], vector<16xf32>,
      %sub3A_164 = arith.subf %gather3A_162, %gather3A_163 : vector<16xf32>
      %mul3A_165 = arith.mulf %sub3A_158, %sub3A_158 : vector<16xf32>
      %mul3A_166 = arith.mulf %sub3A_161, %sub3A_161 : vector<16xf32>
      %add3A_167 = arith.addf %mul3A_165, %mul3A_166 : vector<16xf32>
      %mul3A_168 = arith.mulf %sub3A_164, %sub3A_164 : vector<16xf32>
      %add3A_169 = arith.addf %add3A_167, %mul3A_168 : vector<16xf32>
      %swap3A_170 = arith.constant 32 : index
      %swap3A_171 = tpu.vector_load %arg14[%swap3A_170] {strides = array<i32>} : memref<64xf32, #tpu.memory_space<vmem>>, vector<16xf32>,
      tpu.vector_store %arg14[%swap3A_170], %add3A_169 {strides = array<i32>} : memref<64xf32, #tpu.memory_space<vmem>>, vector<16xf32>,
      %mul3A_172 = arith.constant 2 : i32
      %mul3A_173 = arith.muli %mul3A_53, %mul3A_172 : i32
      %mul3A_174 = arith.constant 64 : i32
      %mul3A_175 = arith.muli %mul3A_173, %mul3A_174 : i32
      %add3A_176 = arith.constant 48 : i32
      %add3A_177 = arith.addi %mul3A_175, %add3A_176 : i32
      %get3A_178 = arith.index_cast %add3A_177 : i32 to index
      %get3A_179 = tpu.vector_load %arg9[%get3A_178] {strides = array<i32>} : memref<30720xi32, #tpu.memory_space<vmem>>, vector<16xi32>,
      %mul3A_180 = arith.constant 2 : i32
      %mul3A_181 = arith.muli %mul3A_53, %mul3A_180 : i32
      %mul3A_182 = arith.constant 64 : i32
      %mul3A_183 = arith.muli %mul3A_181, %mul3A_182 : i32
      %add3A_184 = arith.constant 64 : i32
      %add3A_185 = arith.addi %mul3A_183, %add3A_184 : i32
      %add3A_186 = arith.constant 48 : i32
      %add3A_187 = arith.addi %add3A_185, %add3A_186 : i32
      %get3A_188 = arith.index_cast %add3A_187 : i32 to index
      %get3A_189 = tpu.vector_load %arg9[%get3A_188] {strides = array<i32>} : memref<30720xi32, #tpu.memory_space<vmem>>, vector<16xi32>,
      %gather3A_190 = tpu.vector_load_idx %arg16[%get3A_179] : memref<10240xf32, #tpu.memory_space<vmem>>[vector<16xi32>], vector<16xf32>,
      %gather3A_191 = tpu.vector_load_idx %arg16[%get3A_189] : memref<10240xf32, #tpu.memory_space<vmem>>[vector<16xi32>], vector<16xf32>,
      %sub3A_192 = arith.subf %gather3A_190, %gather3A_191 : vector<16xf32>
      %gather3A_193 = tpu.vector_load_idx %arg17[%get3A_179] : memref<10240xf32, #tpu.memory_space<vmem>>[vector<16xi32>], vector<16xf32>,
      %gather3A_194 = tpu.vector_load_idx %arg17[%get3A_189] : memref<10240xf32, #tpu.memory_space<vmem>>[vector<16xi32>], vector<16xf32>,
      %sub3A_195 = arith.subf %gather3A_193, %gather3A_194 : vector<16xf32>
      %gather3A_196 = tpu.vector_load_idx %arg18[%get3A_179] : memref<10240xf32, #tpu.memory_space<vmem>>[vector<16xi32>], vector<16xf32>,
      %gather3A_197 = tpu.vector_load_idx %arg18[%get3A_189] : memref<10240xf32, #tpu.memory_space<vmem>>[vector<16xi32>], vector<16xf32>,
      %sub3A_198 = arith.subf %gather3A_196, %gather3A_197 : vector<16xf32>
      %mul3A_199 = arith.mulf %sub3A_192, %sub3A_192 : vector<16xf32>
      %mul3A_200 = arith.mulf %sub3A_195, %sub3A_195 : vector<16xf32>
      %add3A_201 = arith.addf %mul3A_199, %mul3A_200 : vector<16xf32>
      %mul3A_202 = arith.mulf %sub3A_198, %sub3A_198 : vector<16xf32>
      %add3A_203 = arith.addf %add3A_201, %mul3A_202 : vector<16xf32>
      %swap3A_204 = arith.constant 48 : index
      %swap3A_205 = tpu.vector_load %arg14[%swap3A_204] {strides = array<i32>} : memref<64xf32, #tpu.memory_space<vmem>>, vector<16xf32>,
      tpu.vector_store %arg14[%swap3A_204], %add3A_203 {strides = array<i32>} : memref<64xf32, #tpu.memory_space<vmem>>, vector<16xf32>,
      %mul3A_206 = arith.constant 64 : i32
      %mul3A_207 = arith.muli %mul3A_53, %mul3A_206 : i32
      %add3A_208 = arith.addi %mul3A_15, %mul3A_207 : i32
      %dma_start3A_209 = arith.constant 0 : i32
      %dma_start3A_210 = tpu.memref_slice %arg7[%add3A_208, %dma_start3A_209] : memref<327680x128xi32, #tpu.memory_space<hbm>> -> memref<64x128xi32, #tpu.memory_space<hbm>>
      %dma_start3A_211 = arith.constant 0 : i32
      %dma_start3A_212 = tpu.memref_slice %arg7[%add3A_208, %dma_start3A_211] : memref<327680x128xi32, #tpu.memory_space<hbm>> -> memref<64x128xi32, #tpu.memory_space<hbm>>
      tpu.enqueue_dma source(%arg12 : memref<64x128xi32, #tpu.memory_space<vmem>>) target(%dma_start3A_212 : memref<64x128xi32, #tpu.memory_space<hbm>>) target_semaphore(%arg21 : memref<!tpu.dma_semaphore, #tpu.memory_space<semaphore_mem>>)
      %mul3A_213 = arith.constant 64 : i32
      %mul3A_214 = arith.muli %mul3A_53, %mul3A_213 : i32
      %add3A_215 = arith.addi %mul3A_15, %mul3A_214 : i32
      %dma_start3A_216 = tpu.memref_slice %arg8[%add3A_215] : memref<327680xf32, #tpu.memory_space<hbm>> -> memref<64xf32, #tpu.memory_space<hbm>>
      %dma_start3A_217 = tpu.memref_slice %arg8[%add3A_215] : memref<327680xf32, #tpu.memory_space<hbm>> -> memref<64xf32, #tpu.memory_space<hbm>>
      tpu.enqueue_dma source(%arg14 : memref<64xf32, #tpu.memory_space<vmem>>) target(%dma_start3A_217 : memref<64xf32, #tpu.memory_space<hbm>>) target_semaphore(%arg21 : memref<!tpu.dma_semaphore, #tpu.memory_space<semaphore_mem>>)
      %dma_wait3A_218 = arith.constant 0 : i32
      %dma_wait3A_219 = tpu.memref_slice %arg9[%dma_wait3A_218] : memref<30720xi32, #tpu.memory_space<vmem>> -> memref<128xi32, #tpu.memory_space<vmem>>
      %dma_wait3A_220 = arith.constant 0 : i32
      %dma_wait3A_221 = arith.constant 0 : i32
      %dma_wait3A_222 = tpu.memref_slice %arg3[%dma_wait3A_220, %dma_wait3A_221] : memref<10240x128xi32, #tpu.memory_space<hbm>> -> memref<10240x128xi32, #tpu.memory_space<hbm>>
      tpu.wait_indirect_dma semaphore(%arg20 : memref<!tpu.dma_semaphore, #tpu.memory_space<semaphore_mem>>) src(%dma_wait3A_222 : memref<10240x128xi32, #tpu.memory_space<hbm>>) dst(%arg11 : memref<128x128xi32, #tpu.memory_space<vmem>>)
      %dma_wait3A_223 = arith.constant 0 : i32
      %dma_wait3A_224 = tpu.memref_slice %arg7[%mul3A_15, %dma_wait3A_223] : memref<327680x128xi32, #tpu.memory_space<hbm>> -> memref<64x128xi32, #tpu.memory_space<hbm>>
      %dma_wait3A_225 = arith.constant 0 : i32
      %dma_wait3A_226 = tpu.memref_slice %arg7[%mul3A_15, %dma_wait3A_225] : memref<327680x128xi32, #tpu.memory_space<hbm>> -> memref<64x128xi32, #tpu.memory_space<hbm>>
      tpu.wait_dma2 semaphore(%arg21 : memref<!tpu.dma_semaphore, #tpu.memory_space<semaphore_mem>>) src(%arg12 : memref<64x128xi32, #tpu.memory_space<vmem>>) dst(%dma_wait3A_226 : memref<64x128xi32, #tpu.memory_space<hbm>>)
      %dma_wait3A_227 = tpu.memref_slice %arg8[%mul3A_15] : memref<327680xf32, #tpu.memory_space<hbm>> -> memref<64xf32, #tpu.memory_space<hbm>>
      %dma_wait3A_228 = tpu.memref_slice %arg8[%mul3A_15] : memref<327680xf32, #tpu.memory_space<hbm>> -> memref<64xf32, #tpu.memory_space<hbm>>
      tpu.wait_dma2 semaphore(%arg21 : memref<!tpu.dma_semaphore, #tpu.memory_space<semaphore_mem>>) src(%arg14 : memref<64xf32, #tpu.memory_space<vmem>>) dst(%dma_wait3A_228 : memref<64xf32, #tpu.memory_space<hbm>>)
      %sub3A_229 = arith.constant 1 : i32
      %sub3A_230 = arith.subi %select_n3A_36, %sub3A_229 : i32
      %lt3A = arith.cmpi slt, %while3A_51, %sub3A_230 : i32
      %convert_element_type3A_231 = arith.extui %lt3A : i1 to i32
      %cond3A_232 = arith.constant 0 : i32
      %cond3A_233 = arith.cmpi ne, %convert_element_type3A_231, %cond3A_232 : i32
      scf.if %cond3A_233 {
        %add3A_385 = arith.constant 2 : i32
        %add3A_386 = arith.addi %mul3A_53, %add3A_385 : i32
        %mul3A_387 = arith.constant 2 : i32
        %mul3A_388 = arith.muli %add3A_386, %mul3A_387 : i32
        %mul3A_389 = arith.constant 64 : i32
        %mul3A_390 = arith.muli %mul3A_388, %mul3A_389 : i32
        %dma_start3A_391 = tpu.memref_slice %arg9[%mul3A_390] : memref<30720xi32, #tpu.memory_space<vmem>> -> memref<128xi32, #tpu.memory_space<vmem>>
        %dma_start3A_392 = arith.constant 0 : i32
        %dma_start3A_393 = arith.constant 0 : i32
        %dma_start3A_394 = tpu.memref_slice %arg3[%dma_start3A_392, %dma_start3A_393] : memref<10240x128xi32, #tpu.memory_space<hbm>> -> memref<10240x128xi32, #tpu.memory_space<hbm>>
        tpu.enqueue_indirect_dma source(%dma_start3A_394 : memref<10240x128xi32, #tpu.memory_space<hbm>>) target(%arg10 : memref<128x128xi32, #tpu.memory_space<vmem>>) offsets(%dma_start3A_391 : memref<128xi32, #tpu.memory_space<vmem>>) semaphore(%arg19 : memref<!tpu.dma_semaphore, #tpu.memory_space<semaphore_mem>>)
      } else {
      }
      %parallel_loop3A_234 = arith.constant 0 : i32
      %parallel_loop3A_235 = arith.constant 64 : i32
      %parallel_loop3A_236 = arith.constant 1 : i32
      scf.for %parallel_loop3A_385 = %parallel_loop3A_234 to %parallel_loop3A_235 step %parallel_loop3A_236  : i32 {
        %parallel_loop3A_386 = arith.index_cast %parallel_loop3A_385 : i32 to index
        %parallel_loop3A_387 = arith.constant 0 : index
        %parallel_loop3A_388 = tpu.vector_load %arg11[%parallel_loop3A_386, %parallel_loop3A_387] {strides = array<i32>} : memref<128x128xi32, #tpu.memory_space<vmem>>, vector<16xi32>,
        %parallel_loop3A_389 = vector.bitcast %parallel_loop3A_388 : vector<16xi32> to vector<32xbf16>
        %parallel_loop3A_390 = arith.constant 64 : i32
        %parallel_loop3A_391 = arith.addi %parallel_loop3A_390, %parallel_loop3A_385 : i32
        %parallel_loop3A_392 = arith.index_cast %parallel_loop3A_391 : i32 to index
        %parallel_loop3A_393 = arith.constant 0 : index
        %parallel_loop3A_394 = tpu.vector_load %arg11[%parallel_loop3A_392, %parallel_loop3A_393] {strides = array<i32>} : memref<128x128xi32, #tpu.memory_space<vmem>>, vector<16xi32>,
        %parallel_loop3A_395 = vector.bitcast %parallel_loop3A_394 : vector<16xi32> to vector<32xbf16>
        %parallel_loop3A_396 = arith.addf %parallel_loop3A_389, %parallel_loop3A_395 : vector<32xbf16>
        %parallel_loop3A_397 = vector.bitcast %parallel_loop3A_396 : vector<32xbf16> to vector<16xi32>
        %parallel_loop3A_398 = arith.index_cast %parallel_loop3A_385 : i32 to index
        %parallel_loop3A_399 = arith.constant 0 : index
        %parallel_loop3A_400 = tpu.vector_load %arg13[%parallel_loop3A_398, %parallel_loop3A_399] {strides = array<i32>} : memref<64x128xi32, #tpu.memory_space<vmem>>, vector<16xi32>,
        tpu.vector_store %arg13[%parallel_loop3A_398, %parallel_loop3A_399], %parallel_loop3A_397 {strides = array<i32>} : memref<64x128xi32, #tpu.memory_space<vmem>>, vector<16xi32>,
        %parallel_loop3A_401 = arith.index_cast %parallel_loop3A_385 : i32 to index
        %parallel_loop3A_402 = arith.constant 16 : index
        %parallel_loop3A_403 = tpu.vector_load %arg11[%parallel_loop3A_401, %parallel_loop3A_402] {strides = array<i32>} : memref<128x128xi32, #tpu.memory_space<vmem>>, vector<16xi32>,
        %parallel_loop3A_404 = vector.bitcast %parallel_loop3A_403 : vector<16xi32> to vector<32xbf16>
        %parallel_loop3A_405 = arith.constant 64 : i32
        %parallel_loop3A_406 = arith.addi %parallel_loop3A_405, %parallel_loop3A_385 : i32
        %parallel_loop3A_407 = arith.index_cast %parallel_loop3A_406 : i32 to index
        %parallel_loop3A_408 = arith.constant 16 : index
        %parallel_loop3A_409 = tpu.vector_load %arg11[%parallel_loop3A_407, %parallel_loop3A_408] {strides = array<i32>} : memref<128x128xi32, #tpu.memory_space<vmem>>, vector<16xi32>,
        %parallel_loop3A_410 = vector.bitcast %parallel_loop3A_409 : vector<16xi32> to vector<32xbf16>
        %parallel_loop3A_411 = arith.addf %parallel_loop3A_404, %parallel_loop3A_410 : vector<32xbf16>
        %parallel_loop3A_412 = vector.bitcast %parallel_loop3A_411 : vector<32xbf16> to vector<16xi32>
        %parallel_loop3A_413 = arith.index_cast %parallel_loop3A_385 : i32 to index
        %parallel_loop3A_414 = arith.constant 16 : index
        %parallel_loop3A_415 = tpu.vector_load %arg13[%parallel_loop3A_413, %parallel_loop3A_414] {strides = array<i32>} : memref<64x128xi32, #tpu.memory_space<vmem>>, vector<16xi32>,
        tpu.vector_store %arg13[%parallel_loop3A_413, %parallel_loop3A_414], %parallel_loop3A_412 {strides = array<i32>} : memref<64x128xi32, #tpu.memory_space<vmem>>, vector<16xi32>,
        %parallel_loop3A_416 = arith.index_cast %parallel_loop3A_385 : i32 to index
        %parallel_loop3A_417 = arith.constant 32 : index
        %parallel_loop3A_418 = tpu.vector_load %arg11[%parallel_loop3A_416, %parallel_loop3A_417] {strides = array<i32>} : memref<128x128xi32, #tpu.memory_space<vmem>>, vector<16xi32>,
        %parallel_loop3A_419 = vector.bitcast %parallel_loop3A_418 : vector<16xi32> to vector<32xbf16>
        %parallel_loop3A_420 = arith.constant 64 : i32
        %parallel_loop3A_421 = arith.addi %parallel_loop3A_420, %parallel_loop3A_385 : i32
        %parallel_loop3A_422 = arith.index_cast %parallel_loop3A_421 : i32 to index
        %parallel_loop3A_423 = arith.constant 32 : index
        %parallel_loop3A_424 = tpu.vector_load %arg11[%parallel_loop3A_422, %parallel_loop3A_423] {strides = array<i32>} : memref<128x128xi32, #tpu.memory_space<vmem>>, vector<16xi32>,
        %parallel_loop3A_425 = vector.bitcast %parallel_loop3A_424 : vector<16xi32> to vector<32xbf16>
        %parallel_loop3A_426 = arith.addf %parallel_loop3A_419, %parallel_loop3A_425 : vector<32xbf16>
        %parallel_loop3A_427 = vector.bitcast %parallel_loop3A_426 : vector<32xbf16> to vector<16xi32>
        %parallel_loop3A_428 = arith.index_cast %parallel_loop3A_385 : i32 to index
        %parallel_loop3A_429 = arith.constant 32 : index
        %parallel_loop3A_430 = tpu.vector_load %arg13[%parallel_loop3A_428, %parallel_loop3A_429] {strides = array<i32>} : memref<64x128xi32, #tpu.memory_space<vmem>>, vector<16xi32>,
        tpu.vector_store %arg13[%parallel_loop3A_428, %parallel_loop3A_429], %parallel_loop3A_427 {strides = array<i32>} : memref<64x128xi32, #tpu.memory_space<vmem>>, vector<16xi32>,
        %parallel_loop3A_431 = arith.index_cast %parallel_loop3A_385 : i32 to index
        %parallel_loop3A_432 = arith.constant 48 : index
        %parallel_loop3A_433 = tpu.vector_load %arg11[%parallel_loop3A_431, %parallel_loop3A_432] {strides = array<i32>} : memref<128x128xi32, #tpu.memory_space<vmem>>, vector<16xi32>,
        %parallel_loop3A_434 = vector.bitcast %parallel_loop3A_433 : vector<16xi32> to vector<32xbf16>
        %parallel_loop3A_435 = arith.constant 64 : i32
        %parallel_loop3A_436 = arith.addi %parallel_loop3A_435, %parallel_loop3A_385 : i32
        %parallel_loop3A_437 = arith.index_cast %parallel_loop3A_436 : i32 to index
        %parallel_loop3A_438 = arith.constant 48 : index
        %parallel_loop3A_439 = tpu.vector_load %arg11[%parallel_loop3A_437, %parallel_loop3A_438] {strides = array<i32>} : memref<128x128xi32, #tpu.memory_space<vmem>>, vector<16xi32>,
        %parallel_loop3A_440 = vector.bitcast %parallel_loop3A_439 : vector<16xi32> to vector<32xbf16>
        %parallel_loop3A_441 = arith.addf %parallel_loop3A_434, %parallel_loop3A_440 : vector<32xbf16>
        %parallel_loop3A_442 = vector.bitcast %parallel_loop3A_441 : vector<32xbf16> to vector<16xi32>
        %parallel_loop3A_443 = arith.index_cast %parallel_loop3A_385 : i32 to index
        %parallel_loop3A_444 = arith.constant 48 : index
        %parallel_loop3A_445 = tpu.vector_load %arg13[%parallel_loop3A_443, %parallel_loop3A_444] {strides = array<i32>} : memref<64x128xi32, #tpu.memory_space<vmem>>, vector<16xi32>,
        tpu.vector_store %arg13[%parallel_loop3A_443, %parallel_loop3A_444], %parallel_loop3A_442 {strides = array<i32>} : memref<64x128xi32, #tpu.memory_space<vmem>>, vector<16xi32>,
        %parallel_loop3A_446 = arith.index_cast %parallel_loop3A_385 : i32 to index
        %parallel_loop3A_447 = arith.constant 64 : index
        %parallel_loop3A_448 = tpu.vector_load %arg11[%parallel_loop3A_446, %parallel_loop3A_447] {strides = array<i32>} : memref<128x128xi32, #tpu.memory_space<vmem>>, vector<16xi32>,
        %parallel_loop3A_449 = vector.bitcast %parallel_loop3A_448 : vector<16xi32> to vector<32xbf16>
        %parallel_loop3A_450 = arith.constant 64 : i32
        %parallel_loop3A_451 = arith.addi %parallel_loop3A_450, %parallel_loop3A_385 : i32
        %parallel_loop3A_452 = arith.index_cast %parallel_loop3A_451 : i32 to index
        %parallel_loop3A_453 = arith.constant 64 : index
        %parallel_loop3A_454 = tpu.vector_load %arg11[%parallel_loop3A_452, %parallel_loop3A_453] {strides = array<i32>} : memref<128x128xi32, #tpu.memory_space<vmem>>, vector<16xi32>,
        %parallel_loop3A_455 = vector.bitcast %parallel_loop3A_454 : vector<16xi32> to vector<32xbf16>
        %parallel_loop3A_456 = arith.addf %parallel_loop3A_449, %parallel_loop3A_455 : vector<32xbf16>
        %parallel_loop3A_457 = vector.bitcast %parallel_loop3A_456 : vector<32xbf16> to vector<16xi32>
        %parallel_loop3A_458 = arith.index_cast %parallel_loop3A_385 : i32 to index
        %parallel_loop3A_459 = arith.constant 64 : index
        %parallel_loop3A_460 = tpu.vector_load %arg13[%parallel_loop3A_458, %parallel_loop3A_459] {strides = array<i32>} : memref<64x128xi32, #tpu.memory_space<vmem>>, vector<16xi32>,
        tpu.vector_store %arg13[%parallel_loop3A_458, %parallel_loop3A_459], %parallel_loop3A_457 {strides = array<i32>} : memref<64x128xi32, #tpu.memory_space<vmem>>, vector<16xi32>,
        %parallel_loop3A_461 = arith.index_cast %parallel_loop3A_385 : i32 to index
        %parallel_loop3A_462 = arith.constant 80 : index
        %parallel_loop3A_463 = tpu.vector_load %arg11[%parallel_loop3A_461, %parallel_loop3A_462] {strides = array<i32>} : memref<128x128xi32, #tpu.memory_space<vmem>>, vector<16xi32>,
        %parallel_loop3A_464 = vector.bitcast %parallel_loop3A_463 : vector<16xi32> to vector<32xbf16>
        %parallel_loop3A_465 = arith.constant 64 : i32
        %parallel_loop3A_466 = arith.addi %parallel_loop3A_465, %parallel_loop3A_385 : i32
        %parallel_loop3A_467 = arith.index_cast %parallel_loop3A_466 : i32 to index
        %parallel_loop3A_468 = arith.constant 80 : index
        %parallel_loop3A_469 = tpu.vector_load %arg11[%parallel_loop3A_467, %parallel_loop3A_468] {strides = array<i32>} : memref<128x128xi32, #tpu.memory_space<vmem>>, vector<16xi32>,
        %parallel_loop3A_470 = vector.bitcast %parallel_loop3A_469 : vector<16xi32> to vector<32xbf16>
        %parallel_loop3A_471 = arith.addf %parallel_loop3A_464, %parallel_loop3A_470 : vector<32xbf16>
        %parallel_loop3A_472 = vector.bitcast %parallel_loop3A_471 : vector<32xbf16> to vector<16xi32>
        %parallel_loop3A_473 = arith.index_cast %parallel_loop3A_385 : i32 to index
        %parallel_loop3A_474 = arith.constant 80 : index
        %parallel_loop3A_475 = tpu.vector_load %arg13[%parallel_loop3A_473, %parallel_loop3A_474] {strides = array<i32>} : memref<64x128xi32, #tpu.memory_space<vmem>>, vector<16xi32>,
        tpu.vector_store %arg13[%parallel_loop3A_473, %parallel_loop3A_474], %parallel_loop3A_472 {strides = array<i32>} : memref<64x128xi32, #tpu.memory_space<vmem>>, vector<16xi32>,
        %parallel_loop3A_476 = arith.index_cast %parallel_loop3A_385 : i32 to index
        %parallel_loop3A_477 = arith.constant 96 : index
        %parallel_loop3A_478 = tpu.vector_load %arg11[%parallel_loop3A_476, %parallel_loop3A_477] {strides = array<i32>} : memref<128x128xi32, #tpu.memory_space<vmem>>, vector<16xi32>,
        %parallel_loop3A_479 = vector.bitcast %parallel_loop3A_478 : vector<16xi32> to vector<32xbf16>
        %parallel_loop3A_480 = arith.constant 64 : i32
        %parallel_loop3A_481 = arith.addi %parallel_loop3A_480, %parallel_loop3A_385 : i32
        %parallel_loop3A_482 = arith.index_cast %parallel_loop3A_481 : i32 to index
        %parallel_loop3A_483 = arith.constant 96 : index
        %parallel_loop3A_484 = tpu.vector_load %arg11[%parallel_loop3A_482, %parallel_loop3A_483] {strides = array<i32>} : memref<128x128xi32, #tpu.memory_space<vmem>>, vector<16xi32>,
        %parallel_loop3A_485 = vector.bitcast %parallel_loop3A_484 : vector<16xi32> to vector<32xbf16>
        %parallel_loop3A_486 = arith.addf %parallel_loop3A_479, %parallel_loop3A_485 : vector<32xbf16>
        %parallel_loop3A_487 = vector.bitcast %parallel_loop3A_486 : vector<32xbf16> to vector<16xi32>
        %parallel_loop3A_488 = arith.index_cast %parallel_loop3A_385 : i32 to index
        %parallel_loop3A_489 = arith.constant 96 : index
        %parallel_loop3A_490 = tpu.vector_load %arg13[%parallel_loop3A_488, %parallel_loop3A_489] {strides = array<i32>} : memref<64x128xi32, #tpu.memory_space<vmem>>, vector<16xi32>,
        tpu.vector_store %arg13[%parallel_loop3A_488, %parallel_loop3A_489], %parallel_loop3A_487 {strides = array<i32>} : memref<64x128xi32, #tpu.memory_space<vmem>>, vector<16xi32>,
        %parallel_loop3A_491 = arith.index_cast %parallel_loop3A_385 : i32 to index
        %parallel_loop3A_492 = arith.constant 112 : index
        %parallel_loop3A_493 = tpu.vector_load %arg11[%parallel_loop3A_491, %parallel_loop3A_492] {strides = array<i32>} : memref<128x128xi32, #tpu.memory_space<vmem>>, vector<16xi32>,
        %parallel_loop3A_494 = vector.bitcast %parallel_loop3A_493 : vector<16xi32> to vector<32xbf16>
        %parallel_loop3A_495 = arith.constant 64 : i32
        %parallel_loop3A_496 = arith.addi %parallel_loop3A_495, %parallel_loop3A_385 : i32
        %parallel_loop3A_497 = arith.index_cast %parallel_loop3A_496 : i32 to index
        %parallel_loop3A_498 = arith.constant 112 : index
        %parallel_loop3A_499 = tpu.vector_load %arg11[%parallel_loop3A_497, %parallel_loop3A_498] {strides = array<i32>} : memref<128x128xi32, #tpu.memory_space<vmem>>, vector<16xi32>,
        %parallel_loop3A_500 = vector.bitcast %parallel_loop3A_499 : vector<16xi32> to vector<32xbf16>
        %parallel_loop3A_501 = arith.addf %parallel_loop3A_494, %parallel_loop3A_500 : vector<32xbf16>
        %parallel_loop3A_502 = vector.bitcast %parallel_loop3A_501 : vector<32xbf16> to vector<16xi32>
        %parallel_loop3A_503 = arith.index_cast %parallel_loop3A_385 : i32 to index
        %parallel_loop3A_504 = arith.constant 112 : index
        %parallel_loop3A_505 = tpu.vector_load %arg13[%parallel_loop3A_503, %parallel_loop3A_504] {strides = array<i32>} : memref<64x128xi32, #tpu.memory_space<vmem>>, vector<16xi32>,
        tpu.vector_store %arg13[%parallel_loop3A_503, %parallel_loop3A_504], %parallel_loop3A_502 {strides = array<i32>} : memref<64x128xi32, #tpu.memory_space<vmem>>, vector<16xi32>,
      } {sc.loop_unroll_factor = 2 : i64, sc.parallel_access}
      %mul3A_237 = arith.constant 2 : i32
      %mul3A_238 = arith.muli %add3A_55, %mul3A_237 : i32
      %mul3A_239 = arith.constant 64 : i32
      %mul3A_240 = arith.muli %mul3A_238, %mul3A_239 : i32
      %add3A_241 = arith.constant 0 : i32
      %add3A_242 = arith.addi %mul3A_240, %add3A_241 : i32
      %get3A_243 = arith.index_cast %add3A_242 : i32 to index
      %get3A_244 = tpu.vector_load %arg9[%get3A_243] {strides = array<i32>} : memref<30720xi32, #tpu.memory_space<vmem>>, vector<16xi32>,
      %mul3A_245 = arith.constant 2 : i32
      %mul3A_246 = arith.muli %add3A_55, %mul3A_245 : i32
      %mul3A_247 = arith.constant 64 : i32
      %mul3A_248 = arith.muli %mul3A_246, %mul3A_247 : i32
      %add3A_249 = arith.constant 64 : i32
      %add3A_250 = arith.addi %mul3A_248, %add3A_249 : i32
      %add3A_251 = arith.constant 0 : i32
      %add3A_252 = arith.addi %add3A_250, %add3A_251 : i32
      %get3A_253 = arith.index_cast %add3A_252 : i32 to index
      %get3A_254 = tpu.vector_load %arg9[%get3A_253] {strides = array<i32>} : memref<30720xi32, #tpu.memory_space<vmem>>, vector<16xi32>,
      %gather3A_255 = tpu.vector_load_idx %arg16[%get3A_244] : memref<10240xf32, #tpu.memory_space<vmem>>[vector<16xi32>], vector<16xf32>,
      %gather3A_256 = tpu.vector_load_idx %arg16[%get3A_254] : memref<10240xf32, #tpu.memory_space<vmem>>[vector<16xi32>], vector<16xf32>,
      %sub3A_257 = arith.subf %gather3A_255, %gather3A_256 : vector<16xf32>
      %gather3A_258 = tpu.vector_load_idx %arg17[%get3A_244] : memref<10240xf32, #tpu.memory_space<vmem>>[vector<16xi32>], vector<16xf32>,
      %gather3A_259 = tpu.vector_load_idx %arg17[%get3A_254] : memref<10240xf32, #tpu.memory_space<vmem>>[vector<16xi32>], vector<16xf32>,
      %sub3A_260 = arith.subf %gather3A_258, %gather3A_259 : vector<16xf32>
      %gather3A_261 = tpu.vector_load_idx %arg18[%get3A_244] : memref<10240xf32, #tpu.memory_space<vmem>>[vector<16xi32>], vector<16xf32>,
      %gather3A_262 = tpu.vector_load_idx %arg18[%get3A_254] : memref<10240xf32, #tpu.memory_space<vmem>>[vector<16xi32>], vector<16xf32>,
      %sub3A_263 = arith.subf %gather3A_261, %gather3A_262 : vector<16xf32>
      %mul3A_264 = arith.mulf %sub3A_257, %sub3A_257 : vector<16xf32>
      %mul3A_265 = arith.mulf %sub3A_260, %sub3A_260 : vector<16xf32>
      %add3A_266 = arith.addf %mul3A_264, %mul3A_265 : vector<16xf32>
      %mul3A_267 = arith.mulf %sub3A_263, %sub3A_263 : vector<16xf32>
      %add3A_268 = arith.addf %add3A_266, %mul3A_267 : vector<16xf32>
      %swap3A_269 = arith.constant 0 : index
      %swap3A_270 = tpu.vector_load %arg15[%swap3A_269] {strides = array<i32>} : memref<64xf32, #tpu.memory_space<vmem>>, vector<16xf32>,
      tpu.vector_store %arg15[%swap3A_269], %add3A_268 {strides = array<i32>} : memref<64xf32, #tpu.memory_space<vmem>>, vector<16xf32>,
      %mul3A_271 = arith.constant 2 : i32
      %mul3A_272 = arith.muli %add3A_55, %mul3A_271 : i32
      %mul3A_273 = arith.constant 64 : i32
      %mul3A_274 = arith.muli %mul3A_272, %mul3A_273 : i32
      %add3A_275 = arith.constant 16 : i32
      %add3A_276 = arith.addi %mul3A_274, %add3A_275 : i32
      %get3A_277 = arith.index_cast %add3A_276 : i32 to index
      %get3A_278 = tpu.vector_load %arg9[%get3A_277] {strides = array<i32>} : memref<30720xi32, #tpu.memory_space<vmem>>, vector<16xi32>,
      %mul3A_279 = arith.constant 2 : i32
      %mul3A_280 = arith.muli %add3A_55, %mul3A_279 : i32
      %mul3A_281 = arith.constant 64 : i32
      %mul3A_282 = arith.muli %mul3A_280, %mul3A_281 : i32
      %add3A_283 = arith.constant 64 : i32
      %add3A_284 = arith.addi %mul3A_282, %add3A_283 : i32
      %add3A_285 = arith.constant 16 : i32
      %add3A_286 = arith.addi %add3A_284, %add3A_285 : i32
      %get3A_287 = arith.index_cast %add3A_286 : i32 to index
      %get3A_288 = tpu.vector_load %arg9[%get3A_287] {strides = array<i32>} : memref<30720xi32, #tpu.memory_space<vmem>>, vector<16xi32>,
      %gather3A_289 = tpu.vector_load_idx %arg16[%get3A_278] : memref<10240xf32, #tpu.memory_space<vmem>>[vector<16xi32>], vector<16xf32>,
      %gather3A_290 = tpu.vector_load_idx %arg16[%get3A_288] : memref<10240xf32, #tpu.memory_space<vmem>>[vector<16xi32>], vector<16xf32>,
      %sub3A_291 = arith.subf %gather3A_289, %gather3A_290 : vector<16xf32>
      %gather3A_292 = tpu.vector_load_idx %arg17[%get3A_278] : memref<10240xf32, #tpu.memory_space<vmem>>[vector<16xi32>], vector<16xf32>,
      %gather3A_293 = tpu.vector_load_idx %arg17[%get3A_288] : memref<10240xf32, #tpu.memory_space<vmem>>[vector<16xi32>], vector<16xf32>,
      %sub3A_294 = arith.subf %gather3A_292, %gather3A_293 : vector<16xf32>
      %gather3A_295 = tpu.vector_load_idx %arg18[%get3A_278] : memref<10240xf32, #tpu.memory_space<vmem>>[vector<16xi32>], vector<16xf32>,
      %gather3A_296 = tpu.vector_load_idx %arg18[%get3A_288] : memref<10240xf32, #tpu.memory_space<vmem>>[vector<16xi32>], vector<16xf32>,
      %sub3A_297 = arith.subf %gather3A_295, %gather3A_296 : vector<16xf32>
      %mul3A_298 = arith.mulf %sub3A_291, %sub3A_291 : vector<16xf32>
      %mul3A_299 = arith.mulf %sub3A_294, %sub3A_294 : vector<16xf32>
      %add3A_300 = arith.addf %mul3A_298, %mul3A_299 : vector<16xf32>
      %mul3A_301 = arith.mulf %sub3A_297, %sub3A_297 : vector<16xf32>
      %add3A_302 = arith.addf %add3A_300, %mul3A_301 : vector<16xf32>
      %swap3A_303 = arith.constant 16 : index
      %swap3A_304 = tpu.vector_load %arg15[%swap3A_303] {strides = array<i32>} : memref<64xf32, #tpu.memory_space<vmem>>, vector<16xf32>,
      tpu.vector_store %arg15[%swap3A_303], %add3A_302 {strides = array<i32>} : memref<64xf32, #tpu.memory_space<vmem>>, vector<16xf32>,
      %mul3A_305 = arith.constant 2 : i32
      %mul3A_306 = arith.muli %add3A_55, %mul3A_305 : i32
      %mul3A_307 = arith.constant 64 : i32
      %mul3A_308 = arith.muli %mul3A_306, %mul3A_307 : i32
      %add3A_309 = arith.constant 32 : i32
      %add3A_310 = arith.addi %mul3A_308, %add3A_309 : i32
      %get3A_311 = arith.index_cast %add3A_310 : i32 to index
      %get3A_312 = tpu.vector_load %arg9[%get3A_311] {strides = array<i32>} : memref<30720xi32, #tpu.memory_space<vmem>>, vector<16xi32>,
      %mul3A_313 = arith.constant 2 : i32
      %mul3A_314 = arith.muli %add3A_55, %mul3A_313 : i32
      %mul3A_315 = arith.constant 64 : i32
      %mul3A_316 = arith.muli %mul3A_314, %mul3A_315 : i32
      %add3A_317 = arith.constant 64 : i32
      %add3A_318 = arith.addi %mul3A_316, %add3A_317 : i32
      %add3A_319 = arith.constant 32 : i32
      %add3A_320 = arith.addi %add3A_318, %add3A_319 : i32
      %get3A_321 = arith.index_cast %add3A_320 : i32 to index
      %get3A_322 = tpu.vector_load %arg9[%get3A_321] {strides = array<i32>} : memref<30720xi32, #tpu.memory_space<vmem>>, vector<16xi32>,
      %gather3A_323 = tpu.vector_load_idx %arg16[%get3A_312] : memref<10240xf32, #tpu.memory_space<vmem>>[vector<16xi32>], vector<16xf32>,
      %gather3A_324 = tpu.vector_load_idx %arg16[%get3A_322] : memref<10240xf32, #tpu.memory_space<vmem>>[vector<16xi32>], vector<16xf32>,
      %sub3A_325 = arith.subf %gather3A_323, %gather3A_324 : vector<16xf32>
      %gather3A_326 = tpu.vector_load_idx %arg17[%get3A_312] : memref<10240xf32, #tpu.memory_space<vmem>>[vector<16xi32>], vector<16xf32>,
      %gather3A_327 = tpu.vector_load_idx %arg17[%get3A_322] : memref<10240xf32, #tpu.memory_space<vmem>>[vector<16xi32>], vector<16xf32>,
      %sub3A_328 = arith.subf %gather3A_326, %gather3A_327 : vector<16xf32>
      %gather3A_329 = tpu.vector_load_idx %arg18[%get3A_312] : memref<10240xf32, #tpu.memory_space<vmem>>[vector<16xi32>], vector<16xf32>,
      %gather3A_330 = tpu.vector_load_idx %arg18[%get3A_322] : memref<10240xf32, #tpu.memory_space<vmem>>[vector<16xi32>], vector<16xf32>,
      %sub3A_331 = arith.subf %gather3A_329, %gather3A_330 : vector<16xf32>
      %mul3A_332 = arith.mulf %sub3A_325, %sub3A_325 : vector<16xf32>
      %mul3A_333 = arith.mulf %sub3A_328, %sub3A_328 : vector<16xf32>
      %add3A_334 = arith.addf %mul3A_332, %mul3A_333 : vector<16xf32>
      %mul3A_335 = arith.mulf %sub3A_331, %sub3A_331 : vector<16xf32>
      %add3A_336 = arith.addf %add3A_334, %mul3A_335 : vector<16xf32>
      %swap3A_337 = arith.constant 32 : index
      %swap3A_338 = tpu.vector_load %arg15[%swap3A_337] {strides = array<i32>} : memref<64xf32, #tpu.memory_space<vmem>>, vector<16xf32>,
      tpu.vector_store %arg15[%swap3A_337], %add3A_336 {strides = array<i32>} : memref<64xf32, #tpu.memory_space<vmem>>, vector<16xf32>,
      %mul3A_339 = arith.constant 2 : i32
      %mul3A_340 = arith.muli %add3A_55, %mul3A_339 : i32
      %mul3A_341 = arith.constant 64 : i32
      %mul3A_342 = arith.muli %mul3A_340, %mul3A_341 : i32
      %add3A_343 = arith.constant 48 : i32
      %add3A_344 = arith.addi %mul3A_342, %add3A_343 : i32
      %get3A_345 = arith.index_cast %add3A_344 : i32 to index
      %get3A_346 = tpu.vector_load %arg9[%get3A_345] {strides = array<i32>} : memref<30720xi32, #tpu.memory_space<vmem>>, vector<16xi32>,
      %mul3A_347 = arith.constant 2 : i32
      %mul3A_348 = arith.muli %add3A_55, %mul3A_347 : i32
      %mul3A_349 = arith.constant 64 : i32
      %mul3A_350 = arith.muli %mul3A_348, %mul3A_349 : i32
      %add3A_351 = arith.constant 64 : i32
      %add3A_352 = arith.addi %mul3A_350, %add3A_351 : i32
      %add3A_353 = arith.constant 48 : i32
      %add3A_354 = arith.addi %add3A_352, %add3A_353 : i32
      %get3A_355 = arith.index_cast %add3A_354 : i32 to index
      %get3A_356 = tpu.vector_load %arg9[%get3A_355] {strides = array<i32>} : memref<30720xi32, #tpu.memory_space<vmem>>, vector<16xi32>,
      %gather3A_357 = tpu.vector_load_idx %arg16[%get3A_346] : memref<10240xf32, #tpu.memory_space<vmem>>[vector<16xi32>], vector<16xf32>,
      %gather3A_358 = tpu.vector_load_idx %arg16[%get3A_356] : memref<10240xf32, #tpu.memory_space<vmem>>[vector<16xi32>], vector<16xf32>,
      %sub3A_359 = arith.subf %gather3A_357, %gather3A_358 : vector<16xf32>
      %gather3A_360 = tpu.vector_load_idx %arg17[%get3A_346] : memref<10240xf32, #tpu.memory_space<vmem>>[vector<16xi32>], vector<16xf32>,
      %gather3A_361 = tpu.vector_load_idx %arg17[%get3A_356] : memref<10240xf32, #tpu.memory_space<vmem>>[vector<16xi32>], vector<16xf32>,
      %sub3A_362 = arith.subf %gather3A_360, %gather3A_361 : vector<16xf32>
      %gather3A_363 = tpu.vector_load_idx %arg18[%get3A_346] : memref<10240xf32, #tpu.memory_space<vmem>>[vector<16xi32>], vector<16xf32>,
      %gather3A_364 = tpu.vector_load_idx %arg18[%get3A_356] : memref<10240xf32, #tpu.memory_space<vmem>>[vector<16xi32>], vector<16xf32>,
      %sub3A_365 = arith.subf %gather3A_363, %gather3A_364 : vector<16xf32>
      %mul3A_366 = arith.mulf %sub3A_359, %sub3A_359 : vector<16xf32>
      %mul3A_367 = arith.mulf %sub3A_362, %sub3A_362 : vector<16xf32>
      %add3A_368 = arith.addf %mul3A_366, %mul3A_367 : vector<16xf32>
      %mul3A_369 = arith.mulf %sub3A_365, %sub3A_365 : vector<16xf32>
      %add3A_370 = arith.addf %add3A_368, %mul3A_369 : vector<16xf32>
      %swap3A_371 = arith.constant 48 : index
      %swap3A_372 = tpu.vector_load %arg15[%swap3A_371] {strides = array<i32>} : memref<64xf32, #tpu.memory_space<vmem>>, vector<16xf32>,
      tpu.vector_store %arg15[%swap3A_371], %add3A_370 {strides = array<i32>} : memref<64xf32, #tpu.memory_space<vmem>>, vector<16xf32>,
      %mul3A_373 = arith.constant 64 : i32
      %mul3A_374 = arith.muli %add3A_55, %mul3A_373 : i32
      %add3A_375 = arith.addi %mul3A_15, %mul3A_374 : i32
      %dma_start3A_376 = arith.constant 0 : i32
      %dma_start3A_377 = tpu.memref_slice %arg7[%add3A_375, %dma_start3A_376] : memref<327680x128xi32, #tpu.memory_space<hbm>> -> memref<64x128xi32, #tpu.memory_space<hbm>>
      %dma_start3A_378 = arith.constant 0 : i32
      %dma_start3A_379 = tpu.memref_slice %arg7[%add3A_375, %dma_start3A_378] : memref<327680x128xi32, #tpu.memory_space<hbm>> -> memref<64x128xi32, #tpu.memory_space<hbm>>
      tpu.enqueue_dma source(%arg13 : memref<64x128xi32, #tpu.memory_space<vmem>>) target(%dma_start3A_379 : memref<64x128xi32, #tpu.memory_space<hbm>>) target_semaphore(%arg22 : memref<!tpu.dma_semaphore, #tpu.memory_space<semaphore_mem>>)
      %mul3A_380 = arith.constant 64 : i32
      %mul3A_381 = arith.muli %add3A_55, %mul3A_380 : i32
      %add3A_382 = arith.addi %mul3A_15, %mul3A_381 : i32
      %dma_start3A_383 = tpu.memref_slice %arg8[%add3A_382] : memref<327680xf32, #tpu.memory_space<hbm>> -> memref<64xf32, #tpu.memory_space<hbm>>
      %dma_start3A_384 = tpu.memref_slice %arg8[%add3A_382] : memref<327680xf32, #tpu.memory_space<hbm>> -> memref<64xf32, #tpu.memory_space<hbm>>
      tpu.enqueue_dma source(%arg15 : memref<64xf32, #tpu.memory_space<vmem>>) target(%dma_start3A_384 : memref<64xf32, #tpu.memory_space<hbm>>) target_semaphore(%arg22 : memref<!tpu.dma_semaphore, #tpu.memory_space<semaphore_mem>>)
    }
    %dma_wait3A = arith.constant 0 : i32
    %dma_wait3A_46 = tpu.memref_slice %arg7[%mul3A_15, %dma_wait3A] : memref<327680x128xi32, #tpu.memory_space<hbm>> -> memref<64x128xi32, #tpu.memory_space<hbm>>
    %dma_wait3A_47 = arith.constant 0 : i32
    %dma_wait3A_48 = tpu.memref_slice %arg7[%mul3A_15, %dma_wait3A_47] : memref<327680x128xi32, #tpu.memory_space<hbm>> -> memref<64x128xi32, #tpu.memory_space<hbm>>
    tpu.wait_dma2 semaphore(%arg22 : memref<!tpu.dma_semaphore, #tpu.memory_space<semaphore_mem>>) src(%arg13 : memref<64x128xi32, #tpu.memory_space<vmem>>) dst(%dma_wait3A_48 : memref<64x128xi32, #tpu.memory_space<hbm>>)
    %dma_wait3A_49 = tpu.memref_slice %arg8[%mul3A_15] : memref<327680xf32, #tpu.memory_space<hbm>> -> memref<64xf32, #tpu.memory_space<hbm>>
    %dma_wait3A_50 = tpu.memref_slice %arg8[%mul3A_15] : memref<327680xf32, #tpu.memory_space<hbm>> -> memref<64xf32, #tpu.memory_space<hbm>>
    tpu.wait_dma2 semaphore(%arg22 : memref<!tpu.dma_semaphore, #tpu.memory_space<semaphore_mem>>) src(%arg15 : memref<64xf32, #tpu.memory_space<vmem>>) dst(%dma_wait3A_50 : memref<64xf32, #tpu.memory_space<hbm>>)
    return
  }
}

module attributes {stable_mosaic.version = 14 : i64} {
  func.func @_mean_body(%arg0: i32, %arg1: memref<256x3xf32, #tpu.memory_space<vmem>>, %arg2: memref<256x1xi32, #tpu.memory_space<vmem>>, %arg3: memref<256x4xf32, #tpu.memory_space<vmem>>, %arg4: memref<256x4xf32, #tpu.memory_space<vmem>>) attributes {dimension_semantics = [#tpu.dimension_semantics<arbitrary>], iteration_bounds = array<i64: 40>, scalar_prefetch = 0 : i64, scratch_operands = 1 : i64, tpu.core_type = #tpu.core_type<tc>, window_params = [{transform_indices = @transform_0, window_bounds = array<i64: 256, 3>}, {transform_indices = @transform_1, window_bounds = array<i64: 256, 1>}, {pipeline_mode = #tpu.pipeline_mode<synchronous>, transform_indices = @transform_2, window_bounds = array<i64: 256, 4>}]} {
    %get3A = arith.constant 0 : index
    %get3A_0 = arith.constant 0 : index
    %get3A_1 = vector.load %arg2[%get3A, %get3A_0] : memref<256x1xi32, #tpu.memory_space<vmem>>, vector<256x1xi32>
    %iota3A = tpu.iota {dimensions = array<i32: 1>} : vector<256x256xi32>
    %eq3A = vector.broadcast %get3A_1 : vector<256x1xi32> to vector<256x256xi32>
    %eq3A_2 = arith.cmpi eq, %eq3A, %iota3A : vector<256x256xi32>
    %convert_element_type3A = arith.extui %eq3A_2 : vector<256x256xi1> to vector<256x256xi32>
    %convert_element_type3A_3 = arith.sitofp %convert_element_type3A : vector<256x256xi32> to vector<256x256xf32>
    %get3A_4 = arith.constant 0 : index
    %get3A_5 = arith.constant 0 : index
    %get3A_6 = vector.load %arg1[%get3A_4, %get3A_5] : memref<256x3xf32, #tpu.memory_space<vmem>>, vector<256x3xf32>
    %broadcast_in_dim3A = arith.constant 1.000000e+00 : f32
    %broadcast_in_dim3A_7 = vector.broadcast %broadcast_in_dim3A : f32 to vector<256x1xf32>
    %concatenate3A = tpu.concatenate %get3A_6, %broadcast_in_dim3A_7 in 1 : vector<256x3xf32>, vector<256x1xf32> -> vector<256x4xf32>
    %dot_general3A = arith.constant dense<0.000000e+00> : vector<256x4xf32>
    %dot_general3A_8 = tpu.matmul %convert_element_type3A_3, %concatenate3A, %dot_general3A {dimension_numbers = #tpu.dot_dimension_numbers<[0], [0], [1], [1], [0, 1, 1, 1], [], []>, transpose_lhs_hint = false} : vector<256x256xf32>, vector<256x4xf32>, vector<256x4xf32> -> vector<256x4xf32>
    %eq3A_9 = arith.constant 0 : i32
    %eq3A_10 = arith.cmpi eq, %arg0, %eq3A_9 : i32
    %convert_element_type3A_11 = arith.extui %eq3A_10 : i1 to i32
    %cond3A = arith.constant 0 : i32
    %cond3A_12 = arith.cmpi ne, %convert_element_type3A_11, %cond3A : i32
    scf.if %cond3A_12 {
      %swap3A = arith.constant 0 : index
      %swap3A_22 = arith.constant 0 : index
      %swap3A_23 = vector.load %arg4[%swap3A, %swap3A_22] : memref<256x4xf32, #tpu.memory_space<vmem>>, vector<256x4xf32>
      tpu.vector_store %arg4[%swap3A, %swap3A_22], %dot_general3A_8 {strides = array<i32>} : memref<256x4xf32, #tpu.memory_space<vmem>>, vector<256x4xf32>,
    } else {
    }
    %gt3A = arith.constant 0 : i32
    %gt3A_13 = arith.cmpi sgt, %arg0, %gt3A : i32
    %convert_element_type3A_14 = arith.extui %gt3A_13 : i1 to i32
    %cond3A_15 = arith.constant 0 : i32
    %cond3A_16 = arith.cmpi ne, %convert_element_type3A_14, %cond3A_15 : i32
    scf.if %cond3A_16 {
      %get3A_22 = arith.constant 0 : index
      %get3A_23 = arith.constant 0 : index
      %get3A_24 = vector.load %arg4[%get3A_22, %get3A_23] : memref<256x4xf32, #tpu.memory_space<vmem>>, vector<256x4xf32>
      %add3A = arith.addf %get3A_24, %dot_general3A_8 : vector<256x4xf32>
      %swap3A = arith.constant 0 : index
      %swap3A_25 = arith.constant 0 : index
      %swap3A_26 = vector.load %arg4[%swap3A, %swap3A_25] : memref<256x4xf32, #tpu.memory_space<vmem>>, vector<256x4xf32>
      tpu.vector_store %arg4[%swap3A, %swap3A_25], %add3A {strides = array<i32>} : memref<256x4xf32, #tpu.memory_space<vmem>>, vector<256x4xf32>,
    } else {
    }
    %eq3A_17 = arith.constant 39 : i32
    %eq3A_18 = arith.cmpi eq, %arg0, %eq3A_17 : i32
    %convert_element_type3A_19 = arith.extui %eq3A_18 : i1 to i32
    %cond3A_20 = arith.constant 0 : i32
    %cond3A_21 = arith.cmpi ne, %convert_element_type3A_19, %cond3A_20 : i32
    scf.if %cond3A_21 {
      %get3A_22 = arith.constant 0 : index
      %get3A_23 = arith.constant 0 : index
      %get3A_24 = vector.load %arg4[%get3A_22, %get3A_23] : memref<256x4xf32, #tpu.memory_space<vmem>>, vector<256x4xf32>
      %slice3A = vector.extract_strided_slice %get3A_24 {offsets = [0, 3], sizes = [256, 1], strides = [1, 1]} : vector<256x4xf32> to vector<256x1xf32>
      %max3A = arith.constant 1.000000e+00 : f32
      %max3A_25 = vector.broadcast %max3A : f32 to vector<256x1xf32>
      %max3A_26 = arith.maximumf %slice3A, %max3A_25 : vector<256x1xf32>
      %div3A = vector.broadcast %max3A_26 : vector<256x1xf32> to vector<256x4xf32>
      %div3A_27 = arith.divf %get3A_24, %div3A : vector<256x4xf32>
      %swap3A = arith.constant 0 : index
      %swap3A_28 = arith.constant 0 : index
      %swap3A_29 = vector.load %arg3[%swap3A, %swap3A_28] : memref<256x4xf32, #tpu.memory_space<vmem>>, vector<256x4xf32>
      tpu.vector_store %arg3[%swap3A, %swap3A_28], %div3A_27 {strides = array<i32>} : memref<256x4xf32, #tpu.memory_space<vmem>>, vector<256x4xf32>,
    } else {
    }
    return
  }
  func.func @transform_0(%arg0: i32) -> (i32, i32) {
    %c0_i32 = arith.constant 0 : i32
    %c0_i32_0 = arith.constant 0 : i32
    return %arg0, %c0_i32 : i32, i32
  }
  func.func @transform_1(%arg0: i32) -> (i32, i32) {
    %c0_i32 = arith.constant 0 : i32
    %c0_i32_0 = arith.constant 0 : i32
    return %arg0, %c0_i32 : i32, i32
  }
  func.func @transform_2(%arg0: i32) -> (i32, i32) {
    %c0_i32 = arith.constant 0 : i32
    %c0_i32_0 = arith.constant 0 : i32
    %c0_i32_1 = arith.constant 0 : i32
    return %c0_i32, %c0_i32_0 : i32, i32
  }
}

module attributes {stable_mosaic.version = 14 : i64} {
  func.func @_node_body(%arg0: i32, %arg1: memref<256x3xf32, #tpu.memory_space<vmem>>, %arg2: memref<256x1xi32, #tpu.memory_space<vmem>>, %arg3: memref<256x16xf32, #tpu.memory_space<vmem>>, %arg4: memref<256x4xf32, #tpu.memory_space<vmem>>, %arg5: memref<256x1xf32, #tpu.memory_space<vmem>>, %arg6: memref<1x256xf32, #tpu.memory_space<vmem>>, %arg7: memref<1x256xf32, #tpu.memory_space<vmem>>, %arg8: memref<16x256xf32, #tpu.memory_space<vmem>>, %arg9: memref<1x256xf32, #tpu.memory_space<vmem>>, %arg10: memref<256x256xf32, #tpu.memory_space<vmem>>, %arg11: memref<1x256xf32, #tpu.memory_space<vmem>>, %arg12: memref<256x256xf32, #tpu.memory_space<vmem>>, %arg13: memref<1x256xf32, #tpu.memory_space<vmem>>, %arg14: memref<256x256xf32, #tpu.memory_space<vmem>>, %arg15: memref<256x32xf32, #tpu.memory_space<vmem>>, %arg16: memref<1x32xf32, #tpu.memory_space<vmem>>, %arg17: memref<256x3xf32, #tpu.memory_space<vmem>>, %arg18: memref<256x128xi32, #tpu.memory_space<vmem>>, %arg19: memref<256x32xf32, #tpu.memory_space<vmem>>) attributes {dimension_semantics = [#tpu.dimension_semantics<arbitrary>], iteration_bounds = array<i64: 40>, scalar_prefetch = 0 : i64, scratch_operands = 0 : i64, tpu.core_type = #tpu.core_type<tc>, window_params = [{transform_indices = @transform_0, window_bounds = array<i64: 256, 3>}, {transform_indices = @transform_1, window_bounds = array<i64: 256, 1>}, {transform_indices = @transform_2, window_bounds = array<i64: 256, 16>}, {pipeline_mode = #tpu.pipeline_mode<synchronous>, transform_indices = @transform_3, window_bounds = array<i64: 256, 4>}, {pipeline_mode = #tpu.pipeline_mode<synchronous>, transform_indices = @transform_4, window_bounds = array<i64: 256, 1>}, {pipeline_mode = #tpu.pipeline_mode<synchronous>, transform_indices = @transform_5, window_bounds = array<i64: 1, 256>}, {pipeline_mode = #tpu.pipeline_mode<synchronous>, transform_indices = @transform_6, window_bounds = array<i64: 1, 256>}, {pipeline_mode = #tpu.pipeline_mode<synchronous>, transform_indices = @transform_7, window_bounds = array<i64: 16, 256>}, {pipeline_mode = #tpu.pipeline_mode<synchronous>, transform_indices = @transform_8, window_bounds = array<i64: 1, 256>}, {pipeline_mode = #tpu.pipeline_mode<synchronous>, transform_indices = @transform_9, window_bounds = array<i64: 256, 256>}, {pipeline_mode = #tpu.pipeline_mode<synchronous>, transform_indices = @transform_10, window_bounds = array<i64: 1, 256>}, {pipeline_mode = #tpu.pipeline_mode<synchronous>, transform_indices = @transform_11, window_bounds = array<i64: 256, 256>}, {pipeline_mode = #tpu.pipeline_mode<synchronous>, transform_indices = @transform_12, window_bounds = array<i64: 1, 256>}, {pipeline_mode = #tpu.pipeline_mode<synchronous>, transform_indices = @transform_13, window_bounds = array<i64: 256, 256>}, {pipeline_mode = #tpu.pipeline_mode<synchronous>, transform_indices = @transform_14, window_bounds = array<i64: 256, 32>}, {pipeline_mode = #tpu.pipeline_mode<synchronous>, transform_indices = @transform_15, window_bounds = array<i64: 1, 32>}, {transform_indices = @transform_16, window_bounds = array<i64: 256, 3>}, {transform_indices = @transform_17, window_bounds = array<i64: 256, 128>}, {transform_indices = @transform_18, window_bounds = array<i64: 256, 32>}]} {
    %get3A = arith.constant 0 : index
    %get3A_0 = arith.constant 0 : index
    %get3A_1 = vector.load %arg2[%get3A, %get3A_0] : memref<256x1xi32, #tpu.memory_space<vmem>>, vector<256x1xi32>
    %iota3A = tpu.iota {dimensions = array<i32: 1>} : vector<256x256xi32>
    %eq3A = vector.broadcast %get3A_1 : vector<256x1xi32> to vector<256x256xi32>
    %eq3A_2 = arith.cmpi eq, %eq3A, %iota3A : vector<256x256xi32>
    %convert_element_type3A = arith.extui %eq3A_2 : vector<256x256xi1> to vector<256x256xi32>
    %convert_element_type3A_3 = arith.sitofp %convert_element_type3A : vector<256x256xi32> to vector<256x256xf32>
    %get3A_4 = arith.constant 0 : index
    %get3A_5 = arith.constant 0 : index
    %get3A_6 = vector.load %arg4[%get3A_4, %get3A_5] : memref<256x4xf32, #tpu.memory_space<vmem>>, vector<256x4xf32>
    %slice3A = vector.extract_strided_slice %get3A_6 {offsets = [0, 0], sizes = [256, 3], strides = [1, 1]} : vector<256x4xf32> to vector<256x3xf32>
    %get3A_7 = arith.constant 0 : index
    %get3A_8 = arith.constant 0 : index
    %get3A_9 = vector.load %arg1[%get3A_7, %get3A_8] : memref<256x3xf32, #tpu.memory_space<vmem>>, vector<256x3xf32>
    %dot_general3A = arith.constant dense<0.000000e+00> : vector<256x3xf32>
    %dot_general3A_10 = tpu.matmul %convert_element_type3A_3, %slice3A, %dot_general3A {dimension_numbers = #tpu.dot_dimension_numbers<[1], [0], [0], [1], [0, 0, 1, 1], [], []>, transpose_lhs_hint = false} : vector<256x256xf32>, vector<256x3xf32>, vector<256x3xf32> -> vector<256x3xf32>
    %sub3A = arith.subf %get3A_9, %dot_general3A_10 : vector<256x3xf32>
    %swap3A = arith.constant 0 : index
    %swap3A_11 = arith.constant 0 : index
    %swap3A_12 = vector.load %arg17[%swap3A, %swap3A_11] : memref<256x3xf32, #tpu.memory_space<vmem>>, vector<256x3xf32>
    tpu.vector_store %arg17[%swap3A, %swap3A_11], %sub3A {strides = array<i32>} : memref<256x3xf32, #tpu.memory_space<vmem>>, vector<256x3xf32>,
    %get3A_13 = arith.constant 0 : index
    %get3A_14 = arith.constant 0 : index
    %get3A_15 = vector.load %arg5[%get3A_13, %get3A_14] : memref<256x1xf32, #tpu.memory_space<vmem>>, vector<256x1xf32>
    %get3A_16 = arith.constant 0 : index
    %get3A_17 = arith.constant 0 : index
    %get3A_18 = vector.load %arg6[%get3A_16, %get3A_17] : memref<1x256xf32, #tpu.memory_space<vmem>>, vector<1x256xf32>
    %mul3A = vector.broadcast %get3A_15 : vector<256x1xf32> to vector<256x256xf32>
    %mul3A_19 = vector.broadcast %get3A_18 : vector<1x256xf32> to vector<256x256xf32>
    %mul3A_20 = arith.mulf %mul3A, %mul3A_19 : vector<256x256xf32>
    %get3A_21 = arith.constant 0 : index
    %get3A_22 = arith.constant 0 : index
    %get3A_23 = vector.load %arg7[%get3A_21, %get3A_22] : memref<1x256xf32, #tpu.memory_space<vmem>>, vector<1x256xf32>
    %add3A = vector.broadcast %get3A_23 : vector<1x256xf32> to vector<256x256xf32>
    %add3A_24 = arith.addf %mul3A_20, %add3A : vector<256x256xf32>
    %dot_general3A_25 = arith.constant dense<0.000000e+00> : vector<256x256xf32>
    %dot_general3A_26 = tpu.matmul %convert_element_type3A_3, %add3A_24, %dot_general3A_25 {dimension_numbers = #tpu.dot_dimension_numbers<[1], [0], [0], [1], [0, 0, 1, 1], [], []>, transpose_lhs_hint = false} : vector<256x256xf32>, vector<256x256xf32>, vector<256x256xf32> -> vector<256x256xf32>
    %get3A_27 = arith.constant 0 : index
    %get3A_28 = arith.constant 0 : index
    %get3A_29 = vector.load %arg3[%get3A_27, %get3A_28] : memref<256x16xf32, #tpu.memory_space<vmem>>, vector<256x16xf32>
    %get3A_30 = arith.constant 0 : index
    %get3A_31 = arith.constant 0 : index
    %get3A_32 = vector.load %arg8[%get3A_30, %get3A_31] : memref<16x256xf32, #tpu.memory_space<vmem>>, vector<16x256xf32>
    %dot_general3A_33 = arith.constant dense<0.000000e+00> : vector<256x256xf32>
    %dot_general3A_34 = tpu.matmul %get3A_29, %get3A_32, %dot_general3A_33 {dimension_numbers = #tpu.dot_dimension_numbers<[1], [0], [0], [1], [0, 0, 1, 1], [], []>, transpose_lhs_hint = false} : vector<256x16xf32>, vector<16x256xf32>, vector<256x256xf32> -> vector<256x256xf32>
    %get3A_35 = arith.constant 0 : index
    %get3A_36 = arith.constant 0 : index
    %get3A_37 = vector.load %arg9[%get3A_35, %get3A_36] : memref<1x256xf32, #tpu.memory_space<vmem>>, vector<1x256xf32>
    %add3A_38 = vector.broadcast %get3A_37 : vector<1x256xf32> to vector<256x256xf32>
    %add3A_39 = arith.addf %dot_general3A_34, %add3A_38 : vector<256x256xf32>
    %add3A_40 = arith.addf %add3A_39, %dot_general3A_26 : vector<256x256xf32>
    %get3A_41 = arith.constant 0 : index
    %get3A_42 = arith.constant 0 : index
    %get3A_43 = vector.load %arg10[%get3A_41, %get3A_42] : memref<256x256xf32, #tpu.memory_space<vmem>>, vector<256x256xf32>
    %dot_general3A_44 = arith.constant dense<0.000000e+00> : vector<256x256xf32>
    %dot_general3A_45 = tpu.matmul %add3A_40, %get3A_43, %dot_general3A_44 {dimension_numbers = #tpu.dot_dimension_numbers<[1], [0], [0], [1], [0, 0, 1, 1], [], []>, transpose_lhs_hint = false} : vector<256x256xf32>, vector<256x256xf32>, vector<256x256xf32> -> vector<256x256xf32>
    %get3A_46 = arith.constant 0 : index
    %get3A_47 = arith.constant 0 : index
    %get3A_48 = vector.load %arg11[%get3A_46, %get3A_47] : memref<1x256xf32, #tpu.memory_space<vmem>>, vector<1x256xf32>
    %add3A_49 = vector.broadcast %get3A_48 : vector<1x256xf32> to vector<256x256xf32>
    %add3A_50 = arith.addf %dot_general3A_45, %add3A_49 : vector<256x256xf32>
    %get3A_51 = arith.constant 0 : index
    %get3A_52 = arith.constant 0 : index
    %get3A_53 = vector.load %arg12[%get3A_51, %get3A_52] : memref<256x256xf32, #tpu.memory_space<vmem>>, vector<256x256xf32>
    %dot_general3A_54 = arith.constant dense<0.000000e+00> : vector<256x256xf32>
    %dot_general3A_55 = tpu.matmul %add3A_50, %get3A_53, %dot_general3A_54 {dimension_numbers = #tpu.dot_dimension_numbers<[1], [0], [0], [1], [0, 0, 1, 1], [], []>, transpose_lhs_hint = false} : vector<256x256xf32>, vector<256x256xf32>, vector<256x256xf32> -> vector<256x256xf32>
    %get3A_56 = arith.constant 0 : index
    %get3A_57 = arith.constant 0 : index
    %get3A_58 = vector.load %arg13[%get3A_56, %get3A_57] : memref<1x256xf32, #tpu.memory_space<vmem>>, vector<1x256xf32>
    %add3A_59 = vector.broadcast %get3A_58 : vector<1x256xf32> to vector<256x256xf32>
    %add3A_60 = arith.addf %dot_general3A_55, %add3A_59 : vector<256x256xf32>
    %logistic3A = arith.negf %add3A_60 : vector<256x256xf32>
    %logistic3A_61 = math.exp %logistic3A : vector<256x256xf32>
    %logistic3A_62 = arith.constant 1.000000e+00 : f32
    %logistic3A_63 = vector.broadcast %logistic3A_62 : f32 to vector<256x256xf32>
    %logistic3A_64 = arith.addf %logistic3A_63, %logistic3A_61 : vector<256x256xf32>
    %logistic3A_65 = arith.divf %logistic3A_63, %logistic3A_64 : vector<256x256xf32>
    %mul3A_66 = arith.mulf %add3A_60, %logistic3A_65 : vector<256x256xf32>
    %get3A_67 = arith.constant 0 : index
    %get3A_68 = arith.constant 0 : index
    %get3A_69 = vector.load %arg14[%get3A_67, %get3A_68] : memref<256x256xf32, #tpu.memory_space<vmem>>, vector<256x256xf32>
    %dot_general3A_70 = arith.constant dense<0.000000e+00> : vector<256x256xf32>
    %dot_general3A_71 = tpu.matmul %mul3A_66, %get3A_69, %dot_general3A_70 {dimension_numbers = #tpu.dot_dimension_numbers<[1], [0], [0], [1], [0, 0, 1, 1], [], []>, transpose_lhs_hint = false} : vector<256x256xf32>, vector<256x256xf32>, vector<256x256xf32> -> vector<256x256xf32>
    %slice3A_72 = vector.extract_strided_slice %dot_general3A_71 {offsets = [0, 0], sizes = [256, 128], strides = [1, 1]} : vector<256x256xf32> to vector<256x128xf32>
    %slice3A_73 = vector.extract_strided_slice %dot_general3A_71 {offsets = [0, 128], sizes = [256, 128], strides = [1, 1]} : vector<256x256xf32> to vector<256x128xf32>
    %bitcast_convert_type3A = tpu.bitcast %slice3A_72 : vector<256x128xf32> -> vector<256x128xi32>
    %bitcast_convert_type3A_74 = tpu.bitcast %slice3A_73 : vector<256x128xf32> -> vector<256x128xi32>
    %add3A_75 = arith.constant 32767 : i32
    %add3A_76 = vector.broadcast %add3A_75 : i32 to vector<256x128xi32>
    %add3A_77 = arith.addi %bitcast_convert_type3A, %add3A_76 : vector<256x128xi32>
    %shift_right_arithmetic3A = arith.constant 16 : i32
    %shift_right_arithmetic3A_78 = vector.broadcast %shift_right_arithmetic3A : i32 to vector<256x128xi32>
    %shift_right_arithmetic3A_79 = arith.shrsi %bitcast_convert_type3A, %shift_right_arithmetic3A_78 : vector<256x128xi32>
    %and3A = arith.constant 1 : i32
    %and3A_80 = vector.broadcast %and3A : i32 to vector<256x128xi32>
    %and3A_81 = arith.andi %shift_right_arithmetic3A_79, %and3A_80 : vector<256x128xi32>
    %add3A_82 = arith.addi %add3A_77, %and3A_81 : vector<256x128xi32>
    %add3A_83 = arith.constant 32767 : i32
    %add3A_84 = vector.broadcast %add3A_83 : i32 to vector<256x128xi32>
    %add3A_85 = arith.addi %bitcast_convert_type3A_74, %add3A_84 : vector<256x128xi32>
    %shift_right_arithmetic3A_86 = arith.constant 16 : i32
    %shift_right_arithmetic3A_87 = vector.broadcast %shift_right_arithmetic3A_86 : i32 to vector<256x128xi32>
    %shift_right_arithmetic3A_88 = arith.shrsi %bitcast_convert_type3A_74, %shift_right_arithmetic3A_87 : vector<256x128xi32>
    %and3A_89 = arith.constant 1 : i32
    %and3A_90 = vector.broadcast %and3A_89 : i32 to vector<256x128xi32>
    %and3A_91 = arith.andi %shift_right_arithmetic3A_88, %and3A_90 : vector<256x128xi32>
    %add3A_92 = arith.addi %add3A_85, %and3A_91 : vector<256x128xi32>
    %and3A_93 = arith.constant -65536 : i32
    %and3A_94 = vector.broadcast %and3A_93 : i32 to vector<256x128xi32>
    %and3A_95 = arith.andi %add3A_82, %and3A_94 : vector<256x128xi32>
    %shift_right_arithmetic3A_96 = arith.constant 16 : i32
    %shift_right_arithmetic3A_97 = vector.broadcast %shift_right_arithmetic3A_96 : i32 to vector<256x128xi32>
    %shift_right_arithmetic3A_98 = arith.shrsi %add3A_92, %shift_right_arithmetic3A_97 : vector<256x128xi32>
    %and3A_99 = arith.constant 65535 : i32
    %and3A_100 = vector.broadcast %and3A_99 : i32 to vector<256x128xi32>
    %and3A_101 = arith.andi %shift_right_arithmetic3A_98, %and3A_100 : vector<256x128xi32>
    %or3A = arith.ori %and3A_95, %and3A_101 : vector<256x128xi32>
    %swap3A_102 = arith.constant 0 : index
    %swap3A_103 = arith.constant 0 : index
    %swap3A_104 = vector.load %arg18[%swap3A_102, %swap3A_103] : memref<256x128xi32, #tpu.memory_space<vmem>>, vector<256x128xi32>
    tpu.vector_store %arg18[%swap3A_102, %swap3A_103], %or3A {strides = array<i32>} : memref<256x128xi32, #tpu.memory_space<vmem>>, vector<256x128xi32>,
    %get3A_105 = arith.constant 0 : index
    %get3A_106 = arith.constant 0 : index
    %get3A_107 = vector.load %arg15[%get3A_105, %get3A_106] : memref<256x32xf32, #tpu.memory_space<vmem>>, vector<256x32xf32>
    %dot_general3A_108 = arith.constant dense<0.000000e+00> : vector<256x32xf32>
    %dot_general3A_109 = tpu.matmul %mul3A_66, %get3A_107, %dot_general3A_108 {dimension_numbers = #tpu.dot_dimension_numbers<[1], [0], [0], [1], [0, 0, 1, 1], [], []>, transpose_lhs_hint = false} : vector<256x256xf32>, vector<256x32xf32>, vector<256x32xf32> -> vector<256x32xf32>
    %get3A_110 = arith.constant 0 : index
    %get3A_111 = arith.constant 0 : index
    %get3A_112 = vector.load %arg16[%get3A_110, %get3A_111] : memref<1x32xf32, #tpu.memory_space<vmem>>, vector<1x32xf32>
    %add3A_113 = vector.broadcast %get3A_112 : vector<1x32xf32> to vector<256x32xf32>
    %add3A_114 = arith.addf %dot_general3A_109, %add3A_113 : vector<256x32xf32>
    %swap3A_115 = arith.constant 0 : index
    %swap3A_116 = arith.constant 0 : index
    %swap3A_117 = vector.load %arg19[%swap3A_115, %swap3A_116] : memref<256x32xf32, #tpu.memory_space<vmem>>, vector<256x32xf32>
    tpu.vector_store %arg19[%swap3A_115, %swap3A_116], %add3A_114 {strides = array<i32>} : memref<256x32xf32, #tpu.memory_space<vmem>>, vector<256x32xf32>,
    return
  }
  func.func @transform_0(%arg0: i32) -> (i32, i32) {
    %c0_i32 = arith.constant 0 : i32
    %c0_i32_0 = arith.constant 0 : i32
    return %arg0, %c0_i32 : i32, i32
  }
  func.func @transform_1(%arg0: i32) -> (i32, i32) {
    %c0_i32 = arith.constant 0 : i32
    %c0_i32_0 = arith.constant 0 : i32
    return %arg0, %c0_i32 : i32, i32
  }
  func.func @transform_2(%arg0: i32) -> (i32, i32) {
    %c0_i32 = arith.constant 0 : i32
    %c0_i32_0 = arith.constant 0 : i32
    return %arg0, %c0_i32 : i32, i32
  }
  func.func @transform_3(%arg0: i32) -> (i32, i32) {
    %c0_i32 = arith.constant 0 : i32
    %c0_i32_0 = arith.constant 0 : i32
    %c0_i32_1 = arith.constant 0 : i32
    return %c0_i32, %c0_i32_0 : i32, i32
  }
  func.func @transform_4(%arg0: i32) -> (i32, i32) {
    %c0_i32 = arith.constant 0 : i32
    %c0_i32_0 = arith.constant 0 : i32
    %c0_i32_1 = arith.constant 0 : i32
    return %c0_i32, %c0_i32_0 : i32, i32
  }
  func.func @transform_5(%arg0: i32) -> (i32, i32) {
    %c0_i32 = arith.constant 0 : i32
    %c0_i32_0 = arith.constant 0 : i32
    %c0_i32_1 = arith.constant 0 : i32
    return %c0_i32, %c0_i32_0 : i32, i32
  }
  func.func @transform_6(%arg0: i32) -> (i32, i32) {
    %c0_i32 = arith.constant 0 : i32
    %c0_i32_0 = arith.constant 0 : i32
    %c0_i32_1 = arith.constant 0 : i32
    return %c0_i32, %c0_i32_0 : i32, i32
  }
  func.func @transform_7(%arg0: i32) -> (i32, i32) {
    %c0_i32 = arith.constant 0 : i32
    %c0_i32_0 = arith.constant 0 : i32
    %c0_i32_1 = arith.constant 0 : i32
    return %c0_i32, %c0_i32_0 : i32, i32
  }
  func.func @transform_8(%arg0: i32) -> (i32, i32) {
    %c0_i32 = arith.constant 0 : i32
    %c0_i32_0 = arith.constant 0 : i32
    %c0_i32_1 = arith.constant 0 : i32
    return %c0_i32, %c0_i32_0 : i32, i32
  }
  func.func @transform_9(%arg0: i32) -> (i32, i32) {
    %c0_i32 = arith.constant 0 : i32
    %c0_i32_0 = arith.constant 0 : i32
    %c0_i32_1 = arith.constant 0 : i32
    return %c0_i32, %c0_i32_0 : i32, i32
  }
  func.func @transform_10(%arg0: i32) -> (i32, i32) {
    %c0_i32 = arith.constant 0 : i32
    %c0_i32_0 = arith.constant 0 : i32
    %c0_i32_1 = arith.constant 0 : i32
    return %c0_i32, %c0_i32_0 : i32, i32
  }
  func.func @transform_11(%arg0: i32) -> (i32, i32) {
    %c0_i32 = arith.constant 0 : i32
    %c0_i32_0 = arith.constant 0 : i32
    %c0_i32_1 = arith.constant 0 : i32
    return %c0_i32, %c0_i32_0 : i32, i32
  }
  func.func @transform_12(%arg0: i32) -> (i32, i32) {
    %c0_i32 = arith.constant 0 : i32
    %c0_i32_0 = arith.constant 0 : i32
    %c0_i32_1 = arith.constant 0 : i32
    return %c0_i32, %c0_i32_0 : i32, i32
  }
  func.func @transform_13(%arg0: i32) -> (i32, i32) {
    %c0_i32 = arith.constant 0 : i32
    %c0_i32_0 = arith.constant 0 : i32
    %c0_i32_1 = arith.constant 0 : i32
    return %c0_i32, %c0_i32_0 : i32, i32
  }
  func.func @transform_14(%arg0: i32) -> (i32, i32) {
    %c0_i32 = arith.constant 0 : i32
    %c0_i32_0 = arith.constant 0 : i32
    %c0_i32_1 = arith.constant 0 : i32
    return %c0_i32, %c0_i32_0 : i32, i32
  }
  func.func @transform_15(%arg0: i32) -> (i32, i32) {
    %c0_i32 = arith.constant 0 : i32
    %c0_i32_0 = arith.constant 0 : i32
    %c0_i32_1 = arith.constant 0 : i32
    return %c0_i32, %c0_i32_0 : i32, i32
  }
  func.func @transform_16(%arg0: i32) -> (i32, i32) {
    %c0_i32 = arith.constant 0 : i32
    %c0_i32_0 = arith.constant 0 : i32
    return %arg0, %c0_i32 : i32, i32
  }
  func.func @transform_17(%arg0: i32) -> (i32, i32) {
    %c0_i32 = arith.constant 0 : i32
    %c0_i32_0 = arith.constant 0 : i32
    return %arg0, %c0_i32 : i32, i32
  }
  func.func @transform_18(%arg0: i32) -> (i32, i32) {
    %c0_i32 = arith.constant 0 : i32
    %c0_i32_0 = arith.constant 0 : i32
    return %arg0, %c0_i32 : i32, i32
  }
}

module attributes {stable_mosaic.version = 14 : i64} {
  func.func @_bond_body(%arg0: i32, %arg1: memref<2048x128xi32, #tpu.memory_space<vmem>>, %arg2: memref<2048x1xf32, #tpu.memory_space<vmem>>, %arg3: memref<1x128xf32, #tpu.memory_space<vmem>>, %arg4: memref<1x128xf32, #tpu.memory_space<vmem>>, %arg5: memref<1x128xf32, #tpu.memory_space<vmem>>, %arg6: memref<1x128xf32, #tpu.memory_space<vmem>>, %arg7: memref<128x16xf32, #tpu.memory_space<vmem>>, %arg8: memref<128x16xf32, #tpu.memory_space<vmem>>, %arg9: memref<1x16xf32, #tpu.memory_space<vmem>>, %arg10: memref<2048x16xf32, #tpu.memory_space<vmem>>) attributes {dimension_semantics = [#tpu.dimension_semantics<arbitrary>], iteration_bounds = array<i64: 160>, scalar_prefetch = 0 : i64, scratch_operands = 0 : i64, tpu.core_type = #tpu.core_type<tc>, window_params = [{transform_indices = @transform_0, window_bounds = array<i64: 2048, 128>}, {transform_indices = @transform_1, window_bounds = array<i64: 2048, 1>}, {pipeline_mode = #tpu.pipeline_mode<synchronous>, transform_indices = @transform_2, window_bounds = array<i64: 1, 128>}, {pipeline_mode = #tpu.pipeline_mode<synchronous>, transform_indices = @transform_3, window_bounds = array<i64: 1, 128>}, {pipeline_mode = #tpu.pipeline_mode<synchronous>, transform_indices = @transform_4, window_bounds = array<i64: 1, 128>}, {pipeline_mode = #tpu.pipeline_mode<synchronous>, transform_indices = @transform_5, window_bounds = array<i64: 1, 128>}, {pipeline_mode = #tpu.pipeline_mode<synchronous>, transform_indices = @transform_6, window_bounds = array<i64: 128, 16>}, {pipeline_mode = #tpu.pipeline_mode<synchronous>, transform_indices = @transform_7, window_bounds = array<i64: 128, 16>}, {pipeline_mode = #tpu.pipeline_mode<synchronous>, transform_indices = @transform_8, window_bounds = array<i64: 1, 16>}, {transform_indices = @transform_9, window_bounds = array<i64: 2048, 16>}]} {
    %get3A = arith.constant 0 : index
    %get3A_0 = arith.constant 0 : index
    %get3A_1 = vector.load %arg1[%get3A, %get3A_0] : memref<2048x128xi32, #tpu.memory_space<vmem>>, vector<2048x128xi32>
    %and3A = arith.constant -65536 : i32
    %and3A_2 = vector.broadcast %and3A : i32 to vector<2048x128xi32>
    %and3A_3 = arith.andi %get3A_1, %and3A_2 : vector<2048x128xi32>
    %bitcast_convert_type3A = tpu.bitcast %and3A_3 : vector<2048x128xi32> -> vector<2048x128xf32>
    %shift_left3A = arith.constant 16 : i32
    %shift_left3A_4 = vector.broadcast %shift_left3A : i32 to vector<2048x128xi32>
    %shift_left3A_5 = arith.shli %get3A_1, %shift_left3A_4 : vector<2048x128xi32>
    %bitcast_convert_type3A_6 = tpu.bitcast %shift_left3A_5 : vector<2048x128xi32> -> vector<2048x128xf32>
    %get3A_7 = arith.constant 0 : index
    %get3A_8 = arith.constant 0 : index
    %get3A_9 = vector.load %arg2[%get3A_7, %get3A_8] : memref<2048x1xf32, #tpu.memory_space<vmem>>, vector<2048x1xf32>
    %sqrt3A = math.sqrt %get3A_9 : vector<2048x1xf32>
    %get3A_10 = arith.constant 0 : index
    %get3A_11 = arith.constant 0 : index
    %get3A_12 = vector.load %arg3[%get3A_10, %get3A_11] : memref<1x128xf32, #tpu.memory_space<vmem>>, vector<1x128xf32>
    %mul3A = vector.broadcast %sqrt3A : vector<2048x1xf32> to vector<2048x128xf32>
    %mul3A_13 = vector.broadcast %get3A_12 : vector<1x128xf32> to vector<2048x128xf32>
    %mul3A_14 = arith.mulf %mul3A, %mul3A_13 : vector<2048x128xf32>
    %add3A = arith.addf %bitcast_convert_type3A, %mul3A_14 : vector<2048x128xf32>
    %get3A_15 = arith.constant 0 : index
    %get3A_16 = arith.constant 0 : index
    %get3A_17 = vector.load %arg5[%get3A_15, %get3A_16] : memref<1x128xf32, #tpu.memory_space<vmem>>, vector<1x128xf32>
    %add3A_18 = vector.broadcast %get3A_17 : vector<1x128xf32> to vector<2048x128xf32>
    %add3A_19 = arith.addf %add3A, %add3A_18 : vector<2048x128xf32>
    %logistic3A = arith.negf %add3A_19 : vector<2048x128xf32>
    %logistic3A_20 = math.exp %logistic3A : vector<2048x128xf32>
    %logistic3A_21 = arith.constant 1.000000e+00 : f32
    %logistic3A_22 = vector.broadcast %logistic3A_21 : f32 to vector<2048x128xf32>
    %logistic3A_23 = arith.addf %logistic3A_22, %logistic3A_20 : vector<2048x128xf32>
    %logistic3A_24 = arith.divf %logistic3A_22, %logistic3A_23 : vector<2048x128xf32>
    %mul3A_25 = arith.mulf %add3A_19, %logistic3A_24 : vector<2048x128xf32>
    %get3A_26 = arith.constant 0 : index
    %get3A_27 = arith.constant 0 : index
    %get3A_28 = vector.load %arg4[%get3A_26, %get3A_27] : memref<1x128xf32, #tpu.memory_space<vmem>>, vector<1x128xf32>
    %mul3A_29 = vector.broadcast %sqrt3A : vector<2048x1xf32> to vector<2048x128xf32>
    %mul3A_30 = vector.broadcast %get3A_28 : vector<1x128xf32> to vector<2048x128xf32>
    %mul3A_31 = arith.mulf %mul3A_29, %mul3A_30 : vector<2048x128xf32>
    %add3A_32 = arith.addf %bitcast_convert_type3A_6, %mul3A_31 : vector<2048x128xf32>
    %get3A_33 = arith.constant 0 : index
    %get3A_34 = arith.constant 0 : index
    %get3A_35 = vector.load %arg6[%get3A_33, %get3A_34] : memref<1x128xf32, #tpu.memory_space<vmem>>, vector<1x128xf32>
    %add3A_36 = vector.broadcast %get3A_35 : vector<1x128xf32> to vector<2048x128xf32>
    %add3A_37 = arith.addf %add3A_32, %add3A_36 : vector<2048x128xf32>
    %logistic3A_38 = arith.negf %add3A_37 : vector<2048x128xf32>
    %logistic3A_39 = math.exp %logistic3A_38 : vector<2048x128xf32>
    %logistic3A_40 = arith.constant 1.000000e+00 : f32
    %logistic3A_41 = vector.broadcast %logistic3A_40 : f32 to vector<2048x128xf32>
    %logistic3A_42 = arith.addf %logistic3A_41, %logistic3A_39 : vector<2048x128xf32>
    %logistic3A_43 = arith.divf %logistic3A_41, %logistic3A_42 : vector<2048x128xf32>
    %mul3A_44 = arith.mulf %add3A_37, %logistic3A_43 : vector<2048x128xf32>
    %get3A_45 = arith.constant 0 : index
    %get3A_46 = arith.constant 0 : index
    %get3A_47 = vector.load %arg7[%get3A_45, %get3A_46] : memref<128x16xf32, #tpu.memory_space<vmem>>, vector<128x16xf32>
    %dot_general3A = arith.constant dense<0.000000e+00> : vector<2048x16xf32>
    %dot_general3A_48 = tpu.matmul %mul3A_25, %get3A_47, %dot_general3A {dimension_numbers = #tpu.dot_dimension_numbers<[1], [0], [0], [1], [0, 0, 1, 1], [], []>, transpose_lhs_hint = false} : vector<2048x128xf32>, vector<128x16xf32>, vector<2048x16xf32> -> vector<2048x16xf32>
    %get3A_49 = arith.constant 0 : index
    %get3A_50 = arith.constant 0 : index
    %get3A_51 = vector.load %arg8[%get3A_49, %get3A_50] : memref<128x16xf32, #tpu.memory_space<vmem>>, vector<128x16xf32>
    %dot_general3A_52 = arith.constant dense<0.000000e+00> : vector<2048x16xf32>
    %dot_general3A_53 = tpu.matmul %mul3A_44, %get3A_51, %dot_general3A_52 {dimension_numbers = #tpu.dot_dimension_numbers<[1], [0], [0], [1], [0, 0, 1, 1], [], []>, transpose_lhs_hint = false} : vector<2048x128xf32>, vector<128x16xf32>, vector<2048x16xf32> -> vector<2048x16xf32>
    %add3A_54 = arith.addf %dot_general3A_48, %dot_general3A_53 : vector<2048x16xf32>
    %get3A_55 = arith.constant 0 : index
    %get3A_56 = arith.constant 0 : index
    %get3A_57 = vector.load %arg9[%get3A_55, %get3A_56] : memref<1x16xf32, #tpu.memory_space<vmem>>, vector<1x16xf32>
    %add3A_58 = vector.broadcast %get3A_57 : vector<1x16xf32> to vector<2048x16xf32>
    %add3A_59 = arith.addf %add3A_54, %add3A_58 : vector<2048x16xf32>
    %swap3A = arith.constant 0 : index
    %swap3A_60 = arith.constant 0 : index
    %swap3A_61 = vector.load %arg10[%swap3A, %swap3A_60] : memref<2048x16xf32, #tpu.memory_space<vmem>>, vector<2048x16xf32>
    tpu.vector_store %arg10[%swap3A, %swap3A_60], %add3A_59 {strides = array<i32>} : memref<2048x16xf32, #tpu.memory_space<vmem>>, vector<2048x16xf32>,
    return
  }
  func.func @transform_0(%arg0: i32) -> (i32, i32) {
    %c0_i32 = arith.constant 0 : i32
    %c0_i32_0 = arith.constant 0 : i32
    return %arg0, %c0_i32 : i32, i32
  }
  func.func @transform_1(%arg0: i32) -> (i32, i32) {
    %c0_i32 = arith.constant 0 : i32
    %c0_i32_0 = arith.constant 0 : i32
    return %arg0, %c0_i32 : i32, i32
  }
  func.func @transform_2(%arg0: i32) -> (i32, i32) {
    %c0_i32 = arith.constant 0 : i32
    %c0_i32_0 = arith.constant 0 : i32
    %c0_i32_1 = arith.constant 0 : i32
    return %c0_i32, %c0_i32_0 : i32, i32
  }
  func.func @transform_3(%arg0: i32) -> (i32, i32) {
    %c0_i32 = arith.constant 0 : i32
    %c0_i32_0 = arith.constant 0 : i32
    %c0_i32_1 = arith.constant 0 : i32
    return %c0_i32, %c0_i32_0 : i32, i32
  }
  func.func @transform_4(%arg0: i32) -> (i32, i32) {
    %c0_i32 = arith.constant 0 : i32
    %c0_i32_0 = arith.constant 0 : i32
    %c0_i32_1 = arith.constant 0 : i32
    return %c0_i32, %c0_i32_0 : i32, i32
  }
  func.func @transform_5(%arg0: i32) -> (i32, i32) {
    %c0_i32 = arith.constant 0 : i32
    %c0_i32_0 = arith.constant 0 : i32
    %c0_i32_1 = arith.constant 0 : i32
    return %c0_i32, %c0_i32_0 : i32, i32
  }
  func.func @transform_6(%arg0: i32) -> (i32, i32) {
    %c0_i32 = arith.constant 0 : i32
    %c0_i32_0 = arith.constant 0 : i32
    %c0_i32_1 = arith.constant 0 : i32
    return %c0_i32, %c0_i32_0 : i32, i32
  }
  func.func @transform_7(%arg0: i32) -> (i32, i32) {
    %c0_i32 = arith.constant 0 : i32
    %c0_i32_0 = arith.constant 0 : i32
    %c0_i32_1 = arith.constant 0 : i32
    return %c0_i32, %c0_i32_0 : i32, i32
  }
  func.func @transform_8(%arg0: i32) -> (i32, i32) {
    %c0_i32 = arith.constant 0 : i32
    %c0_i32_0 = arith.constant 0 : i32
    %c0_i32_1 = arith.constant 0 : i32
    return %c0_i32, %c0_i32_0 : i32, i32
  }
  func.func @transform_9(%arg0: i32) -> (i32, i32) {
    %c0_i32 = arith.constant 0 : i32
    %c0_i32_0 = arith.constant 0 : i32
    return %arg0, %c0_i32 : i32, i32
  }
}

</mosaic_0001>

<sc_bundles>
// kernel: kernel.6.cloned.1.call-start
scs
__scs_entry_jumppad:
0x0: {  	(pc) =	sbr.rel $0x88, $3  }
0x1: {  	(tag) =	ssettag $0x0;
	lr =	simm.s32 $0x1  }
0x2: {  	[smem:$0x3F8D] =	sst lr;
	_ =	strace $0xD0000000  }
0x3: {  	_ = 	snop  }
0x4: {  	_ = 	snop  }
0x5: {  	_ = 	snop  }
0x6: {  	_ = 	snop  }
0x7: {  	_ = 	snop  }
__scs_overlays_trampoline_lowered:
0x8: {  	[smem:$0x3F9C] =	sst s0  }
0x9: {  	[smem:$0x3F9D] =	sst s1  }
0xa: {  	[smem:$0x3F9E] =	sst s2  }
0xb: {  	[smem:$0x3F9F] =	sst s3  }
0xc: {  	[smem:$0x3FA0] =	sst s4  }
0xd: {  	[smem:$0x3FA1] =	sst s5  }
0xe: {  	[smem:$0x3FA2] =	sst s6  }
0xf: {  	[smem:$0x3FA3] =	sst s7  }
0x10: {  	[smem:$0x3FA4] =	sst s8  }
0x11: {  	[smem:$0x3FA5] =	sst s9;
	s0 =	simm.s32 @!p0 $0x0  }
0x12: {  	s1 =	sld [smem:$0x3F8B];
	s0 =	simm.s32 @p0 $0x1  }
0x13: {  	[smem:$0x3FA6] =	sst s0;
	s0 =	simm.s32 @!p1 $0x0  }
0x14: {  	s2 =	sld [smem:$0x3F8A];
	s0 =	simm.s32 @p1 $0x1  }
0x15: {  	[smem:$0x3FA7] =	sst s0;
	s0 =	simm.s32 @!p2 $0x0  }
0x16: {  	s3 =	sld [smem:$0x3FDB];
	s0 =	simm.s32 @p2 $0x1  }
0x17: {  	s4 =	simm.s32 $0x1BF5;
	[smem:$0x3FA9] =	sst s0  }
0x18: {  	s0 =	sld [smem:$0x3F8C];
	_ =	swait.ge [sflag:s4], $0x0  }
0x19: {  	s7 =	sld [smem:$0x3F8D]  }
0x1a: {  	s8 =	sadd.s32 $0xFFFFE003, lr  }
0x1b: {  	s9 =	sadd.s32 $0xFFFFFEF7, lr;
	s5 =	simm.s32 $0xFFFFFFFF;
	p2 =	slt.u32 s8, $0xFFFFF086  }
0x1c: {  	p1 =	slt.u32 s9, $0xF7A;
	s5 =	simm.s32 @!p2 $0x0  }
0x1d: {  	s5 =	simm.s32 @p1 $0x1;
	p0 =	seq.s32 s7, s2  }
0x1e: {  	s7 =	smul.u32 @!p0 $0xF7A, s2;
	p2 =	seq.s32 @!p0 s5, $0x0  }
0x1f: {  	s9 =	smul.u32 $0xF7A, s1;
	s8 =	simm.s32 @!p0 $0x1BF5;
	p2 =	por !p2, p0  }
0x20: {  	[sflag:s8] =	ssyncset.s32 @!p0 $0xFFFFF086;
	s6 =	sadd.s32 @!p0 s3, s7;
	s7 =	simm.s32 @!p0 $0x108  }
0x21: {  	s3 =	sadd.s32 s3, s9;
	s6 =	sadd.s32 @!p0 $0x88, s6;
	s7 =	simm.s32 @p2 $0x1082  }
0x22: {  	[simem:s7], [sflag:s8] =	dma.local @!p0 [hbm:s6], $0xF7A  }
0x23: {  	s9 =	sor.u32 $0xD0000000, s2;
	s6 =	simm.s32 $0x108;
	_ =	swait.ge @!p0 [sflag:s8], $0x0  }
0x24: {  	s3 =	sadd.s32 $0x88, s3;
	s6 =	simm.s32 @!p1 $0x1082;
	[sflag:s4] =	ssyncset.s32 $0xFFFFF086  }
0x25: {  	[simem:s6], [sflag:s4] =	dma.local [hbm:s3], $0xF7A  }
0x26: {  	[smem:$0x3F8D] =	sst s1;
	(tag) =	ssettag s2;
	_ =	strace s9  }
0x27: {  	s1 =	sld [smem:$0x3F9D]  }
0x28: {  	s2 =	sld [smem:$0x3F9E]  }
0x29: {  	s4 =	sld [smem:$0x3FA0]  }
0x2a: {  	p0 =	seq.s32 s5, $0x0;
	s5 =	sld [smem:$0x3FA1]  }
0x2b: {  	s6 =	sld [smem:$0x3FA2]  }
0x2c: {  	s7 =	sld [smem:$0x3FA3]  }
0x2d: {  	s3 =	simm.s32 $0x108;
	s8 =	sld [smem:$0x3FA4]  }
0x2e: {  	s3 =	simm.s32 @!p0 $0x1082;
	s9 =	sld [smem:$0x3FA5]  }
0x2f: {  	lr =	sadd.s32 s0, s3;
	s0 =	sld [smem:$0x3F9C]  }
0x30: {  	s3 =	sld [smem:$0x3F9F]  }
0x31: {  	[smem:$0x3FA8] =	sst s10  }
0x32: {  	s10 =	sld [smem:$0x3FA6];
	_ =	sdelay $0x3  }
0x33: {  	p0 =	seq.s32 s10, $0x1;
	s10 =	sld [smem:$0x3FA8];
	_ =	sdelay $0x3  }
0x34: {  	[smem:$0x3FA8] =	sst s10  }
0x35: {  	s10 =	sld [smem:$0x3FA7];
	_ =	sdelay $0x3  }
0x36: {  	p1 =	seq.s32 s10, $0x1;
	s10 =	sld [smem:$0x3FA8];
	_ =	sdelay $0x3  }
0x37: {  	[smem:$0x3FA8] =	sst s10  }
0x38: {  	s10 =	sld [smem:$0x3FA9]  }
0x39: {  	_ = 	snop;
	(pc) =	sbr.ind lr, $3  }
0x3a: {  	_ = 	snop  }
0x3b: {  	_ = 	snop  }
0x3c: {  	p2 =	seq.s32 s10, $0x1;
	s10 =	sld [smem:$0x3FA8]  }
0x3d: {  	_ =	shalt  }
0x3e: {  	_ =	shalt  }
0x3f: {  	_ =	shalt  }
0x40: {  	_ =	shalt  }
0x41: {  	_ =	shalt  }
0x42: {  	_ =	shalt  }
0x43: {  	_ =	shalt  }
0x44: {  	_ =	shalt  }
0x45: {  	_ =	shalt  }
0x46: {  	_ =	shalt  }
0x47: {  	_ =	shalt  }
0x48: {  	_ =	shalt  }
0x49: {  	_ =	shalt  }
0x4a: {  	_ =	shalt  }
0x4b: {  	_ =	shalt  }
0x4c: {  	_ =	shalt  }
0x4d: {  	_ =	shalt  }
0x4e: {  	_ =	shalt  }
0x4f: {  	_ =	shalt  }
0x50: {  	_ =	shalt  }
0x51: {  	_ =	shalt  }
0x52: {  	_ =	shalt  }
0x53: {  	_ =	shalt  }
0x54: {  	_ =	shalt  }
0x55: {  	_ =	shalt  }
0x56: {  	_ =	shalt  }
0x57: {  	_ =	shalt  }
0x58: {  	_ =	shalt  }
0x59: {  	_ =	shalt  }
0x5a: {  	_ =	shalt  }
0x5b: {  	_ =	shalt  }
0x5c: {  	_ =	shalt  }
0x5d: {  	_ =	shalt  }
0x5e: {  	_ =	shalt  }
0x5f: {  	_ =	shalt  }
0x60: {  	_ =	shalt  }
0x61: {  	_ =	shalt  }
0x62: {  	_ =	shalt  }
0x63: {  	_ =	shalt  }
0x64: {  	_ =	shalt  }
0x65: {  	_ =	shalt  }
0x66: {  	_ =	shalt  }
0x67: {  	_ =	shalt  }
0x68: {  	_ =	shalt  }
0x69: {  	_ =	shalt  }
0x6a: {  	_ =	shalt  }
0x6b: {  	_ =	shalt  }
0x6c: {  	_ =	shalt  }
0x6d: {  	_ =	shalt  }
0x6e: {  	_ =	shalt  }
0x6f: {  	_ =	shalt  }
0x70: {  	_ =	shalt  }
0x71: {  	_ =	shalt  }
0x72: {  	_ =	shalt  }
0x73: {  	_ =	shalt  }
0x74: {  	_ =	shalt  }
0x75: {  	_ =	shalt  }
0x76: {  	_ =	shalt  }
0x77: {  	_ =	shalt  }
0x78: {  	_ =	shalt  }
0x79: {  	_ =	shalt  }
0x7a: {  	_ =	shalt  }
0x7b: {  	_ =	shalt  }
0x7c: {  	_ =	shalt  }
0x7d: {  	_ =	shalt  }
0x7e: {  	_ =	shalt  }
0x7f: {  	_ =	shalt  }
0x80: {  	_ =	shalt  }
0x81: {  	_ =	shalt  }
0x82: {  	_ =	shalt  }
0x83: {  	_ =	shalt  }
0x84: {  	_ =	shalt  }
0x85: {  	_ =	shalt  }
0x86: {  	_ =	shalt  }
0x87: {  	_ =	shalt  }
.Lfunc_end0:
.L_simem_size_0:
called_computation_lowered:
.L_overlay_start_0:
0x88: {  	s2 =	sld [smem:$0x3FD9]  }
0x89: {  	s3 =	sld [smem:$0x3FFE];
	_ =	sdelay $0x1  }
0x8a: {  	s1 =	srdreg.scid  }
0x8b: {  	s0 =	sand.u32 $0x1, s1  }
0x8c: {  	s14 =	sshll.u32 s0, $0xA;
	s2 =	sadd.s32 s3, s2  }
0x8d: {  	s2 =	sadd.s32 s2, s14  }
0x8e: {  	[smem:$0x3FB4] =	sst s2  }
0x8f: {  	_ = 	snop  }
0x90: {  	s2 =	sld [smem:$0x3FD0];
	_ =	sdelay $0x2  }
0x91: {  	s15 =	simm.s32 $0xA;
	s4 =	simm.s32 $0x10  }
0x92: {  	[smem:s4], [sflag:s15] =	dma.local [hbm:s2], $0x1  }
0x93: {  	_ =	swait.eq [sflag:s15], $0x1  }
0x94: {  	s5 =	sld [smem:$0x11]  }
0x95: {  	s6 =	sld [smem:$0x14]  }
0x96: {  	s7 =	sld [smem:$0x15];
	[sflag:s15] =	ssyncset.done $0x0  }
0x97: {  	s8 =	sld [smem:$0x16];
	[sflag:s15] =	ssyncadd.s32 $0xFFFFFFFF  }
0x98: {  	s2 =	sadd.s32 $0x1, s2;
	s9 =	sld [smem:$0x17]  }
0x99: {  	[smem:s4], [sflag:s15] =	dma.local [hbm:s2], $0x1  }
0x9a: {  	_ =	swait.eq [sflag:s15], $0x1  }
0x9b: {  	[sflag:s15] =	ssyncset.done $0x0  }
0x9c: {  	[sflag:s15] =	ssyncadd.s32 $0xFFFFFFFF  }
0x9d: {  	s16 =	sld [smem:$0x10];
	(tm) =	ssettm $0x1  }
0x9e: {  	s17 =	sld [smem:$0x3FFB];
	_ =	sdelay $0x3  }
0x9f: {  	_ =	strace s17  }
0xa0: {  	s3 =	sld [smem:$0x3FFC];
	_ =	sdelay $0x3  }
0xa1: {  	_ =	strace s3  }
0xa2: {  	s3 =	sld [smem:$0x3FFD];
	_ =	sdelay $0x3  }
0xa3: {  	_ =	strace s3  }
0xa4: {  	_ =	strace $0x8FFFFFFF  }
0xa5: {  	s18 =	sld [smem:$0x3FDB];
	_ =	sdelay $0x1  }
0xa6: {  	s19 =	simm.s32 $_scs_section_size  }
0xa7: {  	s10 =	simm.s32 $_size__tile_overlayer_lowered;
	s11 =	simm.s32 $_tile_overlayer_lowered  }
0xa8: {  	s22 =	simm.s32 $0x1BFF;
	s21 =	sshll.u32 s11, $0x1;
	s3 =	sadd.s32 s19, s18  }
0xa9: {  	s12 =	simm.s32 $0x0;
	s20 =	sshll.u32 s10, $0x1;
	s10 =	sadd.s32 s21, s3  }
0xaa: {  	[timem:s12], [sflag:s22] =	dma.local [hbm:s10], s20  }
0xab: {  	_ =	swait.ge [sflag:s22], s20  }
0xac: {  	s4 =	ssub.s32 $0x0, s20;
	[sflag:s22] =	ssyncset.done $0x0  }
0xad: {  	[sflag:s22] =	ssyncadd.s32 s4;
	_ =	sdelay $0x1  }
0xae: {  	s23 =	simm.s32 $0x1B8B  }
0xaf: {  	_ =	swait.ge [sflag:s23], $0x1  }
0xb0: {  	[sflag:s23] =	ssyncset.done $0x0  }
0xb1: {  	s25 =	simm.s32 $0x1B8E;
	s24 =	sld [smem:$0x3FFE];
	[sflag:s23] =	ssyncadd.s32 $0xFFFFFFFF  }
0xb2: {  	s26 =	simm.s32 $execute0_lowered;
	[smem:$0x3FD2] =	sst s25  }
0xb3: {  	s10 =	sshll.u32 s26, $0x1;
	_ =	strace $0x80000046;
	[dreg:$0x1] =	wrdreg $0xFFFFFFFF  }
0xb4: {  	s28 =	simm.s32 $_size_execute0_lowered;
	s3 =	sadd.s32 s3, s10;
	[dreg:$0x0] =	wrdreg $0x0  }
0xb5: {  	s10 =	sshll.u32 s28, $0x1;
	[dreg:$0x2] =	wrdreg s3  }
0xb6: {  	[dreg:$0x3] =	wrdreg s10  }
0xb7: {  	[dreg:$0x4] =	wrdreg $0xC0  }
0xb8: {  	_ =	task [dreg:s12], $0x5FFFF  }
0xb9: {  	[dreg:$0x1] =	wrdreg $0xFFFFFFFF  }
0xba: {  	[dreg:$0x0] =	wrdreg $0x60  }
0xbb: {  	[dreg:$0x2] =	wrdreg s6  }
0xbc: {  	[dreg:$0x3] =	wrdreg s16  }
0xbd: {  	[dreg:$0x4] =	wrdreg s9  }
0xbe: {  	[dreg:$0x5] =	wrdreg s5  }
0xbf: {  	[dreg:$0x6] =	wrdreg s8  }
0xc0: {  	[dreg:$0x7] =	wrdreg s24  }
0xc1: {  	[dreg:$0x8] =	wrdreg s7  }
0xc2: {  	[dreg:$0x9] =	wrdreg $0x9  }
0xc3: {  	_ =	task.clear_ibuf [dreg:s12], $0xAFFFF;
	_ =	strace $0x90000046  }
0xc4: {  	s29 =	simm.s32 $0x9;
	_ =	strace $0x80000048  }
0xc5: {  	_ =	swait.ge [sflag:s29], $0x1  }
0xc6: {  	[sflag:s29] =	ssyncadd.s32 $0xFFFFFFFF  }
0xc7: {  	_ =	strace $0x90000048  }
0xc8: {  	_ =	sfence  }
0xc9: {  	s30 =	sld [smem:$0x0];
	_ =	sdelay $0x2  }
0xca: {  	s31 =	sshll.u32 s1, $0xD;
	s1 =	sshrl.u32 s1, $0x2  }
0xcb: {  	s3 =	sand.u32 $0x4000, s31;
	s1 =	sadd.s32 s1, s30  }
0xcc: {  	s0 =	sor.u32 s3, s0;
	s1 =	sshll.u32 s1, $0x11  }
0xcd: {  	s0 =	sor.u32 s1, s0  }
0xce: {  	s0 =	sadd.s32 $0x8F2B, s0  }
0xcf: {  	[sflag:s0] =	ssyncadd.remote.s32 $0x1  }
0xd0: {  	_ =	sfence.sel $0xFFFF  }
0xd1: {  	[dreg:$0x0] =	wrdreg $0xFFFFFFFF;
	(pc) =	sbr.abs _section_cstart, $3  }
0xd2: {  	[dreg:$0x1] =	wrdreg $0xFFFFFFFF  }
0xd3: {  	_ =	task.clear_ibuf [dreg:s12], $0x2FFFF;
	_ =	strace $0x9FFFFFFF  }
0xd4: {  	(tm) =	ssettm $0x7FFFFFFF  }
0xd5: {  	_ =	shalt  }
tec
execute0_lowered:
.L_overlay_start_1:
0x0: {  	(tag) =	ssettag $0x1  }
0x1: {  	s0 =	rddreg [dreg:$0x0]  }
0x2: {  	s1 =	rddreg [dreg:$0x1]  }
0x3: {  	s2 =	rddreg [dreg:$0x5]  }
0x4: {  	s6 =	rddreg [dreg:$0x6];
	s7 =	simm.s32 $0x0  }
0x5: {  	s5 =	stileid.u32;
	s3 =	srdreg.scid;
	s16 =	simm.s32 $0x13900  }
0x6: {  	s17 =	simm.s32 $0x16100;
	s18 =	simm.s32 $0x18900;
	s19 =	simm.s32 $0x80  }
0x7: {  	s21 =	simm.s32 $0xB800;
	s22 =	simm.s32 $0x1;
	s23 =	simm.s32 $0xF800  }
0x8: {  	s24 =	simm.s32 $0x13800;
	s28 =	simm.s32 $0x11800;
	s29 =	simm.s32 $0x13880  }
0x9: {  	s31 =	simm.s32 $0x0;
	[smem:$0x7FF] =	sst s7;
	s4 =	smul.u32 $0x50, s5  }
0xa: {  	s3 =	sand.u32 $0x1, s3;
	s5 =	smul.u32 $0xF0, s5;
	s9 =	sadd.s32 $0x3200, s2  }
0xb: {  	s10 =	ssub.s32 $0x2, s3;
	p0 =	seq.s32 s3, $0x0;
	s8 =	sadd.s32 $0xF00, s4  }
0xc: {  	_ =	strace $0x80000047;
	s25 =	sshrl.u32 s10, $0x1;
	s8 =	smov.u32 @p0 s5  }
0xd: {  	s2 =	ssub.s32 s10, s25;
	s10 =	simm.s32 $0x78;
	s25 =	simm.s32 $0x2  }
0xe: {  	s26 =	sshll.u32 s8, $0x4;
	s12 =	sshll.u32 s8, $0x6;
	s30 =	smax.u32 s2, $0x1  }
0xf: {  	s10 =	simm.s32 @!p0 $0x28;
	s0 =	sadd.s32 s0, s26;
	[dreg:$0x9] =	wrdreg s30  }
0x10: {  	s13 =	sadd.s32 $0xFFFFFFFF, s10;
	s26 =	simm.s32 $0x3;
	[dreg:$0x8] =	wrdreg s0  }
.LBB2_1:
0x11: {  	s0 =	rddreg [dreg:$0x8];
	s2 =	simm.s32 $0x5  }
0x12: {  	[tilespmem:s7], [sflag:$0x5] =	stream.linear.gather [hbm4b:s0+s7], $0x7800, $0x38;
	[tilespmem:$0x1B100] =	vst v63  }
0x13: {  	_ =	swait.ge [sflag:s2], $0x7800  }
0x14: {  	[sflag:s2] =	ssyncset.done $0x0  }
0x15: {  	[sflag:s2] =	ssyncadd.s32 $0xFFFF8800  }
0x16: {  	s14 =	rddreg [dreg:$0x2]  }
0x17: {  	[tilespmem:s16], [sflag:$0x5] =	stream.linear.gather [hbm4b:s14+s7], $0x2800, $0x38;
	[tilespmem:$0x1B100] =	vst v63  }
0x18: {  	_ =	swait.ge [sflag:s2], $0x2800  }
0x19: {  	[sflag:s2] =	ssyncset.done $0x0  }
0x1a: {  	[sflag:s2] =	ssyncadd.s32 $0xFFFFD800  }
0x1b: {  	s15 =	rddreg [dreg:$0x3]  }
0x1c: {  	[tilespmem:s17], [sflag:$0x5] =	stream.linear.gather [hbm4b:s15+s7], $0x2800, $0x38;
	[tilespmem:$0x1B100] =	vst v63  }
0x1d: {  	_ =	swait.ge [sflag:s2], $0x2800  }
0x1e: {  	[sflag:s2] =	ssyncset.done $0x0  }
0x1f: {  	[sflag:s2] =	ssyncadd.s32 $0xFFFFD800  }
0x20: {  	s20 =	rddreg [dreg:$0x4]  }
0x21: {  	[tilespmem:s18], [sflag:$0x5] =	stream.linear.gather [hbm4b:s20+s7], $0x2800, $0x38;
	[tilespmem:$0x1B100] =	vst v63  }
0x22: {  	_ =	swait.ge [sflag:s2], $0x2800  }
0x23: {  	[sflag:s2] =	ssyncset.done $0x0  }
0x24: {  	s30 =	simm.s32 $0x7800;
	s0 =	simm.s32 $0x0;
	[sflag:s2] =	ssyncadd.s32 $0xFFFFD800  }
0x25: {  	[tilespmem:s30], [sflag:$0x1] =	stream.indirect.gather [hbm4b:s1+s19], $0x80, s7, s19, $0xb8;
	[tilespmem:$0x1B100] =	vst v63  }
.LBB2_2:
0x26: {  	p0 =	seq.s32 s0, $0x0  }
0x27: {  	s2 =	simm.s32 @!p0 $0x4  }
0x28: {  	_ =	swait.ge @!p0 [sflag:s2], $0x2000  }
0x29: {  	[sflag:s2] =	ssyncset.done @!p0 $0x0  }
0x2a: {  	[sflag:s2] =	ssyncadd.s32 @!p0 $0xFFFFE000  }
0x2b: {  	s5 =	sshllo.u32 s0, $0x1;
	_ =	swait.ge @!p0 [sflag:s2], $0x40  }
0x2c: {  	s3 =	sshll.u32 s5, $0x9;
	[sflag:s2] =	ssyncset.done @!p0 $0x0  }
0x2d: {  	[sflag:s2] =	ssyncadd.s32 @!p0 $0xFFFFFFC0;
	s2 =	sshra.s32 s3, $0x2  }
0x2e: {  	[tilespmem:s21], [sflag:$0x2] =	stream.indirect.gather [hbm4b:s1+s19], $0x80, s2, s19, $0xb8;
	[tilespmem:$0x1B100] =	vst v63  }
0x2f: {  	_ =	swait.ge [sflag:s22], $0x4000  }
0x30: {  	[sflag:s22] =	ssyncset.done $0x0  }
0x31: {  	s30 =	simm.s32 $0x9800;
	[sflag:s22] =	ssyncadd.s32 $0xFFFFC000  }
0x32: {  	v0 =	vld [tilespmem:s30+$0xFFFFE080]  }
0x33: {  	v1 =	vld [tilespmem:s30+$0x80];
	_ =	sdelay $0x4  }
0x34: {  	v0 =	vadd.bf16 v1, v0  }
0x35: {  	s3 =	simm.s32 $0xF880  }
0x36: {  	[tilespmem:s3+$0x0] =	vst v0  }
0x37: {  	v0 =	vld [tilespmem:s30+$0xFFFFE090]  }
0x38: {  	v1 =	vld [tilespmem:s30+$0x90]  }
0x39: {  	v2 =	vld [tilespmem:s30+$0x0]  }
0x3a: {  	v3 =	vld [tilespmem:s30+$0xFFFFE000];
	_ =	sdelay $0x2  }
0x3b: {  	v0 =	vadd.bf16 v1, v0;
	_ =	sdelay $0x1  }
0x3c: {  	[tilespmem:s3+$0x10] =	vst v0;
	v0 =	vadd.bf16 v2, v3  }
0x3d: {  	v1 =	vld [tilespmem:s30+$0xFFFFE0A0]  }
0x3e: {  	v2 =	vld [tilespmem:s30+$0xA0];
	[tilespmem:s3+$0xFFFFFF80] =	vst v0  }
0x3f: {  	v0 =	vld [tilespmem:s30+$0xFFFFE010]  }
0x40: {  	v3 =	vld [tilespmem:s30+$0x10];
	_ =	sdelay $0x2  }
0x41: {  	v1 =	vadd.bf16 v2, v1;
	_ =	sdelay $0x1  }
0x42: {  	[tilespmem:s3+$0x20] =	vst v1;
	v0 =	vadd.bf16 v3, v0  }
0x43: {  	v1 =	vld [tilespmem:s30+$0xFFFFE0B0]  }
0x44: {  	v2 =	vld [tilespmem:s30+$0xB0];
	[tilespmem:s3+$0xFFFFFF90] =	vst v0  }
0x45: {  	v0 =	vld [tilespmem:s30+$0xFFFFE020]  }
0x46: {  	s20 =	simm.s32 $0x9900;
	v3 =	vld [tilespmem:s30+$0x20]  }
0x47: {  	v4 =	vld [tilespmem:s20+$0xFFFFE080]  }
0x48: {  	v5 =	vld [tilespmem:s20+$0x80]  }
0x49: {  	v6 =	vld [tilespmem:s20+$0xFFFFE000];
	v1 =	vadd.bf16 v2, v1  }
0x4a: {  	v2 =	vld [tilespmem:s20+$0x0]  }
0x4b: {  	[tilespmem:s3+$0x30] =	vst v1;
	v0 =	vadd.bf16 v3, v0  }
0x4c: {  	v1 =	vld [tilespmem:s30+$0xFFFFE0C0]  }
0x4d: {  	v3 =	vld [tilespmem:s30+$0xC0];
	[tilespmem:s3+$0xFFFFFFA0] =	vst v0;
	v0 =	vadd.bf16 v5, v4  }
0x4e: {  	s4 =	simm.s32 $0xF980;
	v4 =	vld [tilespmem:s30+$0xFFFFE030]  }
0x4f: {  	v5 =	vld [tilespmem:s30+$0x30];
	v2 =	vadd.bf16 v2, v6;
	[tilespmem:s4+$0x0] =	vst v0  }
0x50: {  	v0 =	vld [tilespmem:s20+$0xFFFFE090]  }
0x51: {  	[tilespmem:s4+$0xFFFFFF80] =	vst v2;
	v2 =	vld [tilespmem:s20+$0x90]  }
0x52: {  	v1 =	vadd.bf16 v3, v1;
	v3 =	vld [tilespmem:s20+$0xFFFFE010]  }
0x53: {  	v6 =	vld [tilespmem:s20+$0x10]  }
0x54: {  	[tilespmem:s3+$0x40] =	vst v1;
	v1 =	vadd.bf16 v5, v4  }
0x55: {  	v4 =	vld [tilespmem:s30+$0xFFFFE0D0]  }
0x56: {  	v5 =	vld [tilespmem:s30+$0xD0];
	[tilespmem:s3+$0xFFFFFFB0] =	vst v1;
	v0 =	vadd.bf16 v2, v0  }
0x57: {  	v1 =	vld [tilespmem:s30+$0xFFFFE040]  }
0x58: {  	v2 =	vld [tilespmem:s30+$0x40];
	v3 =	vadd.bf16 v6, v3;
	[tilespmem:s4+$0x10] =	vst v0  }
0x59: {  	v0 =	vld [tilespmem:s20+$0xFFFFE0A0]  }
0x5a: {  	[tilespmem:s4+$0xFFFFFF90] =	vst v3;
	v3 =	vld [tilespmem:s20+$0xA0]  }
0x5b: {  	v4 =	vadd.bf16 v5, v4;
	v5 =	vld [tilespmem:s20+$0xFFFFE020]  }
0x5c: {  	v6 =	vld [tilespmem:s20+$0x20]  }
0x5d: {  	s11 =	simm.s32 $0x9A00  }
0x5e: {  	v8 =	vld [tilespmem:s11+$0x80];
	[tilespmem:s3+$0x50] =	vst v4  }
0x5f: {  	v1 =	vadd.bf16 v2, v1;
	v2 =	vld [tilespmem:s30+$0xFFFFE0E0];
	v0 =	vadd.bf16 v3, v0  }
0x60: {  	v4 =	vld [tilespmem:s30+$0xE0]  }
0x61: {  	v9 =	vld [tilespmem:s11+$0xFFFFE000];
	v5 =	vadd.bf16 v6, v5;
	[tilespmem:s4+$0x20] =	vst v0  }
0x62: {  	[tilespmem:s3+$0xFFFFFFC0] =	vst v1;
	v0 =	vld [tilespmem:s20+$0xFFFFE0B0]  }
0x63: {  	[tilespmem:s4+$0xFFFFFFA0] =	vst v5;
	v5 =	vld [tilespmem:s20+$0xB0]  }
0x64: {  	v1 =	vld [tilespmem:s30+$0xFFFFE050]  }
0x65: {  	v3 =	vld [tilespmem:s30+$0x50];
	v2 =	vadd.bf16 v4, v2  }
0x66: {  	v6 =	vld [tilespmem:s11+$0xFFFFE080]  }
0x67: {  	v4 =	vld [tilespmem:s20+$0xFFFFE030];
	[tilespmem:s3+$0x60] =	vst v2  }
0x68: {  	v2 =	vld [tilespmem:s30+$0xFFFFE0F0];
	v0 =	vadd.bf16 v5, v0  }
0x69: {  	v7 =	vld [tilespmem:s30+$0xF0]  }
0x6a: {  	v5 =	vld [tilespmem:s11+$0x0];
	[tilespmem:s4+$0x30] =	vst v0  }
0x6b: {  	v0 =	vadd.bf16 v3, v1;
	v1 =	vld [tilespmem:s20+$0xFFFFE0C0]  }
0x6c: {  	v3 =	vld [tilespmem:s20+$0xC0]  }
0x6d: {  	[tilespmem:s3+$0xFFFFFFD0] =	vst v0;
	v0 =	vadd.bf16 v8, v6;
	v6 =	vld [tilespmem:s20+$0x30]  }
0x6e: {  	s14 =	simm.s32 $0xFA80;
	v8 =	vld [tilespmem:s30+$0xFFFFE060]  }
0x6f: {  	v5 =	vadd.bf16 v5, v9;
	[tilespmem:s14+$0x0] =	vst v0;
	v0 =	vld [tilespmem:s30+$0x60]  }
0x70: {  	v61 =	vld [tilespmem:s11+$0xFFFFE090]  }
0x71: {  	[tilespmem:s14+$0xFFFFFF80] =	vst v5;
	v5 =	vld [tilespmem:s11+$0x90];
	v1 =	vadd.bf16 v3, v1  }
0x72: {  	v3 =	vld [tilespmem:s11+$0xFFFFE010]  }
0x73: {  	v4 =	vadd.bf16 v6, v4;
	v6 =	vld [tilespmem:s11+$0x10];
	[tilespmem:s4+$0x40] =	vst v1  }
0x74: {  	v1 =	vld [tilespmem:s20+$0xFFFFE0D0]  }
0x75: {  	[tilespmem:s4+$0xFFFFFFB0] =	vst v4;
	v0 =	vadd.bf16 v0, v8;
	v4 =	vld [tilespmem:s20+$0xD0]  }
0x76: {  	v5 =	vadd.bf16 v5, v61;
	v8 =	vld [tilespmem:s20+$0xFFFFE040]  }
0x77: {  	v62 =	vld [tilespmem:s20+$0x40];
	[tilespmem:s3+$0xFFFFFFE0] =	vst v0  }
0x78: {  	v3 =	vadd.bf16 v6, v3;
	[tilespmem:s14+$0x10] =	vst v5;
	v0 =	vld [tilespmem:s30+$0xFFFFE070]  }
0x79: {  	v5 =	vld [tilespmem:s11+$0xFFFFE0A0]  }
0x7a: {  	[tilespmem:s14+$0xFFFFFF90] =	vst v3;
	v3 =	vld [tilespmem:s11+$0xA0];
	v1 =	vadd.bf16 v4, v1  }
0x7b: {  	v6 =	vld [tilespmem:s11+$0xFFFFE020]  }
0x7c: {  	v10 =	vld [tilespmem:s11+$0x20];
	v4 =	vadd.bf16 v62, v8;
	[tilespmem:s4+$0x50] =	vst v1  }
0x7d: {  	v8 =	vld [tilespmem:s20+$0xFFFFE0E0]  }
0x7e: {  	[tilespmem:s4+$0xFFFFFFC0] =	vst v4;
	v63 =	vld [tilespmem:s20+$0xE0]  }
0x7f: {  	v4 =	vld [tilespmem:s20+$0x50];
	v1 =	vadd.bf16 v3, v5  }
0x80: {  	v3 =	vld [tilespmem:s20+$0xFFFFE050]  }
0x81: {  	v5 =	vadd.bf16 v10, v6;
	[tilespmem:s14+$0x20] =	vst v1;
	v1 =	vld [tilespmem:s30+$0x70]  }
0x82: {  	v2 =	vadd.bf16 v7, v2;
	v6 =	vld [tilespmem:s11+$0xFFFFE0B0]  }
0x83: {  	[tilespmem:s14+$0xFFFFFFA0] =	vst v5;
	v7 =	vld [tilespmem:s11+$0xB0];
	v5 =	vadd.bf16 v63, v8  }
0x84: {  	s15 =	simm.s32 $0x9B00;
	[tilespmem:s3+$0x70] =	vst v2;
	s30 =	simm.s32 $0x4;
	v2 =	vld [tilespmem:s11+$0xFFFFE030]  }
.LBB2_3:
0x85: {  	v8 =	vld [tilespmem:s15+$0xFFFFE080];
	v3 =	vadd.bf16 v4, v3;
	[tilespmem:s4+$0x60] =	vst v5  }
0x86: {  	v4 =	vld [tilespmem:s20+$0xFFFFE0F0];
	v0 =	vadd.bf16 v1, v0  }
0x87: {  	[tilespmem:s4+$0xFFFFFFD0] =	vst v3;
	v1 =	vld [tilespmem:s20+$0xF0]  }
0x88: {  	v3 =	vld [tilespmem:s15+$0x80];
	v5 =	vadd.bf16 v7, v6;
	[tilespmem:s3+$0xFFFFFFF0] =	vst v0;
	s3 =	smov.u32 s4;
	s4 =	smov.u32 s14  }
0x89: {  	v0 =	vld [tilespmem:s15+$0x0]  }
0x8a: {  	v6 =	vld [tilespmem:s15+$0xFFFFE000];
	[tilespmem:s14+$0x30] =	vst v5  }
0x8b: {  	v5 =	vld [tilespmem:s11+$0xFFFFE0C0]  }
0x8c: {  	v7 =	vld [tilespmem:s11+$0xC0];
	v1 =	vadd.bf16 v1, v4  }
0x8d: {  	v3 =	vadd.bf16 v3, v8;
	v4 =	vld [tilespmem:s11+$0x30]  }
0x8e: {  	s14 =	sadd.s32 $0x100, s14;
	v8 =	vld [tilespmem:s20+$0xFFFFE060];
	[tilespmem:s3+$0x70] =	vst v1  }
0x8f: {  	s30 =	sadd.s32 $0x2, s30;
	v0 =	vadd.bf16 v0, v6;
	[tilespmem:s14+$0x0] =	vst v3;
	v1 =	vld [tilespmem:s20+$0x60]  }
0x90: {  	p0 =	slt.u32 s30, $0x3E;
	v3 =	vld [tilespmem:s15+$0xFFFFE090]  }
0x91: {  	[tilespmem:s14+$0xFFFFFF80] =	vst v0;
	v0 =	vld [tilespmem:s15+$0x90];
	v5 =	vadd.bf16 v7, v5  }
0x92: {  	v6 =	vld [tilespmem:s15+$0xFFFFE010];
	v2 =	vadd.bf16 v4, v2  }
0x93: {  	v4 =	vld [tilespmem:s15+$0x10];
	[tilespmem:s4+$0x40] =	vst v5  }
0x94: {  	[tilespmem:s4+$0xFFFFFFB0] =	vst v2;
	v2 =	vld [tilespmem:s11+$0xFFFFE0D0];
	v1 =	vadd.bf16 v1, v8  }
0x95: {  	v5 =	vld [tilespmem:s11+$0xD0]  }
0x96: {  	v0 =	vadd.bf16 v0, v3;
	v3 =	vld [tilespmem:s11+$0xFFFFE040];
	[tilespmem:s3+$0xFFFFFFE0] =	vst v1  }
0x97: {  	v1 =	vld [tilespmem:s11+$0x40]  }
0x98: {  	v4 =	vadd.bf16 v4, v6;
	[tilespmem:s14+$0x10] =	vst v0;
	v0 =	vld [tilespmem:s20+$0xFFFFE070]  }
0x99: {  	v6 =	vld [tilespmem:s15+$0xFFFFE0A0]  }
0x9a: {  	[tilespmem:s14+$0xFFFFFF90] =	vst v4;
	v4 =	vld [tilespmem:s15+$0xA0];
	v2 =	vadd.bf16 v5, v2  }
0x9b: {  	v5 =	vld [tilespmem:s15+$0xFFFFE020]  }
0x9c: {  	v7 =	vld [tilespmem:s15+$0x20];
	v1 =	vadd.bf16 v1, v3;
	[tilespmem:s4+$0x50] =	vst v2  }
0x9d: {  	v2 =	vld [tilespmem:s11+$0xFFFFE0E0]  }
0x9e: {  	[tilespmem:s4+$0xFFFFFFC0] =	vst v1;
	v8 =	vld [tilespmem:s11+$0xE0]  }
0x9f: {  	v1 =	vadd.bf16 v4, v6;
	v3 =	vld [tilespmem:s11+$0xFFFFE050]  }
.Ltmp0:
0xa0: {  	v4 =	vld [tilespmem:s11+$0x50];
	(pc) =	sbr.rel @p0 .LBB2_3-.Ltmp0, $4  }
0xa1: {  	v5 =	vadd.bf16 v7, v5;
	[tilespmem:s14+$0x20] =	vst v1;
	v1 =	vld [tilespmem:s20+$0x70];
	s20 =	smov.u32 s11;
	s11 =	smov.u32 s15  }
0xa2: {  	v6 =	vld [tilespmem:s15+$0xFFFFE0B0]  }
0xa3: {  	[tilespmem:s14+$0xFFFFFFA0] =	vst v5;
	v7 =	vld [tilespmem:s15+$0xB0];
	v5 =	vadd.bf16 v8, v2  }
0xa4: {  	s15 =	sadd.s32 $0x100, s15;
	v2 =	vld [tilespmem:s11+$0xFFFFE030]  }
0xa5: {  	v8 =	vld [tilespmem:s11+$0x30];
	_ =	sdelay $0x2  }
0xa6: {  	v6 =	vadd.bf16 v7, v6;
	_ =	sdelay $0x1  }
0xa7: {  	[tilespmem:s14+$0x30] =	vst v6;
	v2 =	vadd.bf16 v8, v2  }
0xa8: {  	v6 =	vld [tilespmem:s11+$0xFFFFE0C0]  }
0xa9: {  	v7 =	vld [tilespmem:s11+$0xC0];
	[tilespmem:s14+$0xFFFFFFB0] =	vst v2  }
0xaa: {  	v2 =	vld [tilespmem:s11+$0xFFFFE040]  }
0xab: {  	v8 =	vld [tilespmem:s11+$0x40];
	_ =	sdelay $0x2  }
0xac: {  	v6 =	vadd.bf16 v7, v6;
	_ =	sdelay $0x1  }
0xad: {  	[tilespmem:s14+$0x40] =	vst v6;
	v2 =	vadd.bf16 v8, v2  }
0xae: {  	v6 =	vld [tilespmem:s11+$0xFFFFE0D0]  }
0xaf: {  	v7 =	vld [tilespmem:s11+$0xD0];
	[tilespmem:s14+$0xFFFFFFC0] =	vst v2  }
0xb0: {  	v2 =	vld [tilespmem:s11+$0xFFFFE050]  }
0xb1: {  	v8 =	vld [tilespmem:s11+$0x50]  }
0xb2: {  	v3 =	vadd.bf16 v4, v3;
	_ =	sdelay $0x1  }
0xb3: {  	[tilespmem:s4+$0xFFFFFFD0] =	vst v3;
	v3 =	vadd.bf16 v7, v6  }
0xb4: {  	v4 =	vld [tilespmem:s20+$0xFFFFE060]  }
0xb5: {  	v6 =	vld [tilespmem:s20+$0x60];
	[tilespmem:s14+$0x50] =	vst v3;
	v2 =	vadd.bf16 v8, v2  }
0xb6: {  	v3 =	vld [tilespmem:s11+$0xFFFFE0E0]  }
0xb7: {  	v7 =	vld [tilespmem:s11+$0xE0];
	[tilespmem:s14+$0xFFFFFFD0] =	vst v2  }
0xb8: {  	v2 =	vld [tilespmem:s11+$0xFFFFE060]  }
0xb9: {  	v8 =	vld [tilespmem:s11+$0x60]  }
0xba: {  	[tilespmem:s4+$0x60] =	vst v5;
	v4 =	vadd.bf16 v6, v4  }
0xbb: {  	v5 =	vld [tilespmem:s20+$0xFFFFE0F0]  }
0xbc: {  	v6 =	vld [tilespmem:s20+$0xF0];
	[tilespmem:s4+$0xFFFFFFE0] =	vst v4;
	v3 =	vadd.bf16 v7, v3  }
0xbd: {  	v4 =	vld [tilespmem:s20+$0xFFFFE070]  }
0xbe: {  	v7 =	vld [tilespmem:s20+$0x70];
	[tilespmem:s14+$0x60] =	vst v3;
	v2 =	vadd.bf16 v8, v2  }
0xbf: {  	v3 =	vld [tilespmem:s11+$0xFFFFE0F0]  }
0xc0: {  	v8 =	vld [tilespmem:s11+$0xF0];
	[tilespmem:s14+$0xFFFFFFE0] =	vst v2  }
0xc1: {  	v2 =	vld [tilespmem:s11+$0xFFFFE070]  }
0xc2: {  	v9 =	vld [tilespmem:s11+$0x70]  }
0xc3: {  	v0 =	vadd.bf16 v1, v0  }
0xc4: {  	v1 =	vadd.bf16 v6, v5  }
0xc5: {  	[tilespmem:s3+$0xFFFFFFF0] =	vst v0;
	v0 =	vadd.bf16 v7, v4  }
0xc6: {  	[tilespmem:s4+$0x70] =	vst v1;
	v1 =	vadd.bf16 v8, v3  }
0xc7: {  	[tilespmem:s4+$0xFFFFFFF0] =	vst v0;
	v0 =	vadd.bf16 v9, v2  }
0xc8: {  	s11 =	sshll.u32 s0, $0xA;
	[tilespmem:s14+$0x70] =	vst v1  }
0xc9: {  	s3 =	sshra.s32 s11, $0x2;
	[tilespmem:s14+$0xFFFFFFF0] =	vst v0  }
0xca: {  	v0 =	vld [tilespmem:s3+$0x0]  }
0xcb: {  	v1 =	vld [tilespmem:s3+$0x40];
	_ =	sdelay $0x6  }
0xcc: {  	v2 =	vld.idx.msk [tilespmem:v0+s16+$0x0], $0xffff  }
0xcd: {  	v3 =	vld.idx.msk [tilespmem:v1+s16+$0x0], $0xffff  }
0xce: {  	v4 =	vld.idx.msk [tilespmem:v0+s17+$0x0], $0xffff  }
0xcf: {  	v5 =	vld.idx.msk [tilespmem:v1+s17+$0x0], $0xffff  }
0xd0: {  	v0 =	vld.idx.msk [tilespmem:v0+s18+$0x0], $0xffff  }
0xd1: {  	v1 =	vld.idx.msk [tilespmem:v1+s18+$0x0], $0xffff;
	_ =	sdelay $0x2  }
0xd2: {  	v2 =	vsub.f32 v2, v3;
	v3 =	vsub.f32 v4, v5;
	_ =	sdelay $0x1  }
0xd3: {  	v0 =	vsub.f32 v0, v1;
	v1 =	vmul.f32 v2, v2;
	v2 =	vmul.f32 v3, v3;
	_ =	sdelay $0x1  }
0xd4: {  	v0 =	vmul.f32 v0, v0;
	v1 =	vadd.f32 v2, v1;
	_ =	sdelay $0x1  }
0xd5: {  	v0 =	vadd.f32 v0, v1;
	_ =	sdelay $0x1  }
0xd6: {  	[tilespmem:$0x13800] =	vst v0  }
0xd7: {  	v0 =	vld [tilespmem:s3+$0x10]  }
0xd8: {  	v1 =	vld [tilespmem:s3+$0x50];
	_ =	sdelay $0x6  }
0xd9: {  	v2 =	vld.idx.msk [tilespmem:v0+s16+$0x0], $0xffff  }
0xda: {  	v3 =	vld.idx.msk [tilespmem:v1+s16+$0x0], $0xffff  }
0xdb: {  	v4 =	vld.idx.msk [tilespmem:v0+s17+$0x0], $0xffff  }
0xdc: {  	v5 =	vld.idx.msk [tilespmem:v1+s17+$0x0], $0xffff  }
0xdd: {  	v0 =	vld.idx.msk [tilespmem:v0+s18+$0x0], $0xffff  }
0xde: {  	v1 =	vld.idx.msk [tilespmem:v1+s18+$0x0], $0xffff;
	_ =	sdelay $0x2  }
0xdf: {  	v2 =	vsub.f32 v2, v3;
	v3 =	vsub.f32 v4, v5;
	_ =	sdelay $0x1  }
0xe0: {  	v0 =	vsub.f32 v0, v1;
	v1 =	vmul.f32 v2, v2;
	v2 =	vmul.f32 v3, v3;
	_ =	sdelay $0x1  }
0xe1: {  	v0 =	vmul.f32 v0, v0;
	v1 =	vadd.f32 v2, v1;
	_ =	sdelay $0x1  }
0xe2: {  	v0 =	vadd.f32 v0, v1;
	_ =	sdelay $0x1  }
0xe3: {  	[tilespmem:$0x13810] =	vst v0  }
0xe4: {  	v0 =	vld [tilespmem:s3+$0x20]  }
0xe5: {  	v1 =	vld [tilespmem:s3+$0x60];
	_ =	sdelay $0x6  }
0xe6: {  	v2 =	vld.idx.msk [tilespmem:v0+s16+$0x0], $0xffff  }
0xe7: {  	v3 =	vld.idx.msk [tilespmem:v1+s16+$0x0], $0xffff  }
0xe8: {  	v4 =	vld.idx.msk [tilespmem:v0+s17+$0x0], $0xffff  }
0xe9: {  	v5 =	vld.idx.msk [tilespmem:v1+s17+$0x0], $0xffff  }
0xea: {  	v0 =	vld.idx.msk [tilespmem:v0+s18+$0x0], $0xffff  }
0xeb: {  	v1 =	vld.idx.msk [tilespmem:v1+s18+$0x0], $0xffff;
	_ =	sdelay $0x2  }
0xec: {  	v2 =	vsub.f32 v2, v3;
	v3 =	vsub.f32 v4, v5;
	_ =	sdelay $0x1  }
0xed: {  	v0 =	vsub.f32 v0, v1;
	v1 =	vmul.f32 v2, v2;
	v2 =	vmul.f32 v3, v3;
	_ =	sdelay $0x1  }
0xee: {  	v0 =	vmul.f32 v0, v0;
	v1 =	vadd.f32 v2, v1;
	_ =	sdelay $0x1  }
0xef: {  	v0 =	vadd.f32 v0, v1;
	_ =	sdelay $0x1  }
0xf0: {  	[tilespmem:$0x13820] =	vst v0  }
0xf1: {  	v0 =	vld [tilespmem:s3+$0x30]  }
0xf2: {  	v1 =	vld [tilespmem:s3+$0x70];
	_ =	sdelay $0x6  }
0xf3: {  	v2 =	vld.idx.msk [tilespmem:v0+s16+$0x0], $0xffff  }
0xf4: {  	v3 =	vld.idx.msk [tilespmem:v1+s16+$0x0], $0xffff  }
0xf5: {  	v4 =	vld.idx.msk [tilespmem:v0+s17+$0x0], $0xffff  }
0xf6: {  	v5 =	vld.idx.msk [tilespmem:v1+s17+$0x0], $0xffff  }
0xf7: {  	v0 =	vld.idx.msk [tilespmem:v0+s18+$0x0], $0xffff  }
0xf8: {  	v1 =	vld.idx.msk [tilespmem:v1+s18+$0x0], $0xffff;
	_ =	sdelay $0x2  }
0xf9: {  	v2 =	vsub.f32 v2, v3;
	v3 =	vsub.f32 v4, v5;
	_ =	sdelay $0x1  }
0xfa: {  	v0 =	vsub.f32 v0, v1;
	v1 =	vmul.f32 v2, v2;
	v2 =	vmul.f32 v3, v3;
	_ =	sdelay $0x1  }
0xfb: {  	v0 =	vmul.f32 v0, v0;
	v1 =	vadd.f32 v2, v1  }
0xfc: {  	s15 =	sshll.u32 s0, $0x7  }
0xfd: {  	s4 =	sadd.s32 s12, s15;
	v0 =	vadd.f32 v0, v1  }
0xfe: {  	s20 =	sshll.u32 s4, $0x4  }
0xff: {  	s4 =	sshrl.u32 s4, $0x3;
	s11 =	sadd.s32 s9, s20;
	[tilespmem:$0x13830] =	vst v0  }
0x100: {  	[hbm4b:s11+s7] =	stream.linear.scatter [tilespmem:s23], [sflag:$0x3], $0x2000, $0x38;
	[tilespmem:$0x1B100] =	vst v63  }
0x101: {  	s4 =	sadd.s32 s6, s4  }
0x102: {  	[hbm4b:s4+s7] =	stream.linear.scatter [tilespmem:s24], [sflag:$0x3], $0x40, $0x38;
	[tilespmem:$0x1B100] =	vst v63  }
0x103: {  	_ =	swait.ge [sflag:s25], $0x4000  }
0x104: {  	[sflag:s25] =	ssyncset.done $0x0  }
0x105: {  	[sflag:s25] =	ssyncadd.s32 $0xFFFFC000  }
0x106: {  	_ =	swait.ge [sflag:s26], $0x2000  }
0x107: {  	[sflag:s26] =	ssyncset.done $0x0  }
0x108: {  	[sflag:s26] =	ssyncadd.s32 $0xFFFFE000  }
0x109: {  	p0 =	sge.u32 s0, s13;
	_ =	swait.ge [sflag:s26], $0x40  }
0x10a: {  	s30 =	simm.s32 $0xD800;
	s3 =	sadd.s32 @!p0 $0x100, s3;
	[sflag:s26] =	ssyncset.done $0x0  }
0x10b: {  	s11 =	simm.s32 @!p0 $0x7800;
	s4 =	simm.s32 @!p0 $0x80;
	[sflag:s26] =	ssyncadd.s32 $0xFFFFFFC0  }
0x10c: {  	[tilespmem:s11], [sflag:$0x1] =	stream.indirect.gather @!p0 [hbm4b:s1+s4], $0x80, s3, s4, $0xb8;
	[tilespmem:$0x1B100] =	vst v63  }
0x10d: {  	v0 =	vld [tilespmem:s30+$0xFFFFE080]  }
0x10e: {  	v1 =	vld [tilespmem:s30+$0x80];
	_ =	sdelay $0x4  }
0x10f: {  	v0 =	vadd.bf16 v1, v0  }
0x110: {  	s3 =	simm.s32 $0x11880  }
0x111: {  	[tilespmem:s3+$0x0] =	vst v0  }
0x112: {  	v0 =	vld [tilespmem:s30+$0xFFFFE090]  }
0x113: {  	v1 =	vld [tilespmem:s30+$0x90]  }
0x114: {  	v2 =	vld [tilespmem:s30+$0x0]  }
0x115: {  	v3 =	vld [tilespmem:s30+$0xFFFFE000];
	_ =	sdelay $0x2  }
0x116: {  	v0 =	vadd.bf16 v1, v0;
	_ =	sdelay $0x1  }
0x117: {  	[tilespmem:s3+$0x10] =	vst v0;
	v0 =	vadd.bf16 v2, v3  }
0x118: {  	v1 =	vld [tilespmem:s30+$0xFFFFE0A0]  }
0x119: {  	v2 =	vld [tilespmem:s30+$0xA0];
	[tilespmem:s3+$0xFFFFFF80] =	vst v0  }
0x11a: {  	v0 =	vld [tilespmem:s30+$0xFFFFE010]  }
0x11b: {  	v3 =	vld [tilespmem:s30+$0x10];
	_ =	sdelay $0x2  }
0x11c: {  	v1 =	vadd.bf16 v2, v1;
	_ =	sdelay $0x1  }
0x11d: {  	[tilespmem:s3+$0x20] =	vst v1;
	v0 =	vadd.bf16 v3, v0  }
0x11e: {  	v1 =	vld [tilespmem:s30+$0xFFFFE0B0]  }
0x11f: {  	v2 =	vld [tilespmem:s30+$0xB0];
	[tilespmem:s3+$0xFFFFFF90] =	vst v0  }
0x120: {  	v0 =	vld [tilespmem:s30+$0xFFFFE020]  }
0x121: {  	s20 =	simm.s32 $0xD900;
	v3 =	vld [tilespmem:s30+$0x20]  }
0x122: {  	v4 =	vld [tilespmem:s20+$0xFFFFE080]  }
0x123: {  	v5 =	vld [tilespmem:s20+$0x80]  }
0x124: {  	v6 =	vld [tilespmem:s20+$0xFFFFE000];
	v1 =	vadd.bf16 v2, v1  }
0x125: {  	v2 =	vld [tilespmem:s20+$0x0]  }
0x126: {  	[tilespmem:s3+$0x30] =	vst v1;
	v0 =	vadd.bf16 v3, v0  }
0x127: {  	v1 =	vld [tilespmem:s30+$0xFFFFE0C0]  }
0x128: {  	v3 =	vld [tilespmem:s30+$0xC0];
	[tilespmem:s3+$0xFFFFFFA0] =	vst v0;
	v0 =	vadd.bf16 v5, v4  }
0x129: {  	s4 =	simm.s32 $0x11980;
	v4 =	vld [tilespmem:s30+$0xFFFFE030]  }
0x12a: {  	v5 =	vld [tilespmem:s30+$0x30];
	v2 =	vadd.bf16 v2, v6;
	[tilespmem:s4+$0x0] =	vst v0  }
0x12b: {  	v0 =	vld [tilespmem:s20+$0xFFFFE090]  }
0x12c: {  	[tilespmem:s4+$0xFFFFFF80] =	vst v2;
	v2 =	vld [tilespmem:s20+$0x90]  }
0x12d: {  	v1 =	vadd.bf16 v3, v1;
	v3 =	vld [tilespmem:s20+$0xFFFFE010]  }
0x12e: {  	v6 =	vld [tilespmem:s20+$0x10]  }
0x12f: {  	[tilespmem:s3+$0x40] =	vst v1;
	v1 =	vadd.bf16 v5, v4  }
0x130: {  	v4 =	vld [tilespmem:s30+$0xFFFFE0D0]  }
0x131: {  	v5 =	vld [tilespmem:s30+$0xD0];
	[tilespmem:s3+$0xFFFFFFB0] =	vst v1;
	v0 =	vadd.bf16 v2, v0  }
0x132: {  	v1 =	vld [tilespmem:s30+$0xFFFFE040]  }
0x133: {  	v2 =	vld [tilespmem:s30+$0x40];
	v3 =	vadd.bf16 v6, v3;
	[tilespmem:s4+$0x10] =	vst v0  }
0x134: {  	v0 =	vld [tilespmem:s20+$0xFFFFE0A0]  }
0x135: {  	[tilespmem:s4+$0xFFFFFF90] =	vst v3;
	v3 =	vld [tilespmem:s20+$0xA0]  }
0x136: {  	v4 =	vadd.bf16 v5, v4;
	v5 =	vld [tilespmem:s20+$0xFFFFE020]  }
0x137: {  	v6 =	vld [tilespmem:s20+$0x20]  }
0x138: {  	s11 =	simm.s32 $0xDA00  }
0x139: {  	v8 =	vld [tilespmem:s11+$0x80];
	[tilespmem:s3+$0x50] =	vst v4  }
0x13a: {  	v1 =	vadd.bf16 v2, v1;
	v2 =	vld [tilespmem:s30+$0xFFFFE0E0];
	v0 =	vadd.bf16 v3, v0  }
0x13b: {  	v4 =	vld [tilespmem:s30+$0xE0]  }
0x13c: {  	v60 =	vld [tilespmem:s11+$0xFFFFE000];
	v5 =	vadd.bf16 v6, v5;
	[tilespmem:s4+$0x20] =	vst v0  }
0x13d: {  	[tilespmem:s3+$0xFFFFFFC0] =	vst v1;
	v0 =	vld [tilespmem:s20+$0xFFFFE0B0]  }
0x13e: {  	[tilespmem:s4+$0xFFFFFFA0] =	vst v5;
	v5 =	vld [tilespmem:s20+$0xB0]  }
0x13f: {  	v1 =	vld [tilespmem:s30+$0xFFFFE050]  }
0x140: {  	v3 =	vld [tilespmem:s30+$0x50];
	v2 =	vadd.bf16 v4, v2  }
0x141: {  	v6 =	vld [tilespmem:s11+$0xFFFFE080]  }
0x142: {  	v4 =	vld [tilespmem:s20+$0xFFFFE030];
	[tilespmem:s3+$0x60] =	vst v2  }
0x143: {  	v2 =	vld [tilespmem:s30+$0xFFFFE0F0];
	v0 =	vadd.bf16 v5, v0  }
0x144: {  	v7 =	vld [tilespmem:s30+$0xF0]  }
0x145: {  	v5 =	vld [tilespmem:s11+$0x0];
	[tilespmem:s4+$0x30] =	vst v0  }
0x146: {  	v0 =	vadd.bf16 v3, v1;
	v1 =	vld [tilespmem:s20+$0xFFFFE0C0]  }
0x147: {  	v3 =	vld [tilespmem:s20+$0xC0]  }
0x148: {  	[tilespmem:s3+$0xFFFFFFD0] =	vst v0;
	v0 =	vadd.bf16 v8, v6;
	v6 =	vld [tilespmem:s20+$0x30]  }
0x149: {  	s14 =	simm.s32 $0x11A80;
	v8 =	vld [tilespmem:s30+$0xFFFFE060]  }
0x14a: {  	v5 =	vadd.bf16 v5, v60;
	[tilespmem:s14+$0x0] =	vst v0;
	v0 =	vld [tilespmem:s30+$0x60]  }
0x14b: {  	v61 =	vld [tilespmem:s11+$0xFFFFE090]  }
0x14c: {  	[tilespmem:s14+$0xFFFFFF80] =	vst v5;
	v5 =	vld [tilespmem:s11+$0x90];
	v1 =	vadd.bf16 v3, v1  }
0x14d: {  	v3 =	vld [tilespmem:s11+$0xFFFFE010]  }
0x14e: {  	v4 =	vadd.bf16 v6, v4;
	v6 =	vld [tilespmem:s11+$0x10];
	[tilespmem:s4+$0x40] =	vst v1  }
0x14f: {  	v1 =	vld [tilespmem:s20+$0xFFFFE0D0]  }
0x150: {  	[tilespmem:s4+$0xFFFFFFB0] =	vst v4;
	v0 =	vadd.bf16 v0, v8;
	v4 =	vld [tilespmem:s20+$0xD0]  }
0x151: {  	v5 =	vadd.bf16 v5, v61;
	v8 =	vld [tilespmem:s20+$0xFFFFE040]  }
0x152: {  	v62 =	vld [tilespmem:s20+$0x40];
	[tilespmem:s3+$0xFFFFFFE0] =	vst v0  }
0x153: {  	v3 =	vadd.bf16 v6, v3;
	[tilespmem:s14+$0x10] =	vst v5;
	v0 =	vld [tilespmem:s30+$0xFFFFE070]  }
0x154: {  	v5 =	vld [tilespmem:s11+$0xFFFFE0A0]  }
0x155: {  	[tilespmem:s14+$0xFFFFFF90] =	vst v3;
	v3 =	vld [tilespmem:s11+$0xA0];
	v1 =	vadd.bf16 v4, v1  }
0x156: {  	v6 =	vld [tilespmem:s11+$0xFFFFE020]  }
0x157: {  	v10 =	vld [tilespmem:s11+$0x20];
	v4 =	vadd.bf16 v62, v8;
	[tilespmem:s4+$0x50] =	vst v1  }
0x158: {  	v8 =	vld [tilespmem:s20+$0xFFFFE0E0]  }
0x159: {  	[tilespmem:s4+$0xFFFFFFC0] =	vst v4;
	v63 =	vld [tilespmem:s20+$0xE0]  }
0x15a: {  	v4 =	vld [tilespmem:s20+$0x50];
	v1 =	vadd.bf16 v3, v5  }
0x15b: {  	v3 =	vld [tilespmem:s20+$0xFFFFE050]  }
0x15c: {  	v5 =	vadd.bf16 v10, v6;
	[tilespmem:s14+$0x20] =	vst v1;
	v1 =	vld [tilespmem:s30+$0x70]  }
0x15d: {  	v2 =	vadd.bf16 v7, v2;
	v6 =	vld [tilespmem:s11+$0xFFFFE0B0]  }
0x15e: {  	[tilespmem:s14+$0xFFFFFFA0] =	vst v5;
	v7 =	vld [tilespmem:s11+$0xB0];
	v5 =	vadd.bf16 v63, v8  }
0x15f: {  	s15 =	simm.s32 $0xDB00;
	[tilespmem:s3+$0x70] =	vst v2;
	s30 =	simm.s32 $0x4;
	v2 =	vld [tilespmem:s11+$0xFFFFE030]  }
.LBB2_5:
0x160: {  	v8 =	vld [tilespmem:s15+$0xFFFFE080];
	v3 =	vadd.bf16 v4, v3;
	[tilespmem:s4+$0x60] =	vst v5  }
0x161: {  	v4 =	vld [tilespmem:s20+$0xFFFFE0F0];
	v0 =	vadd.bf16 v1, v0  }
0x162: {  	[tilespmem:s4+$0xFFFFFFD0] =	vst v3;
	v1 =	vld [tilespmem:s20+$0xF0]  }
0x163: {  	v3 =	vld [tilespmem:s15+$0x80];
	v5 =	vadd.bf16 v7, v6;
	[tilespmem:s3+$0xFFFFFFF0] =	vst v0;
	s3 =	smov.u32 s4;
	s4 =	smov.u32 s14  }
0x164: {  	v0 =	vld [tilespmem:s15+$0x0]  }
0x165: {  	v6 =	vld [tilespmem:s15+$0xFFFFE000];
	[tilespmem:s14+$0x30] =	vst v5  }
0x166: {  	v5 =	vld [tilespmem:s11+$0xFFFFE0C0]  }
0x167: {  	v7 =	vld [tilespmem:s11+$0xC0];
	v1 =	vadd.bf16 v1, v4  }
0x168: {  	v3 =	vadd.bf16 v3, v8;
	v4 =	vld [tilespmem:s11+$0x30]  }
0x169: {  	s14 =	sadd.s32 $0x100, s14;
	v8 =	vld [tilespmem:s20+$0xFFFFE060];
	[tilespmem:s3+$0x70] =	vst v1  }
0x16a: {  	s30 =	sadd.s32 $0x2, s30;
	v0 =	vadd.bf16 v0, v6;
	[tilespmem:s14+$0x0] =	vst v3;
	v1 =	vld [tilespmem:s20+$0x60]  }
0x16b: {  	p0 =	slt.u32 s30, $0x3E;
	v3 =	vld [tilespmem:s15+$0xFFFFE090]  }
0x16c: {  	[tilespmem:s14+$0xFFFFFF80] =	vst v0;
	v0 =	vld [tilespmem:s15+$0x90];
	v5 =	vadd.bf16 v7, v5  }
0x16d: {  	v6 =	vld [tilespmem:s15+$0xFFFFE010];
	v2 =	vadd.bf16 v4, v2  }
0x16e: {  	v4 =	vld [tilespmem:s15+$0x10];
	[tilespmem:s4+$0x40] =	vst v5  }
0x16f: {  	[tilespmem:s4+$0xFFFFFFB0] =	vst v2;
	v2 =	vld [tilespmem:s11+$0xFFFFE0D0];
	v1 =	vadd.bf16 v1, v8  }
0x170: {  	v5 =	vld [tilespmem:s11+$0xD0]  }
0x171: {  	v0 =	vadd.bf16 v0, v3;
	v3 =	vld [tilespmem:s11+$0xFFFFE040];
	[tilespmem:s3+$0xFFFFFFE0] =	vst v1  }
0x172: {  	v1 =	vld [tilespmem:s11+$0x40]  }
0x173: {  	v4 =	vadd.bf16 v4, v6;
	[tilespmem:s14+$0x10] =	vst v0;
	v0 =	vld [tilespmem:s20+$0xFFFFE070]  }
0x174: {  	v6 =	vld [tilespmem:s15+$0xFFFFE0A0]  }
0x175: {  	[tilespmem:s14+$0xFFFFFF90] =	vst v4;
	v4 =	vld [tilespmem:s15+$0xA0];
	v2 =	vadd.bf16 v5, v2  }
0x176: {  	v5 =	vld [tilespmem:s15+$0xFFFFE020]  }
0x177: {  	v7 =	vld [tilespmem:s15+$0x20];
	v1 =	vadd.bf16 v1, v3;
	[tilespmem:s4+$0x50] =	vst v2  }
0x178: {  	v2 =	vld [tilespmem:s11+$0xFFFFE0E0]  }
0x179: {  	[tilespmem:s4+$0xFFFFFFC0] =	vst v1;
	v8 =	vld [tilespmem:s11+$0xE0]  }
0x17a: {  	v1 =	vadd.bf16 v4, v6;
	v3 =	vld [tilespmem:s11+$0xFFFFE050]  }
.Ltmp1:
0x17b: {  	v4 =	vld [tilespmem:s11+$0x50];
	(pc) =	sbr.rel @p0 .LBB2_5-.Ltmp1, $4  }
0x17c: {  	v5 =	vadd.bf16 v7, v5;
	[tilespmem:s14+$0x20] =	vst v1;
	v1 =	vld [tilespmem:s20+$0x70];
	s20 =	smov.u32 s11;
	s11 =	smov.u32 s15  }
0x17d: {  	v6 =	vld [tilespmem:s15+$0xFFFFE0B0]  }
0x17e: {  	[tilespmem:s14+$0xFFFFFFA0] =	vst v5;
	v7 =	vld [tilespmem:s15+$0xB0];
	v5 =	vadd.bf16 v8, v2  }
0x17f: {  	s15 =	sadd.s32 $0x100, s15;
	v2 =	vld [tilespmem:s11+$0xFFFFE030]  }
0x180: {  	v8 =	vld [tilespmem:s11+$0x30];
	_ =	sdelay $0x2  }
0x181: {  	v6 =	vadd.bf16 v7, v6;
	_ =	sdelay $0x1  }
0x182: {  	[tilespmem:s14+$0x30] =	vst v6;
	v2 =	vadd.bf16 v8, v2  }
0x183: {  	v6 =	vld [tilespmem:s11+$0xFFFFE0C0]  }
0x184: {  	v17 =	vld [tilespmem:s11+$0xC0];
	[tilespmem:s14+$0xFFFFFFB0] =	vst v2  }
0x185: {  	v2 =	vld [tilespmem:s11+$0xFFFFE040]  }
0x186: {  	v18 =	vld [tilespmem:s11+$0x40];
	_ =	sdelay $0x2  }
0x187: {  	v6 =	vadd.bf16 v17, v6;
	_ =	sdelay $0x1  }
0x188: {  	[tilespmem:s14+$0x40] =	vst v6;
	v2 =	vadd.bf16 v18, v2  }
0x189: {  	v6 =	vld [tilespmem:s11+$0xFFFFE0D0]  }
0x18a: {  	v19 =	vld [tilespmem:s11+$0xD0];
	[tilespmem:s14+$0xFFFFFFC0] =	vst v2  }
0x18b: {  	v2 =	vld [tilespmem:s11+$0xFFFFE050]  }
0x18c: {  	v20 =	vld [tilespmem:s11+$0x50]  }
0x18d: {  	v3 =	vadd.bf16 v4, v3;
	_ =	sdelay $0x1  }
0x18e: {  	[tilespmem:s4+$0xFFFFFFD0] =	vst v3;
	v21 =	vadd.bf16 v19, v6  }
0x18f: {  	v22 =	vld [tilespmem:s20+$0xFFFFE060]  }
0x190: {  	v23 =	vld [tilespmem:s20+$0x60];
	[tilespmem:s14+$0x50] =	vst v21;
	v2 =	vadd.bf16 v20, v2  }
0x191: {  	v3 =	vld [tilespmem:s11+$0xFFFFE0E0]  }
0x192: {  	v24 =	vld [tilespmem:s11+$0xE0];
	[tilespmem:s14+$0xFFFFFFD0] =	vst v2  }
0x193: {  	v2 =	vld [tilespmem:s11+$0xFFFFE060]  }
0x194: {  	v25 =	vld [tilespmem:s11+$0x60]  }
0x195: {  	[tilespmem:s4+$0x60] =	vst v5;
	v4 =	vadd.bf16 v23, v22  }
0x196: {  	v5 =	vld [tilespmem:s20+$0xFFFFE0F0]  }
0x197: {  	v26 =	vld [tilespmem:s20+$0xF0];
	[tilespmem:s4+$0xFFFFFFE0] =	vst v4;
	v3 =	vadd.bf16 v24, v3  }
0x198: {  	v4 =	vld [tilespmem:s20+$0xFFFFE070]  }
0x199: {  	v27 =	vld [tilespmem:s20+$0x70];
	[tilespmem:s14+$0x60] =	vst v3;
	v2 =	vadd.bf16 v25, v2  }
0x19a: {  	v3 =	vld [tilespmem:s11+$0xFFFFE0F0]  }
0x19b: {  	v28 =	vld [tilespmem:s11+$0xF0];
	[tilespmem:s14+$0xFFFFFFE0] =	vst v2  }
0x19c: {  	v2 =	vld [tilespmem:s11+$0xFFFFE070]  }
0x19d: {  	v9 =	vld [tilespmem:s11+$0x70]  }
0x19e: {  	v0 =	vadd.bf16 v1, v0  }
0x19f: {  	v29 =	vadd.bf16 v26, v5  }
0x1a0: {  	[tilespmem:s3+$0xFFFFFFF0] =	vst v0;
	v30 =	vadd.bf16 v27, v4  }
0x1a1: {  	[tilespmem:s4+$0x70] =	vst v29;
	v31 =	vadd.bf16 v28, v3  }
0x1a2: {  	[tilespmem:s4+$0xFFFFFFF0] =	vst v30;
	v32 =	vadd.bf16 v9, v2  }
0x1a3: {  	[tilespmem:s14+$0x70] =	vst v31  }
0x1a4: {  	[tilespmem:s14+$0xFFFFFFF0] =	vst v32  }
0x1a5: {  	v0 =	vld [tilespmem:s2+$0x0]  }
0x1a6: {  	v1 =	vld [tilespmem:s2+$0x40];
	_ =	sdelay $0x6  }
0x1a7: {  	v33 =	vld.idx.msk [tilespmem:v0+s16+$0x0], $0xffff  }
0x1a8: {  	v34 =	vld.idx.msk [tilespmem:v1+s16+$0x0], $0xffff  }
0x1a9: {  	v35 =	vld.idx.msk [tilespmem:v0+s17+$0x0], $0xffff  }
0x1aa: {  	v36 =	vld.idx.msk [tilespmem:v1+s17+$0x0], $0xffff  }
0x1ab: {  	v0 =	vld.idx.msk [tilespmem:v0+s18+$0x0], $0xffff  }
0x1ac: {  	v1 =	vld.idx.msk [tilespmem:v1+s18+$0x0], $0xffff;
	_ =	sdelay $0x2  }
0x1ad: {  	v2 =	vsub.f32 v33, v34;
	v37 =	vsub.f32 v35, v36;
	_ =	sdelay $0x1  }
0x1ae: {  	v0 =	vsub.f32 v0, v1;
	v38 =	vmul.f32 v2, v2;
	v39 =	vmul.f32 v37, v37;
	_ =	sdelay $0x1  }
0x1af: {  	v0 =	vmul.f32 v0, v0;
	v1 =	vadd.f32 v39, v38;
	_ =	sdelay $0x1  }
0x1b0: {  	v0 =	vadd.f32 v0, v1;
	_ =	sdelay $0x1  }
0x1b1: {  	[tilespmem:$0x13880] =	vst v0  }
0x1b2: {  	v0 =	vld [tilespmem:s2+$0x10]  }
0x1b3: {  	v40 =	vld [tilespmem:s2+$0x50];
	_ =	sdelay $0x6  }
0x1b4: {  	v41 =	vld.idx.msk [tilespmem:v0+s16+$0x0], $0xffff  }
0x1b5: {  	v42 =	vld.idx.msk [tilespmem:v40+s16+$0x0], $0xffff  }
0x1b6: {  	v43 =	vld.idx.msk [tilespmem:v0+s17+$0x0], $0xffff  }
0x1b7: {  	v44 =	vld.idx.msk [tilespmem:v40+s17+$0x0], $0xffff  }
0x1b8: {  	v0 =	vld.idx.msk [tilespmem:v0+s18+$0x0], $0xffff  }
0x1b9: {  	v1 =	vld.idx.msk [tilespmem:v40+s18+$0x0], $0xffff;
	_ =	sdelay $0x2  }
0x1ba: {  	v2 =	vsub.f32 v41, v42;
	v45 =	vsub.f32 v43, v44;
	_ =	sdelay $0x1  }
0x1bb: {  	v0 =	vsub.f32 v0, v1;
	v46 =	vmul.f32 v2, v2;
	v47 =	vmul.f32 v45, v45;
	_ =	sdelay $0x1  }
0x1bc: {  	v0 =	vmul.f32 v0, v0;
	v1 =	vadd.f32 v47, v46;
	_ =	sdelay $0x1  }
0x1bd: {  	v0 =	vadd.f32 v0, v1;
	_ =	sdelay $0x1  }
0x1be: {  	[tilespmem:$0x13890] =	vst v0  }
0x1bf: {  	v0 =	vld [tilespmem:s2+$0x20]  }
0x1c0: {  	v48 =	vld [tilespmem:s2+$0x60];
	_ =	sdelay $0x6  }
0x1c1: {  	v49 =	vld.idx.msk [tilespmem:v0+s16+$0x0], $0xffff  }
0x1c2: {  	v50 =	vld.idx.msk [tilespmem:v48+s16+$0x0], $0xffff  }
0x1c3: {  	v51 =	vld.idx.msk [tilespmem:v0+s17+$0x0], $0xffff  }
0x1c4: {  	v52 =	vld.idx.msk [tilespmem:v48+s17+$0x0], $0xffff  }
0x1c5: {  	v0 =	vld.idx.msk [tilespmem:v0+s18+$0x0], $0xffff  }
0x1c6: {  	v1 =	vld.idx.msk [tilespmem:v48+s18+$0x0], $0xffff;
	_ =	sdelay $0x2  }
0x1c7: {  	v2 =	vsub.f32 v49, v50;
	v53 =	vsub.f32 v51, v52;
	_ =	sdelay $0x1  }
0x1c8: {  	v0 =	vsub.f32 v0, v1;
	v54 =	vmul.f32 v2, v2;
	v55 =	vmul.f32 v53, v53;
	_ =	sdelay $0x1  }
0x1c9: {  	v0 =	vmul.f32 v0, v0;
	v1 =	vadd.f32 v55, v54;
	_ =	sdelay $0x1  }
0x1ca: {  	v0 =	vadd.f32 v0, v1;
	_ =	sdelay $0x1  }
0x1cb: {  	[tilespmem:$0x138A0] =	vst v0  }
0x1cc: {  	v0 =	vld [tilespmem:s2+$0x30]  }
0x1cd: {  	v56 =	vld [tilespmem:s2+$0x70];
	_ =	sdelay $0x6  }
0x1ce: {  	v57 =	vld.idx.msk [tilespmem:v0+s16+$0x0], $0xffff  }
0x1cf: {  	v58 =	vld.idx.msk [tilespmem:v56+s16+$0x0], $0xffff  }
0x1d0: {  	v59 =	vld.idx.msk [tilespmem:v0+s17+$0x0], $0xffff  }
0x1d1: {  	v60 =	vld.idx.msk [tilespmem:v56+s17+$0x0], $0xffff  }
0x1d2: {  	v0 =	vld.idx.msk [tilespmem:v0+s18+$0x0], $0xffff  }
0x1d3: {  	v1 =	vld.idx.msk [tilespmem:v56+s18+$0x0], $0xffff;
	_ =	sdelay $0x2  }
0x1d4: {  	v2 =	vsub.f32 v57, v58;
	v61 =	vsub.f32 v59, v60;
	_ =	sdelay $0x1  }
0x1d5: {  	v0 =	vsub.f32 v0, v1;
	v62 =	vmul.f32 v2, v2;
	v63 =	vmul.f32 v61, v61;
	_ =	sdelay $0x1  }
0x1d6: {  	v0 =	vmul.f32 v0, v0;
	v1 =	vadd.f32 v63, v62  }
0x1d7: {  	s0 =	sadd.s32 $0x1, s0  }
0x1d8: {  	p0 =	sne.s32 s0, s10;
	s20 =	sadd.s32 s8, s5;
	v0 =	vadd.f32 v0, v1  }
.Ltmp2:
0x1d9: {  	s30 =	sshll.u32 s20, $0xA;
	(pc) =	sbr.rel @p0 .LBB2_2-.Ltmp2, $4  }
0x1da: {  	s3 =	sadd.s32 s9, s30;
	s2 =	sshll.u32 s20, $0x3;
	[tilespmem:$0x138B0] =	vst v0  }
0x1db: {  	[hbm4b:s3+s7] =	stream.linear.scatter [tilespmem:s28], [sflag:$0x4], $0x2000, $0x38;
	[tilespmem:$0x1B100] =	vst v63  }
0x1dc: {  	s2 =	sadd.s32 s6, s2  }
0x1dd: {  	[hbm4b:s2+s7] =	stream.linear.scatter [tilespmem:s29], [sflag:$0x4], $0x40, $0x38;
	[tilespmem:$0x1B100] =	vst v63  }
0x1de: {  	s2 =	simm.s32 $0x4  }
0x1df: {  	_ =	swait.ge [sflag:s2], $0x2000  }
0x1e0: {  	[sflag:s2] =	ssyncset.done $0x0  }
0x1e1: {  	[sflag:s2] =	ssyncadd.s32 $0xFFFFE000  }
0x1e2: {  	_ =	swait.ge [sflag:s2], $0x40  }
0x1e3: {  	s31 =	sadd.s32 $0x1, s31;
	s0 =	rddreg [dreg:$0x9]  }
0x1e4: {  	p0 =	sne.s32 s31, s0  }
.Ltmp3:
0x1e5: {  	_ = 	snop;
	(pc) =	sbr.rel @p0 .LBB2_1-.Ltmp3, $3  }
0x1e6: {  	_ =	sdelay $0x1  }
0x1e7: {  	[sflag:s2] =	ssyncset.done $0x0  }
0x1e8: {  	[sflag:s2] =	ssyncadd.s32 $0xFFFFFFC0  }
0x1e9: {  	_ =	sfence.sel $0x180000  }
0x1ea: {  	[bflag:$0x0] =	sbarrier.arrive $0xFFFF  }
0x1eb: {  	_ =	strace $0x90000047  }
0x1ec: {  	s0 =	stileid.u32;
	[bflag:$0x2] =	sbarrier.arrive $0xFFFF  }
0x1ed: {  	p0 =	sne.s32 s0, $0x0;
	s0 =	rddreg [dreg:$0x7]  }
0x1ee: {  	s0 =	sadd.s32 @!p0 $0x100000, s0  }
0x1ef: {  	[sflag:s0] =	ssyncadd.tile.s32 @!p0 $0x1;
	_ =	shalt  }
.Lfunc_end2:
_tile_overlayer_lowered:
.L_overlay_start_2:
0x1f0: {  	(tag) =	ssettag $0x2  }
0x1f1: {  	s0 =	rddreg [dreg:$0x0];
	s2 =	stileid.u32  }
0x1f2: {  	s1 =	rddreg [dreg:$0x1];
	p0 =	sne.s32 s2, $0x0  }
0x1f3: {  	s3 =	rddreg [dreg:$0x2];
	[bflag:$0x3] =	sbarrier.arrive $0xFFFF;
	s2 =	simm.s32 @!p0 $0x1C05  }
0x1f4: {  	[timem:s3], [sflag:s2] =	dma.local @!p0 [hbm:s0], s1  }
0x1f5: {  	s0 =	simm.s32 @!p0 $0x5  }
0x1f6: {  	_ =	swait.ge @!p0 [sflag:s0], s1  }
0x1f7: {  	s1 =	ssub.s32 @!p0 $0x0, s1;
	[sflag:s0] =	ssyncset.done @!p0 $0x0  }
0x1f8: {  	[sflag:s0] =	ssyncadd.s32 @!p0 s1  }
0x1f9: {  	[bflag:$0x3] =	sbarrier.arrive $0xFFFF  }
0x1fa: {  	_ =	shalt  }

</sc_bundles>
